<compile_context>
chip_gen: v7x
topology: tpu7x:2x2x1
jax: 0.10.2.dev20260603
libtpu: 0.0.44.dev20260713+nightly
codegen_flags: <defaults>
</compile_context>

<pallas_src>
import functools

import jax
import jax.numpy as jnp
from jax import lax
from jax.experimental import pallas as pl
from jax.experimental.pallas import tpu as pltpu
from jax.experimental.pallas import tpu_sc as plsc

NC = 2
NS = 16
NW = NC * NS
EB = 96
LANE = 16

F32 = jnp.float32


def _sc_deg_body(dst_hbm, out_hbm, dst_v, ones_v, fill_v, deg_sh,
                 nchunks, n_pad):
    c = lax.axis_index("c")
    s = lax.axis_index("s")
    wid = s * NC + c
    rpt = n_pad // NS
    one = jnp.full((LANE,), 1.0, dtype=F32)
    for k in range(rpt // LANE):
        fill_v[pl.ds(k * LANE, LANE)] = one
    for k in range(EB // LANE):
        ones_v[pl.ds(k * LANE, LANE)] = one
    pltpu.sync_copy(fill_v, deg_sh.at[pl.ds(s * rpt, rpt)])
    pltpu.sync_copy(dst_hbm.at[wid], dst_v)
    plsc.subcore_barrier()

    def body(j, carry):
        pltpu.sync_copy(ones_v, deg_sh.at[dst_v.at[j]], add=True)
        return carry

    lax.fori_loop(0, nchunks, body, 0)
    plsc.subcore_barrier()
    pltpu.sync_copy(deg_sh.at[pl.ds(s * rpt, rpt)],
                    out_hbm.at[c, pl.ds(s * rpt, rpt)])


def _sc_scatter_body(hp_hbm, src_hbm, dst_hbm, out_hbm,
                     src_v, dst_v, rows_v, acc_sh, sem0, sem1,
                     nchunks, n_pad):
    c = lax.axis_index("c")
    s = lax.axis_index("s")
    wid = s * NC + c
    rpt = n_pad // NS
    r0 = s * rpt
    pltpu.sync_copy(hp_hbm.at[pl.ds(r0, rpt)], acc_sh.at[pl.ds(r0, rpt)])
    pltpu.sync_copy(src_hbm.at[wid], src_v)
    pltpu.sync_copy(dst_hbm.at[wid], dst_v)
    plsc.subcore_barrier()

    def sgather(j, buf, sem):
        return pltpu.make_async_copy(
            hp_hbm.at[src_v.at[pl.ds(j * EB, EB)]], rows_v.at[buf], sem)

    sgather(0, 0, sem0).start()
    sgather(1, 1, sem1).start()

    def body(jj, carry):
        j0 = 2 * jj
        sgather(j0, 0, sem0).wait()
        pltpu.sync_copy(rows_v.at[0], acc_sh.at[dst_v.at[j0]], add=True)
        sgather(j0 + 2, 0, sem0).start()
        sgather(j0 + 1, 1, sem1).wait()
        pltpu.sync_copy(rows_v.at[1], acc_sh.at[dst_v.at[j0 + 1]], add=True)
        sgather(j0 + 3, 1, sem1).start()
        return carry

    npairs = (nchunks - 2) // 2
    lax.fori_loop(0, npairs, body, 0)
    jt = 2 * npairs
    sgather(jt, 0, sem0).wait()
    pltpu.sync_copy(rows_v.at[0], acc_sh.at[dst_v.at[jt]], add=True)
    if nchunks % 2 == 1:
        sgather(jt + 2, 0, sem0).start()
    sgather(jt + 1, 1, sem1).wait()
    pltpu.sync_copy(rows_v.at[1], acc_sh.at[dst_v.at[jt + 1]], add=True)
    if nchunks % 2 == 1:
        sgather(jt + 2, 0, sem0).wait()
        pltpu.sync_copy(rows_v.at[0], acc_sh.at[dst_v.at[jt + 2]], add=True)

    plsc.subcore_barrier()
    pltpu.sync_copy(acc_sh.at[pl.ds(r0, rpt)],
                    out_hbm.at[c, pl.ds(r0, rpt)])


def _make_sc_deg(nchunks, n_pad):
    mesh = plsc.VectorSubcoreMesh(core_axis_name="c", subcore_axis_name="s",
                                  num_cores=NC, num_subcores=NS)
    return pl.kernel(
        functools.partial(_sc_deg_body, nchunks=nchunks, n_pad=n_pad),
        out_type=jax.ShapeDtypeStruct((NC, n_pad), F32),
        mesh=mesh,
        scratch_types=[
            pltpu.VMEM((nchunks, EB), jnp.int32),
            pltpu.VMEM((EB,), F32),
            pltpu.VMEM((n_pad // NS,), F32),
            pltpu.VMEM_SHARED((n_pad,), F32),
        ],
    )


def _make_sc_scatter(nchunks, n_pad, d):
    mesh = plsc.VectorSubcoreMesh(core_axis_name="c", subcore_axis_name="s",
                                  num_cores=NC, num_subcores=NS)
    return pl.kernel(
        functools.partial(_sc_scatter_body, nchunks=nchunks, n_pad=n_pad),
        out_type=jax.ShapeDtypeStruct((NC, n_pad, d), F32),
        mesh=mesh,
        scratch_types=[
            pltpu.VMEM((nchunks * EB,), jnp.int32),
            pltpu.VMEM((nchunks, EB), jnp.int32),
            pltpu.VMEM((2, EB, d), F32),
            pltpu.VMEM_SHARED((n_pad, d), F32),
            pltpu.SemaphoreType.DMA,
            pltpu.SemaphoreType.DMA,
        ],
    )


def _tc_matmul_body(x_ref, w_ref, h_ref):
    h_ref[...] = jnp.dot(x_ref[...], w_ref[...], preferred_element_type=F32)


def _tc_scale_body(h_ref, deg_ref, dinv_ref, hp_ref):
    deg = deg_ref[0] + deg_ref[1] - 1.0
    dv = lax.rsqrt(deg)
    dinv_ref[...] = dv
    hp_ref[...] = h_ref[...] * dv


def _tc_mid_body(p_ref, hp_ref, dinv_ref, b_ref, w_ref, xk_ref, hn_ref):
    dv = dinv_ref[...]
    xk = dv * (p_ref[0] + p_ref[1] - hp_ref[...]) + b_ref[...]
    xk_ref[...] = xk
    hn_ref[...] = jnp.dot(xk, w_ref[...], preferred_element_type=F32) * dv


def _tc_final_body(p_ref, hp_ref, dinv_ref, b_ref,
                   x_ref, x1_ref, x2_ref, wl_ref, bl_ref,
                   hcat_ref, pred_ref):
    dv = dinv_ref[...]
    x3 = dv * (p_ref[0] + p_ref[1] - hp_ref[...]) + b_ref[...]
    hcat = jnp.concatenate([x_ref[...], x1_ref[...], x2_ref[...], x3], axis=-1)
    hcat_ref[...] = hcat
    pred_ref[...] = (jnp.dot(hcat, wl_ref[...], preferred_element_type=F32)
                     + bl_ref[...])


def _row_spec(rb, cols):
    return pl.BlockSpec((rb, cols), lambda i: (i, 0))


def _p_spec(rb, cols):
    return pl.BlockSpec((2, rb, cols), lambda i: (0, i, 0))


def _bcast_spec(rows, cols):
    return pl.BlockSpec((rows, cols), lambda i: (0, 0))


def _tc_matmul(x, w, n, d, rb):
    grid = (n // rb,)
    return pl.pallas_call(
        _tc_matmul_body,
        grid=grid,
        in_specs=[_row_spec(rb, d), _bcast_spec(d, d)],
        out_specs=_row_spec(rb, d),
        out_shape=jax.ShapeDtypeStruct((n, d), F32),
    )(x, w)


def _tc_scale(h, deg2, n, n_pad, d, rb):
    grid = (n // rb,)
    return pl.pallas_call(
        _tc_scale_body,
        grid=grid,
        in_specs=[_row_spec(rb, d),
                  pl.BlockSpec((2, rb, 1), lambda i: (0, i, 0))],
        out_specs=[_row_spec(rb, 1), _row_spec(rb, d)],
        out_shape=[jax.ShapeDtypeStruct((n_pad, 1), F32),
                   jax.ShapeDtypeStruct((n_pad, d), F32)],
    )(h, deg2)


def _tc_mid(p, hp, dinv, b, w, n, n_pad, d, rb):
    grid = (n // rb,)
    return pl.pallas_call(
        _tc_mid_body,
        grid=grid,
        in_specs=[_p_spec(rb, d), _row_spec(rb, d),
                  _row_spec(rb, 1), _bcast_spec(1, d), _bcast_spec(d, d)],
        out_specs=[_row_spec(rb, d), _row_spec(rb, d)],
        out_shape=[jax.ShapeDtypeStruct((n_pad, d), F32),
                   jax.ShapeDtypeStruct((n_pad, d), F32)],
    )(p, hp, dinv, b, w)


def _tc_final(p, hp, dinv, b, x, x1, x2, wl, bl, n, d, c_out, rb):
    grid = (n // rb,)
    dcat = 4 * d
    return pl.pallas_call(
        _tc_final_body,
        grid=grid,
        in_specs=[_p_spec(rb, d), _row_spec(rb, d),
                  _row_spec(rb, 1), _bcast_spec(1, d),
                  _row_spec(rb, d), _row_spec(rb, d), _row_spec(rb, d),
                  _bcast_spec(dcat, c_out), _bcast_spec(1, c_out)],
        out_specs=[_row_spec(rb, dcat), _row_spec(rb, c_out)],
        out_shape=[jax.ShapeDtypeStruct((n, dcat), F32),
                   jax.ShapeDtypeStruct((n, c_out), F32)],
    )(p, hp, dinv, b, x, x1, x2, wl, bl)


def kernel(x, edge_index, W1, b1, W2, b2, W3, b3, Wlin, blin):
    n, d = x.shape
    c_out = Wlin.shape[1]
    e = edge_index.shape[1]

    n_pad = -(-n // (NS * 8 * NC)) * (NS * 8 * NC)
    nchunks = max(2, -(-e // (NW * EB)))
    e_pad = NW * EB * nchunks
    rb = 1000
    assert n % rb == 0

    src = edge_index[0]
    dst = edge_index[1]
    if e_pad > e:
        npad_e = e_pad - e
        pad_rows = n + (jnp.arange(npad_e, dtype=jnp.int32) % (n_pad - n))
        src = jnp.concatenate([src, pad_rows])
        dst = jnp.concatenate([dst, pad_rows])
    src = src.reshape(NW, nchunks * EB)
    dst = dst.reshape(NW, nchunks, EB)

    sc_deg = _make_sc_deg(nchunks, n_pad)
    sc_scatter = _make_sc_scatter(nchunks, n_pad, d)

    deg2 = sc_deg(dst)[:, :, None]

    b1r = b1[None, :]
    b2r = b2[None, :]
    b3r = b3[None, :]
    blr = blin[None, :]

    h1 = _tc_matmul(x, W1, n, d, rb)
    dinv, h1p = _tc_scale(h1, deg2, n, n_pad, d, rb)
    p = sc_scatter(h1p, src, dst)
    x1, h2p = _tc_mid(p, h1p, dinv, b1r, W2, n, n_pad, d, rb)
    p = sc_scatter(h2p, src, dst)
    x2, h3p = _tc_mid(p, h2p, dinv, b2r, W3, n, n_pad, d, rb)
    p = sc_scatter(h3p, src, dst)
    hcat, pred = _tc_final(p, h3p, dinv, b3r, x, x1, x2,
                           Wlin, blr, n, d, c_out, rb)
    return (pred, hcat)

# --- scband reference (transcript-rebuilt; emitter-appended) ---
"""Pipeline reference for scband-multigcn-16810501996622 (READ-ONLY COPY).

The authoritative reference and input builder live on the scoring server;
editing this copy changes nothing except your own understanding.
"""

import jax, jax.numpy as jnp
import numpy as np

N = 10000
E = 320000
D = 128
C = 64


def gcn_conv(x, edge_index, W, b):
    # Faithful PyG GCNConv: linear (no bias), add self-loops, sym-normalize, scatter-add, add bias
    n = x.shape[0]
    src = edge_index[0]
    dst = edge_index[1]
    loop = jnp.arange(n, dtype=src.dtype)
    src = jnp.concatenate([src, loop])
    dst = jnp.concatenate([dst, loop])
    deg = jnp.zeros((n,), dtype=x.dtype).at[dst].add(1.0)
    dinv = jnp.where(deg > 0, deg ** -0.5, 0.0)
    norm = dinv[src] * dinv[dst]
    h = x @ W
    msg = h[src] * norm[:, None]
    out = jnp.zeros((n, W.shape[1]), dtype=x.dtype).at[dst].add(msg)
    return out + b


def setup_inputs(seed: int = 0) -> dict:
    key = jax.random.key(seed)
    ks = jax.random.split(key, 12)
    x = jax.random.normal(ks[0], (N, D), dtype=jnp.float32)
    edge_index = jax.random.randint(ks[1], (2, E), 0, N, dtype=jnp.int32)
    s = 1.0 / np.sqrt(D)
    W1 = jax.random.normal(ks[2], (D, D), dtype=jnp.float32) * s
    b1 = jnp.zeros((D,), dtype=jnp.float32)
    W2 = jax.random.normal(ks[3], (D, D), dtype=jnp.float32) * s
    b2 = jnp.zeros((D,), dtype=jnp.float32)
    W3 = jax.random.normal(ks[4], (D, D), dtype=jnp.float32) * s
    b3 = jnp.zeros((D,), dtype=jnp.float32)
    d_cat = D + D * 3
    Wlin = jax.random.normal(ks[5], (d_cat, C), dtype=jnp.float32) * (1.0 / np.sqrt(d_cat))
    blin = jnp.zeros((C,), dtype=jnp.float32)
    return {"x": x, "edge_index": edge_index, "W1": W1, "b1": b1, "W2": W2, "b2": b2, "W3": W3, "b3": b3, "Wlin": Wlin, "blin": blin}


def reference(x, edge_index, W1, b1, W2, b2, W3, b3, Wlin, blin):
    xs = [x]
    for (W, b) in [(W1, b1), (W2, b2), (W3, b3)]:
        xs.append(gcn_conv(xs[-1], edge_index, W, b))
    h_unmasked = jnp.concatenate(xs, axis=-1)
    predicted_labels = h_unmasked @ Wlin + blin
    return (predicted_labels, h_unmasked)

if __name__ == "__main__":
    import jax
    _d = setup_inputs()
    print(jax.jit(kernel)(*tuple(_d.values())))

</pallas_src>

<mosaic_0001>
#map = affine_map<(d0, d1) -> (0, 0, 0)>
#map1 = affine_map<(d0, d1) -> (0, 0)>
module attributes {stable_mosaic.version = 14 : i64} {
  func.func @_sc_deg_body(%arg0: i32, %arg1: i32, %arg2: memref<32x105x96xi32, #tpu.memory_space<hbm>>, %arg3: memref<2x10240xf32, #tpu.memory_space<hbm>>, %arg4: memref<105x96xi32, #tpu.memory_space<vmem>>, %arg5: memref<96xf32, #tpu.memory_space<vmem>>, %arg6: memref<640xf32, #tpu.memory_space<vmem>>, %arg7: memref<10240xf32, #tpu.memory_space<vmem_shared>>) attributes {dimension_semantics = [#tpu.dimension_semantics<core_parallel>, #tpu.dimension_semantics<subcore_parallel>], iteration_bounds = array<i64: 2, 16>, scalar_prefetch = 0 : i64, scratch_operands = 4 : i64, tpu.core_type = #tpu.core_type<sc_vector_subcore>, window_params = [{transform_indices = #map}, {transform_indices = #map1}]} {
    %mul3A = arith.constant 2 : i32
    %mul3A_0 = arith.muli %arg1, %mul3A : i32
    %add3A = arith.addi %mul3A_0, %arg0 : i32
    %broadcast_in_dim3A = arith.constant 1.000000e+00 : f32
    %broadcast_in_dim3A_1 = vector.broadcast %broadcast_in_dim3A : f32 to vector<16xf32>
    %swap3A = arith.constant 0 : index
    %swap3A_2 = tpu.vector_load %arg6[%swap3A] {strides = array<i32>} : memref<640xf32, #tpu.memory_space<vmem>>, vector<16xf32>,
    %swap3A_3 = vector.shape_cast %swap3A_2 : vector<16xf32> to vector<16xf32>
    %swap3A_4 = vector.shape_cast %broadcast_in_dim3A_1 : vector<16xf32> to vector<16xf32>
    tpu.vector_store %arg6[%swap3A], %swap3A_4 {strides = array<i32>} : memref<640xf32, #tpu.memory_space<vmem>>, vector<16xf32>,
    %swap3A_5 = arith.constant 16 : index
    %swap3A_6 = tpu.vector_load %arg6[%swap3A_5] {strides = array<i32>} : memref<640xf32, #tpu.memory_space<vmem>>, vector<16xf32>,
    %swap3A_7 = vector.shape_cast %swap3A_6 : vector<16xf32> to vector<16xf32>
    %swap3A_8 = vector.shape_cast %broadcast_in_dim3A_1 : vector<16xf32> to vector<16xf32>
    tpu.vector_store %arg6[%swap3A_5], %swap3A_8 {strides = array<i32>} : memref<640xf32, #tpu.memory_space<vmem>>, vector<16xf32>,
    %swap3A_9 = arith.constant 32 : index
    %swap3A_10 = tpu.vector_load %arg6[%swap3A_9] {strides = array<i32>} : memref<640xf32, #tpu.memory_space<vmem>>, vector<16xf32>,
    %swap3A_11 = vector.shape_cast %swap3A_10 : vector<16xf32> to vector<16xf32>
    %swap3A_12 = vector.shape_cast %broadcast_in_dim3A_1 : vector<16xf32> to vector<16xf32>
    tpu.vector_store %arg6[%swap3A_9], %swap3A_12 {strides = array<i32>} : memref<640xf32, #tpu.memory_space<vmem>>, vector<16xf32>,
    %swap3A_13 = arith.constant 48 : index
    %swap3A_14 = tpu.vector_load %arg6[%swap3A_13] {strides = array<i32>} : memref<640xf32, #tpu.memory_space<vmem>>, vector<16xf32>,
    %swap3A_15 = vector.shape_cast %swap3A_14 : vector<16xf32> to vector<16xf32>
    %swap3A_16 = vector.shape_cast %broadcast_in_dim3A_1 : vector<16xf32> to vector<16xf32>
    tpu.vector_store %arg6[%swap3A_13], %swap3A_16 {strides = array<i32>} : memref<640xf32, #tpu.memory_space<vmem>>, vector<16xf32>,
    %swap3A_17 = arith.constant 64 : index
    %swap3A_18 = tpu.vector_load %arg6[%swap3A_17] {strides = array<i32>} : memref<640xf32, #tpu.memory_space<vmem>>, vector<16xf32>,
    %swap3A_19 = vector.shape_cast %swap3A_18 : vector<16xf32> to vector<16xf32>
    %swap3A_20 = vector.shape_cast %broadcast_in_dim3A_1 : vector<16xf32> to vector<16xf32>
    tpu.vector_store %arg6[%swap3A_17], %swap3A_20 {strides = array<i32>} : memref<640xf32, #tpu.memory_space<vmem>>, vector<16xf32>,
    %swap3A_21 = arith.constant 80 : index
    %swap3A_22 = tpu.vector_load %arg6[%swap3A_21] {strides = array<i32>} : memref<640xf32, #tpu.memory_space<vmem>>, vector<16xf32>,
    %swap3A_23 = vector.shape_cast %swap3A_22 : vector<16xf32> to vector<16xf32>
    %swap3A_24 = vector.shape_cast %broadcast_in_dim3A_1 : vector<16xf32> to vector<16xf32>
    tpu.vector_store %arg6[%swap3A_21], %swap3A_24 {strides = array<i32>} : memref<640xf32, #tpu.memory_space<vmem>>, vector<16xf32>,
    %swap3A_25 = arith.constant 96 : index
    %swap3A_26 = tpu.vector_load %arg6[%swap3A_25] {strides = array<i32>} : memref<640xf32, #tpu.memory_space<vmem>>, vector<16xf32>,
    %swap3A_27 = vector.shape_cast %swap3A_26 : vector<16xf32> to vector<16xf32>
    %swap3A_28 = vector.shape_cast %broadcast_in_dim3A_1 : vector<16xf32> to vector<16xf32>
    tpu.vector_store %arg6[%swap3A_25], %swap3A_28 {strides = array<i32>} : memref<640xf32, #tpu.memory_space<vmem>>, vector<16xf32>,
    %swap3A_29 = arith.constant 112 : index
    %swap3A_30 = tpu.vector_load %arg6[%swap3A_29] {strides = array<i32>} : memref<640xf32, #tpu.memory_space<vmem>>, vector<16xf32>,
    %swap3A_31 = vector.shape_cast %swap3A_30 : vector<16xf32> to vector<16xf32>
    %swap3A_32 = vector.shape_cast %broadcast_in_dim3A_1 : vector<16xf32> to vector<16xf32>
    tpu.vector_store %arg6[%swap3A_29], %swap3A_32 {strides = array<i32>} : memref<640xf32, #tpu.memory_space<vmem>>, vector<16xf32>,
    %swap3A_33 = arith.constant 128 : index
    %swap3A_34 = tpu.vector_load %arg6[%swap3A_33] {strides = array<i32>} : memref<640xf32, #tpu.memory_space<vmem>>, vector<16xf32>,
    %swap3A_35 = vector.shape_cast %swap3A_34 : vector<16xf32> to vector<16xf32>
    %swap3A_36 = vector.shape_cast %broadcast_in_dim3A_1 : vector<16xf32> to vector<16xf32>
    tpu.vector_store %arg6[%swap3A_33], %swap3A_36 {strides = array<i32>} : memref<640xf32, #tpu.memory_space<vmem>>, vector<16xf32>,
    %swap3A_37 = arith.constant 144 : index
    %swap3A_38 = tpu.vector_load %arg6[%swap3A_37] {strides = array<i32>} : memref<640xf32, #tpu.memory_space<vmem>>, vector<16xf32>,
    %swap3A_39 = vector.shape_cast %swap3A_38 : vector<16xf32> to vector<16xf32>
    %swap3A_40 = vector.shape_cast %broadcast_in_dim3A_1 : vector<16xf32> to vector<16xf32>
    tpu.vector_store %arg6[%swap3A_37], %swap3A_40 {strides = array<i32>} : memref<640xf32, #tpu.memory_space<vmem>>, vector<16xf32>,
    %swap3A_41 = arith.constant 160 : index
    %swap3A_42 = tpu.vector_load %arg6[%swap3A_41] {strides = array<i32>} : memref<640xf32, #tpu.memory_space<vmem>>, vector<16xf32>,
    %swap3A_43 = vector.shape_cast %swap3A_42 : vector<16xf32> to vector<16xf32>
    %swap3A_44 = vector.shape_cast %broadcast_in_dim3A_1 : vector<16xf32> to vector<16xf32>
    tpu.vector_store %arg6[%swap3A_41], %swap3A_44 {strides = array<i32>} : memref<640xf32, #tpu.memory_space<vmem>>, vector<16xf32>,
    %swap3A_45 = arith.constant 176 : index
    %swap3A_46 = tpu.vector_load %arg6[%swap3A_45] {strides = array<i32>} : memref<640xf32, #tpu.memory_space<vmem>>, vector<16xf32>,
    %swap3A_47 = vector.shape_cast %swap3A_46 : vector<16xf32> to vector<16xf32>
    %swap3A_48 = vector.shape_cast %broadcast_in_dim3A_1 : vector<16xf32> to vector<16xf32>
    tpu.vector_store %arg6[%swap3A_45], %swap3A_48 {strides = array<i32>} : memref<640xf32, #tpu.memory_space<vmem>>, vector<16xf32>,
    %swap3A_49 = arith.constant 192 : index
    %swap3A_50 = tpu.vector_load %arg6[%swap3A_49] {strides = array<i32>} : memref<640xf32, #tpu.memory_space<vmem>>, vector<16xf32>,
    %swap3A_51 = vector.shape_cast %swap3A_50 : vector<16xf32> to vector<16xf32>
    %swap3A_52 = vector.shape_cast %broadcast_in_dim3A_1 : vector<16xf32> to vector<16xf32>
    tpu.vector_store %arg6[%swap3A_49], %swap3A_52 {strides = array<i32>} : memref<640xf32, #tpu.memory_space<vmem>>, vector<16xf32>,
    %swap3A_53 = arith.constant 208 : index
    %swap3A_54 = tpu.vector_load %arg6[%swap3A_53] {strides = array<i32>} : memref<640xf32, #tpu.memory_space<vmem>>, vector<16xf32>,
    %swap3A_55 = vector.shape_cast %swap3A_54 : vector<16xf32> to vector<16xf32>
    %swap3A_56 = vector.shape_cast %broadcast_in_dim3A_1 : vector<16xf32> to vector<16xf32>
    tpu.vector_store %arg6[%swap3A_53], %swap3A_56 {strides = array<i32>} : memref<640xf32, #tpu.memory_space<vmem>>, vector<16xf32>,
    %swap3A_57 = arith.constant 224 : index
    %swap3A_58 = tpu.vector_load %arg6[%swap3A_57] {strides = array<i32>} : memref<640xf32, #tpu.memory_space<vmem>>, vector<16xf32>,
    %swap3A_59 = vector.shape_cast %swap3A_58 : vector<16xf32> to vector<16xf32>
    %swap3A_60 = vector.shape_cast %broadcast_in_dim3A_1 : vector<16xf32> to vector<16xf32>
    tpu.vector_store %arg6[%swap3A_57], %swap3A_60 {strides = array<i32>} : memref<640xf32, #tpu.memory_space<vmem>>, vector<16xf32>,
    %swap3A_61 = arith.constant 240 : index
    %swap3A_62 = tpu.vector_load %arg6[%swap3A_61] {strides = array<i32>} : memref<640xf32, #tpu.memory_space<vmem>>, vector<16xf32>,
    %swap3A_63 = vector.shape_cast %swap3A_62 : vector<16xf32> to vector<16xf32>
    %swap3A_64 = vector.shape_cast %broadcast_in_dim3A_1 : vector<16xf32> to vector<16xf32>
    tpu.vector_store %arg6[%swap3A_61], %swap3A_64 {strides = array<i32>} : memref<640xf32, #tpu.memory_space<vmem>>, vector<16xf32>,
    %swap3A_65 = arith.constant 256 : index
    %swap3A_66 = tpu.vector_load %arg6[%swap3A_65] {strides = array<i32>} : memref<640xf32, #tpu.memory_space<vmem>>, vector<16xf32>,
    %swap3A_67 = vector.shape_cast %swap3A_66 : vector<16xf32> to vector<16xf32>
    %swap3A_68 = vector.shape_cast %broadcast_in_dim3A_1 : vector<16xf32> to vector<16xf32>
    tpu.vector_store %arg6[%swap3A_65], %swap3A_68 {strides = array<i32>} : memref<640xf32, #tpu.memory_space<vmem>>, vector<16xf32>,
    %swap3A_69 = arith.constant 272 : index
    %swap3A_70 = tpu.vector_load %arg6[%swap3A_69] {strides = array<i32>} : memref<640xf32, #tpu.memory_space<vmem>>, vector<16xf32>,
    %swap3A_71 = vector.shape_cast %swap3A_70 : vector<16xf32> to vector<16xf32>
    %swap3A_72 = vector.shape_cast %broadcast_in_dim3A_1 : vector<16xf32> to vector<16xf32>
    tpu.vector_store %arg6[%swap3A_69], %swap3A_72 {strides = array<i32>} : memref<640xf32, #tpu.memory_space<vmem>>, vector<16xf32>,
    %swap3A_73 = arith.constant 288 : index
    %swap3A_74 = tpu.vector_load %arg6[%swap3A_73] {strides = array<i32>} : memref<640xf32, #tpu.memory_space<vmem>>, vector<16xf32>,
    %swap3A_75 = vector.shape_cast %swap3A_74 : vector<16xf32> to vector<16xf32>
    %swap3A_76 = vector.shape_cast %broadcast_in_dim3A_1 : vector<16xf32> to vector<16xf32>
    tpu.vector_store %arg6[%swap3A_73], %swap3A_76 {strides = array<i32>} : memref<640xf32, #tpu.memory_space<vmem>>, vector<16xf32>,
    %swap3A_77 = arith.constant 304 : index
    %swap3A_78 = tpu.vector_load %arg6[%swap3A_77] {strides = array<i32>} : memref<640xf32, #tpu.memory_space<vmem>>, vector<16xf32>,
    %swap3A_79 = vector.shape_cast %swap3A_78 : vector<16xf32> to vector<16xf32>
    %swap3A_80 = vector.shape_cast %broadcast_in_dim3A_1 : vector<16xf32> to vector<16xf32>
    tpu.vector_store %arg6[%swap3A_77], %swap3A_80 {strides = array<i32>} : memref<640xf32, #tpu.memory_space<vmem>>, vector<16xf32>,
    %swap3A_81 = arith.constant 320 : index
    %swap3A_82 = tpu.vector_load %arg6[%swap3A_81] {strides = array<i32>} : memref<640xf32, #tpu.memory_space<vmem>>, vector<16xf32>,
    %swap3A_83 = vector.shape_cast %swap3A_82 : vector<16xf32> to vector<16xf32>
    %swap3A_84 = vector.shape_cast %broadcast_in_dim3A_1 : vector<16xf32> to vector<16xf32>
    tpu.vector_store %arg6[%swap3A_81], %swap3A_84 {strides = array<i32>} : memref<640xf32, #tpu.memory_space<vmem>>, vector<16xf32>,
    %swap3A_85 = arith.constant 336 : index
    %swap3A_86 = tpu.vector_load %arg6[%swap3A_85] {strides = array<i32>} : memref<640xf32, #tpu.memory_space<vmem>>, vector<16xf32>,
    %swap3A_87 = vector.shape_cast %swap3A_86 : vector<16xf32> to vector<16xf32>
    %swap3A_88 = vector.shape_cast %broadcast_in_dim3A_1 : vector<16xf32> to vector<16xf32>
    tpu.vector_store %arg6[%swap3A_85], %swap3A_88 {strides = array<i32>} : memref<640xf32, #tpu.memory_space<vmem>>, vector<16xf32>,
    %swap3A_89 = arith.constant 352 : index
    %swap3A_90 = tpu.vector_load %arg6[%swap3A_89] {strides = array<i32>} : memref<640xf32, #tpu.memory_space<vmem>>, vector<16xf32>,
    %swap3A_91 = vector.shape_cast %swap3A_90 : vector<16xf32> to vector<16xf32>
    %swap3A_92 = vector.shape_cast %broadcast_in_dim3A_1 : vector<16xf32> to vector<16xf32>
    tpu.vector_store %arg6[%swap3A_89], %swap3A_92 {strides = array<i32>} : memref<640xf32, #tpu.memory_space<vmem>>, vector<16xf32>,
    %swap3A_93 = arith.constant 368 : index
    %swap3A_94 = tpu.vector_load %arg6[%swap3A_93] {strides = array<i32>} : memref<640xf32, #tpu.memory_space<vmem>>, vector<16xf32>,
    %swap3A_95 = vector.shape_cast %swap3A_94 : vector<16xf32> to vector<16xf32>
    %swap3A_96 = vector.shape_cast %broadcast_in_dim3A_1 : vector<16xf32> to vector<16xf32>
    tpu.vector_store %arg6[%swap3A_93], %swap3A_96 {strides = array<i32>} : memref<640xf32, #tpu.memory_space<vmem>>, vector<16xf32>,
    %swap3A_97 = arith.constant 384 : index
    %swap3A_98 = tpu.vector_load %arg6[%swap3A_97] {strides = array<i32>} : memref<640xf32, #tpu.memory_space<vmem>>, vector<16xf32>,
    %swap3A_99 = vector.shape_cast %swap3A_98 : vector<16xf32> to vector<16xf32>
    %swap3A_100 = vector.shape_cast %broadcast_in_dim3A_1 : vector<16xf32> to vector<16xf32>
    tpu.vector_store %arg6[%swap3A_97], %swap3A_100 {strides = array<i32>} : memref<640xf32, #tpu.memory_space<vmem>>, vector<16xf32>,
    %swap3A_101 = arith.constant 400 : index
    %swap3A_102 = tpu.vector_load %arg6[%swap3A_101] {strides = array<i32>} : memref<640xf32, #tpu.memory_space<vmem>>, vector<16xf32>,
    %swap3A_103 = vector.shape_cast %swap3A_102 : vector<16xf32> to vector<16xf32>
    %swap3A_104 = vector.shape_cast %broadcast_in_dim3A_1 : vector<16xf32> to vector<16xf32>
    tpu.vector_store %arg6[%swap3A_101], %swap3A_104 {strides = array<i32>} : memref<640xf32, #tpu.memory_space<vmem>>, vector<16xf32>,
    %swap3A_105 = arith.constant 416 : index
    %swap3A_106 = tpu.vector_load %arg6[%swap3A_105] {strides = array<i32>} : memref<640xf32, #tpu.memory_space<vmem>>, vector<16xf32>,
    %swap3A_107 = vector.shape_cast %swap3A_106 : vector<16xf32> to vector<16xf32>
    %swap3A_108 = vector.shape_cast %broadcast_in_dim3A_1 : vector<16xf32> to vector<16xf32>
    tpu.vector_store %arg6[%swap3A_105], %swap3A_108 {strides = array<i32>} : memref<640xf32, #tpu.memory_space<vmem>>, vector<16xf32>,
    %swap3A_109 = arith.constant 432 : index
    %swap3A_110 = tpu.vector_load %arg6[%swap3A_109] {strides = array<i32>} : memref<640xf32, #tpu.memory_space<vmem>>, vector<16xf32>,
    %swap3A_111 = vector.shape_cast %swap3A_110 : vector<16xf32> to vector<16xf32>
    %swap3A_112 = vector.shape_cast %broadcast_in_dim3A_1 : vector<16xf32> to vector<16xf32>
    tpu.vector_store %arg6[%swap3A_109], %swap3A_112 {strides = array<i32>} : memref<640xf32, #tpu.memory_space<vmem>>, vector<16xf32>,
    %swap3A_113 = arith.constant 448 : index
    %swap3A_114 = tpu.vector_load %arg6[%swap3A_113] {strides = array<i32>} : memref<640xf32, #tpu.memory_space<vmem>>, vector<16xf32>,
    %swap3A_115 = vector.shape_cast %swap3A_114 : vector<16xf32> to vector<16xf32>
    %swap3A_116 = vector.shape_cast %broadcast_in_dim3A_1 : vector<16xf32> to vector<16xf32>
    tpu.vector_store %arg6[%swap3A_113], %swap3A_116 {strides = array<i32>} : memref<640xf32, #tpu.memory_space<vmem>>, vector<16xf32>,
    %swap3A_117 = arith.constant 464 : index
    %swap3A_118 = tpu.vector_load %arg6[%swap3A_117] {strides = array<i32>} : memref<640xf32, #tpu.memory_space<vmem>>, vector<16xf32>,
    %swap3A_119 = vector.shape_cast %swap3A_118 : vector<16xf32> to vector<16xf32>
    %swap3A_120 = vector.shape_cast %broadcast_in_dim3A_1 : vector<16xf32> to vector<16xf32>
    tpu.vector_store %arg6[%swap3A_117], %swap3A_120 {strides = array<i32>} : memref<640xf32, #tpu.memory_space<vmem>>, vector<16xf32>,
    %swap3A_121 = arith.constant 480 : index
    %swap3A_122 = tpu.vector_load %arg6[%swap3A_121] {strides = array<i32>} : memref<640xf32, #tpu.memory_space<vmem>>, vector<16xf32>,
    %swap3A_123 = vector.shape_cast %swap3A_122 : vector<16xf32> to vector<16xf32>
    %swap3A_124 = vector.shape_cast %broadcast_in_dim3A_1 : vector<16xf32> to vector<16xf32>
    tpu.vector_store %arg6[%swap3A_121], %swap3A_124 {strides = array<i32>} : memref<640xf32, #tpu.memory_space<vmem>>, vector<16xf32>,
    %swap3A_125 = arith.constant 496 : index
    %swap3A_126 = tpu.vector_load %arg6[%swap3A_125] {strides = array<i32>} : memref<640xf32, #tpu.memory_space<vmem>>, vector<16xf32>,
    %swap3A_127 = vector.shape_cast %swap3A_126 : vector<16xf32> to vector<16xf32>
    %swap3A_128 = vector.shape_cast %broadcast_in_dim3A_1 : vector<16xf32> to vector<16xf32>
    tpu.vector_store %arg6[%swap3A_125], %swap3A_128 {strides = array<i32>} : memref<640xf32, #tpu.memory_space<vmem>>, vector<16xf32>,
    %swap3A_129 = arith.constant 512 : index
    %swap3A_130 = tpu.vector_load %arg6[%swap3A_129] {strides = array<i32>} : memref<640xf32, #tpu.memory_space<vmem>>, vector<16xf32>,
    %swap3A_131 = vector.shape_cast %swap3A_130 : vector<16xf32> to vector<16xf32>
    %swap3A_132 = vector.shape_cast %broadcast_in_dim3A_1 : vector<16xf32> to vector<16xf32>
    tpu.vector_store %arg6[%swap3A_129], %swap3A_132 {strides = array<i32>} : memref<640xf32, #tpu.memory_space<vmem>>, vector<16xf32>,
    %swap3A_133 = arith.constant 528 : index
    %swap3A_134 = tpu.vector_load %arg6[%swap3A_133] {strides = array<i32>} : memref<640xf32, #tpu.memory_space<vmem>>, vector<16xf32>,
    %swap3A_135 = vector.shape_cast %swap3A_134 : vector<16xf32> to vector<16xf32>
    %swap3A_136 = vector.shape_cast %broadcast_in_dim3A_1 : vector<16xf32> to vector<16xf32>
    tpu.vector_store %arg6[%swap3A_133], %swap3A_136 {strides = array<i32>} : memref<640xf32, #tpu.memory_space<vmem>>, vector<16xf32>,
    %swap3A_137 = arith.constant 544 : index
    %swap3A_138 = tpu.vector_load %arg6[%swap3A_137] {strides = array<i32>} : memref<640xf32, #tpu.memory_space<vmem>>, vector<16xf32>,
    %swap3A_139 = vector.shape_cast %swap3A_138 : vector<16xf32> to vector<16xf32>
    %swap3A_140 = vector.shape_cast %broadcast_in_dim3A_1 : vector<16xf32> to vector<16xf32>
    tpu.vector_store %arg6[%swap3A_137], %swap3A_140 {strides = array<i32>} : memref<640xf32, #tpu.memory_space<vmem>>, vector<16xf32>,
    %swap3A_141 = arith.constant 560 : index
    %swap3A_142 = tpu.vector_load %arg6[%swap3A_141] {strides = array<i32>} : memref<640xf32, #tpu.memory_space<vmem>>, vector<16xf32>,
    %swap3A_143 = vector.shape_cast %swap3A_142 : vector<16xf32> to vector<16xf32>
    %swap3A_144 = vector.shape_cast %broadcast_in_dim3A_1 : vector<16xf32> to vector<16xf32>
    tpu.vector_store %arg6[%swap3A_141], %swap3A_144 {strides = array<i32>} : memref<640xf32, #tpu.memory_space<vmem>>, vector<16xf32>,
    %swap3A_145 = arith.constant 576 : index
    %swap3A_146 = tpu.vector_load %arg6[%swap3A_145] {strides = array<i32>} : memref<640xf32, #tpu.memory_space<vmem>>, vector<16xf32>,
    %swap3A_147 = vector.shape_cast %swap3A_146 : vector<16xf32> to vector<16xf32>
    %swap3A_148 = vector.shape_cast %broadcast_in_dim3A_1 : vector<16xf32> to vector<16xf32>
    tpu.vector_store %arg6[%swap3A_145], %swap3A_148 {strides = array<i32>} : memref<640xf32, #tpu.memory_space<vmem>>, vector<16xf32>,
    %swap3A_149 = arith.constant 592 : index
    %swap3A_150 = tpu.vector_load %arg6[%swap3A_149] {strides = array<i32>} : memref<640xf32, #tpu.memory_space<vmem>>, vector<16xf32>,
    %swap3A_151 = vector.shape_cast %swap3A_150 : vector<16xf32> to vector<16xf32>
    %swap3A_152 = vector.shape_cast %broadcast_in_dim3A_1 : vector<16xf32> to vector<16xf32>
    tpu.vector_store %arg6[%swap3A_149], %swap3A_152 {strides = array<i32>} : memref<640xf32, #tpu.memory_space<vmem>>, vector<16xf32>,
    %swap3A_153 = arith.constant 608 : index
    %swap3A_154 = tpu.vector_load %arg6[%swap3A_153] {strides = array<i32>} : memref<640xf32, #tpu.memory_space<vmem>>, vector<16xf32>,
    %swap3A_155 = vector.shape_cast %swap3A_154 : vector<16xf32> to vector<16xf32>
    %swap3A_156 = vector.shape_cast %broadcast_in_dim3A_1 : vector<16xf32> to vector<16xf32>
    tpu.vector_store %arg6[%swap3A_153], %swap3A_156 {strides = array<i32>} : memref<640xf32, #tpu.memory_space<vmem>>, vector<16xf32>,
    %swap3A_157 = arith.constant 624 : index
    %swap3A_158 = tpu.vector_load %arg6[%swap3A_157] {strides = array<i32>} : memref<640xf32, #tpu.memory_space<vmem>>, vector<16xf32>,
    %swap3A_159 = vector.shape_cast %swap3A_158 : vector<16xf32> to vector<16xf32>
    %swap3A_160 = vector.shape_cast %broadcast_in_dim3A_1 : vector<16xf32> to vector<16xf32>
    tpu.vector_store %arg6[%swap3A_157], %swap3A_160 {strides = array<i32>} : memref<640xf32, #tpu.memory_space<vmem>>, vector<16xf32>,
    %swap3A_161 = arith.constant 0 : index
    %swap3A_162 = tpu.vector_load %arg5[%swap3A_161] {strides = array<i32>} : memref<96xf32, #tpu.memory_space<vmem>>, vector<16xf32>,
    %swap3A_163 = vector.shape_cast %swap3A_162 : vector<16xf32> to vector<16xf32>
    %swap3A_164 = vector.shape_cast %broadcast_in_dim3A_1 : vector<16xf32> to vector<16xf32>
    tpu.vector_store %arg5[%swap3A_161], %swap3A_164 {strides = array<i32>} : memref<96xf32, #tpu.memory_space<vmem>>, vector<16xf32>,
    %swap3A_165 = arith.constant 16 : index
    %swap3A_166 = tpu.vector_load %arg5[%swap3A_165] {strides = array<i32>} : memref<96xf32, #tpu.memory_space<vmem>>, vector<16xf32>,
    %swap3A_167 = vector.shape_cast %swap3A_166 : vector<16xf32> to vector<16xf32>
    %swap3A_168 = vector.shape_cast %broadcast_in_dim3A_1 : vector<16xf32> to vector<16xf32>
    tpu.vector_store %arg5[%swap3A_165], %swap3A_168 {strides = array<i32>} : memref<96xf32, #tpu.memory_space<vmem>>, vector<16xf32>,
    %swap3A_169 = arith.constant 32 : index
    %swap3A_170 = tpu.vector_load %arg5[%swap3A_169] {strides = array<i32>} : memref<96xf32, #tpu.memory_space<vmem>>, vector<16xf32>,
    %swap3A_171 = vector.shape_cast %swap3A_170 : vector<16xf32> to vector<16xf32>
    %swap3A_172 = vector.shape_cast %broadcast_in_dim3A_1 : vector<16xf32> to vector<16xf32>
    tpu.vector_store %arg5[%swap3A_169], %swap3A_172 {strides = array<i32>} : memref<96xf32, #tpu.memory_space<vmem>>, vector<16xf32>,
    %swap3A_173 = arith.constant 48 : index
    %swap3A_174 = tpu.vector_load %arg5[%swap3A_173] {strides = array<i32>} : memref<96xf32, #tpu.memory_space<vmem>>, vector<16xf32>,
    %swap3A_175 = vector.shape_cast %swap3A_174 : vector<16xf32> to vector<16xf32>
    %swap3A_176 = vector.shape_cast %broadcast_in_dim3A_1 : vector<16xf32> to vector<16xf32>
    tpu.vector_store %arg5[%swap3A_173], %swap3A_176 {strides = array<i32>} : memref<96xf32, #tpu.memory_space<vmem>>, vector<16xf32>,
    %swap3A_177 = arith.constant 64 : index
    %swap3A_178 = tpu.vector_load %arg5[%swap3A_177] {strides = array<i32>} : memref<96xf32, #tpu.memory_space<vmem>>, vector<16xf32>,
    %swap3A_179 = vector.shape_cast %swap3A_178 : vector<16xf32> to vector<16xf32>
    %swap3A_180 = vector.shape_cast %broadcast_in_dim3A_1 : vector<16xf32> to vector<16xf32>
    tpu.vector_store %arg5[%swap3A_177], %swap3A_180 {strides = array<i32>} : memref<96xf32, #tpu.memory_space<vmem>>, vector<16xf32>,
    %swap3A_181 = arith.constant 80 : index
    %swap3A_182 = tpu.vector_load %arg5[%swap3A_181] {strides = array<i32>} : memref<96xf32, #tpu.memory_space<vmem>>, vector<16xf32>,
    %swap3A_183 = vector.shape_cast %swap3A_182 : vector<16xf32> to vector<16xf32>
    %swap3A_184 = vector.shape_cast %broadcast_in_dim3A_1 : vector<16xf32> to vector<16xf32>
    tpu.vector_store %arg5[%swap3A_181], %swap3A_184 {strides = array<i32>} : memref<96xf32, #tpu.memory_space<vmem>>, vector<16xf32>,
    %mul3A_185 = arith.constant 640 : i32
    %mul3A_186 = arith.muli %arg1, %mul3A_185 : i32
    "tpu.region"() ({
      %run_scoped3A = tpu.sem_alloc : memref<!tpu.dma_semaphore, #tpu.memory_space<semaphore_mem>>
      %dma_start3A = tpu.memref_slice %arg7[%mul3A_186] : memref<10240xf32, #tpu.memory_space<vmem_shared>> -> memref<640xf32, #tpu.memory_space<vmem_shared>>
      %dma_start3A_197 = tpu.memref_slice %arg7[%mul3A_186] : memref<10240xf32, #tpu.memory_space<vmem_shared>> -> memref<640xf32, #tpu.memory_space<vmem_shared>>
      tpu.enqueue_dma source(%arg6 : memref<640xf32, #tpu.memory_space<vmem>>) target(%dma_start3A_197 : memref<640xf32, #tpu.memory_space<vmem_shared>>) target_semaphore(%run_scoped3A : memref<!tpu.dma_semaphore, #tpu.memory_space<semaphore_mem>>)
      %dma_wait3A = tpu.memref_slice %arg7[%mul3A_186] : memref<10240xf32, #tpu.memory_space<vmem_shared>> -> memref<640xf32, #tpu.memory_space<vmem_shared>>
      %dma_wait3A_198 = tpu.memref_slice %arg7[%mul3A_186] : memref<10240xf32, #tpu.memory_space<vmem_shared>> -> memref<640xf32, #tpu.memory_space<vmem_shared>>
      tpu.wait_dma2 semaphore(%run_scoped3A : memref<!tpu.dma_semaphore, #tpu.memory_space<semaphore_mem>>) src(%arg6 : memref<640xf32, #tpu.memory_space<vmem>>) dst(%dma_wait3A_198 : memref<640xf32, #tpu.memory_space<vmem_shared>>)
      tpu.yield
    }) : () -> ()
    "tpu.region"() ({
      %run_scoped3A = tpu.sem_alloc : memref<!tpu.dma_semaphore, #tpu.memory_space<semaphore_mem>>
      %dma_start3A = arith.constant 0 : i32
      %dma_start3A_197 = arith.constant 0 : i32
      %dma_start3A_198 = tpu.memref_slice %arg2[%add3A, %dma_start3A, %dma_start3A_197] : memref<32x105x96xi32, #tpu.memory_space<hbm>> -> memref<1x105x96xi32, #tpu.memory_space<hbm>>
      %dma_start3A_199 = tpu.memref_squeeze %dma_start3A_198 : memref<1x105x96xi32, #tpu.memory_space<hbm>> -> memref<105x96xi32, #tpu.memory_space<hbm>>
      %dma_start3A_200 = arith.constant 0 : i32
      %dma_start3A_201 = arith.constant 0 : i32
      %dma_start3A_202 = tpu.memref_slice %arg2[%add3A, %dma_start3A_200, %dma_start3A_201] : memref<32x105x96xi32, #tpu.memory_space<hbm>> -> memref<1x105x96xi32, #tpu.memory_space<hbm>>
      %dma_start3A_203 = tpu.memref_squeeze %dma_start3A_202 : memref<1x105x96xi32, #tpu.memory_space<hbm>> -> memref<105x96xi32, #tpu.memory_space<hbm>>
      tpu.enqueue_dma source(%dma_start3A_203 : memref<105x96xi32, #tpu.memory_space<hbm>>) target(%arg4 : memref<105x96xi32, #tpu.memory_space<vmem>>) target_semaphore(%run_scoped3A : memref<!tpu.dma_semaphore, #tpu.memory_space<semaphore_mem>>)
      %dma_wait3A = arith.constant 0 : i32
      %dma_wait3A_204 = arith.constant 0 : i32
      %dma_wait3A_205 = tpu.memref_slice %arg2[%add3A, %dma_wait3A, %dma_wait3A_204] : memref<32x105x96xi32, #tpu.memory_space<hbm>> -> memref<1x105x96xi32, #tpu.memory_space<hbm>>
      %dma_wait3A_206 = tpu.memref_squeeze %dma_wait3A_205 : memref<1x105x96xi32, #tpu.memory_space<hbm>> -> memref<105x96xi32, #tpu.memory_space<hbm>>
      %dma_wait3A_207 = arith.constant 0 : i32
      %dma_wait3A_208 = arith.constant 0 : i32
      %dma_wait3A_209 = tpu.memref_slice %arg2[%add3A, %dma_wait3A_207, %dma_wait3A_208] : memref<32x105x96xi32, #tpu.memory_space<hbm>> -> memref<1x105x96xi32, #tpu.memory_space<hbm>>
      %dma_wait3A_210 = tpu.memref_squeeze %dma_wait3A_209 : memref<1x105x96xi32, #tpu.memory_space<hbm>> -> memref<105x96xi32, #tpu.memory_space<hbm>>
      tpu.wait_dma2 semaphore(%run_scoped3A : memref<!tpu.dma_semaphore, #tpu.memory_space<semaphore_mem>>) src(%dma_wait3A_210 : memref<105x96xi32, #tpu.memory_space<hbm>>) dst(%arg4 : memref<105x96xi32, #tpu.memory_space<vmem>>)
      tpu.yield
    }) : () -> ()
    %barrier3A = arith.constant 0 : index
    tpu.barrier barrier_id(%barrier3A)
    %scan3A = arith.constant 0 : i32
    %scan3A_187 = arith.constant 0 : i32
    %scan3A_188 = arith.constant 105 : i32
    %scan3A_189 = arith.addi %scan3A_187, %scan3A_188 : i32
    %scan3A_190 = arith.constant 1 : i32
    scf.for %scan3A_197 = %scan3A_187 to %scan3A_189 step %scan3A_190  : i32 {
      "tpu.region"() ({
        %run_scoped3A = tpu.sem_alloc : memref<!tpu.dma_semaphore, #tpu.memory_space<semaphore_mem>>
        %dma_start3A = arith.constant 0 : i32
        %dma_start3A_198 = tpu.memref_slice %arg4[%scan3A_197, %dma_start3A] : memref<105x96xi32, #tpu.memory_space<vmem>> -> memref<1x96xi32, #tpu.memory_space<vmem>>
        %dma_start3A_199 = tpu.memref_squeeze %dma_start3A_198 : memref<1x96xi32, #tpu.memory_space<vmem>> -> memref<96xi32, #tpu.memory_space<vmem>>
        %dma_start3A_200 = arith.constant 0 : i32
        %dma_start3A_201 = tpu.memref_slice %arg7[%dma_start3A_200] : memref<10240xf32, #tpu.memory_space<vmem_shared>> -> memref<10240xf32, #tpu.memory_space<vmem_shared>>
        tpu.enqueue_indirect_dma source(%arg5 : memref<96xf32, #tpu.memory_space<vmem>>) target(%dma_start3A_201 : memref<10240xf32, #tpu.memory_space<vmem_shared>>) offsets(%dma_start3A_199 : memref<96xi32, #tpu.memory_space<vmem>>) semaphore(%run_scoped3A : memref<!tpu.dma_semaphore, #tpu.memory_space<semaphore_mem>>) {add = true}
        %dma_wait3A = arith.constant 0 : i32
        %dma_wait3A_202 = tpu.memref_slice %arg4[%scan3A_197, %dma_wait3A] : memref<105x96xi32, #tpu.memory_space<vmem>> -> memref<1x96xi32, #tpu.memory_space<vmem>>
        %dma_wait3A_203 = tpu.memref_squeeze %dma_wait3A_202 : memref<1x96xi32, #tpu.memory_space<vmem>> -> memref<96xi32, #tpu.memory_space<vmem>>
        %dma_wait3A_204 = arith.constant 0 : i32
        %dma_wait3A_205 = tpu.memref_slice %arg7[%dma_wait3A_204] : memref<10240xf32, #tpu.memory_space<vmem_shared>> -> memref<10240xf32, #tpu.memory_space<vmem_shared>>
        tpu.wait_indirect_dma semaphore(%run_scoped3A : memref<!tpu.dma_semaphore, #tpu.memory_space<semaphore_mem>>) src(%arg5 : memref<96xf32, #tpu.memory_space<vmem>>) dst(%dma_wait3A_205 : memref<10240xf32, #tpu.memory_space<vmem_shared>>)
        tpu.yield
      }) : () -> ()
    }
    %scan3A_191 = arith.constant 105 : i32
    %barrier3A_192 = arith.constant 0 : index
    tpu.barrier barrier_id(%barrier3A_192)
    %mul3A_193 = arith.constant 640 : i32
    %mul3A_194 = arith.muli %arg1, %mul3A_193 : i32
    %mul3A_195 = arith.constant 640 : i32
    %mul3A_196 = arith.muli %arg1, %mul3A_195 : i32
    "tpu.region"() ({
      %run_scoped3A = tpu.sem_alloc : memref<!tpu.dma_semaphore, #tpu.memory_space<semaphore_mem>>
      %dma_start3A = tpu.memref_slice %arg3[%arg0, %mul3A_196] : memref<2x10240xf32, #tpu.memory_space<hbm>> -> memref<1x640xf32, #tpu.memory_space<hbm>>
      %dma_start3A_197 = tpu.memref_squeeze %dma_start3A : memref<1x640xf32, #tpu.memory_space<hbm>> -> memref<640xf32, #tpu.memory_space<hbm>>
      %dma_start3A_198 = tpu.memref_slice %arg7[%mul3A_194] : memref<10240xf32, #tpu.memory_space<vmem_shared>> -> memref<640xf32, #tpu.memory_space<vmem_shared>>
      tpu.enqueue_dma source(%dma_start3A_198 : memref<640xf32, #tpu.memory_space<vmem_shared>>) target(%dma_start3A_197 : memref<640xf32, #tpu.memory_space<hbm>>) target_semaphore(%run_scoped3A : memref<!tpu.dma_semaphore, #tpu.memory_space<semaphore_mem>>)
      %dma_wait3A = tpu.memref_slice %arg3[%arg0, %mul3A_196] : memref<2x10240xf32, #tpu.memory_space<hbm>> -> memref<1x640xf32, #tpu.memory_space<hbm>>
      %dma_wait3A_199 = tpu.memref_squeeze %dma_wait3A : memref<1x640xf32, #tpu.memory_space<hbm>> -> memref<640xf32, #tpu.memory_space<hbm>>
      %dma_wait3A_200 = tpu.memref_slice %arg7[%mul3A_194] : memref<10240xf32, #tpu.memory_space<vmem_shared>> -> memref<640xf32, #tpu.memory_space<vmem_shared>>
      tpu.wait_dma2 semaphore(%run_scoped3A : memref<!tpu.dma_semaphore, #tpu.memory_space<semaphore_mem>>) src(%dma_wait3A_200 : memref<640xf32, #tpu.memory_space<vmem_shared>>) dst(%dma_wait3A_199 : memref<640xf32, #tpu.memory_space<hbm>>)
      tpu.yield
    }) : () -> ()
    return
  }
}

#map = affine_map<(d0, d1) -> (0, 0)>
#map1 = affine_map<(d0, d1) -> (0, 0, 0)>
module attributes {stable_mosaic.version = 14 : i64} {
  func.func @_sc_scatter_body(%arg0: i32, %arg1: i32, %arg2: memref<10240x128xf32, #tpu.memory_space<hbm>>, %arg3: memref<32x10080xi32, #tpu.memory_space<hbm>>, %arg4: memref<32x105x96xi32, #tpu.memory_space<hbm>>, %arg5: memref<2x10240x128xf32, #tpu.memory_space<hbm>>, %arg6: memref<10080xi32, #tpu.memory_space<vmem>>, %arg7: memref<105x96xi32, #tpu.memory_space<vmem>>, %arg8: memref<2x96x128xf32, #tpu.memory_space<vmem>>, %arg9: memref<10240x128xf32, #tpu.memory_space<vmem_shared>>, %arg10: memref<!tpu.dma_semaphore, #tpu.memory_space<semaphore_mem>>, %arg11: memref<!tpu.dma_semaphore, #tpu.memory_space<semaphore_mem>>) attributes {dimension_semantics = [#tpu.dimension_semantics<core_parallel>, #tpu.dimension_semantics<subcore_parallel>], iteration_bounds = array<i64: 2, 16>, scalar_prefetch = 0 : i64, scratch_operands = 6 : i64, tpu.core_type = #tpu.core_type<sc_vector_subcore>, window_params = [{transform_indices = #map}, {transform_indices = #map}, {transform_indices = #map1}, {transform_indices = #map1}]} {
    %mul3A = arith.constant 2 : i32
    %mul3A_0 = arith.muli %arg1, %mul3A : i32
    %add3A = arith.addi %mul3A_0, %arg0 : i32
    %mul3A_1 = arith.constant 640 : i32
    %mul3A_2 = arith.muli %arg1, %mul3A_1 : i32
    "tpu.region"() ({
      %run_scoped3A_72 = tpu.sem_alloc : memref<!tpu.dma_semaphore, #tpu.memory_space<semaphore_mem>>
      %dma_start3A_73 = arith.constant 0 : i32
      %dma_start3A_74 = tpu.memref_slice %arg9[%mul3A_2, %dma_start3A_73] : memref<10240x128xf32, #tpu.memory_space<vmem_shared>> -> memref<640x128xf32, #tpu.memory_space<vmem_shared>>
      %dma_start3A_75 = arith.constant 0 : i32
      %dma_start3A_76 = tpu.memref_slice %arg2[%mul3A_2, %dma_start3A_75] : memref<10240x128xf32, #tpu.memory_space<hbm>> -> memref<640x128xf32, #tpu.memory_space<hbm>>
      tpu.enqueue_dma source(%dma_start3A_76 : memref<640x128xf32, #tpu.memory_space<hbm>>) target(%dma_start3A_74 : memref<640x128xf32, #tpu.memory_space<vmem_shared>>) target_semaphore(%run_scoped3A_72 : memref<!tpu.dma_semaphore, #tpu.memory_space<semaphore_mem>>)
      %dma_wait3A_77 = arith.constant 0 : i32
      %dma_wait3A_78 = tpu.memref_slice %arg9[%mul3A_2, %dma_wait3A_77] : memref<10240x128xf32, #tpu.memory_space<vmem_shared>> -> memref<640x128xf32, #tpu.memory_space<vmem_shared>>
      %dma_wait3A_79 = arith.constant 0 : i32
      %dma_wait3A_80 = tpu.memref_slice %arg2[%mul3A_2, %dma_wait3A_79] : memref<10240x128xf32, #tpu.memory_space<hbm>> -> memref<640x128xf32, #tpu.memory_space<hbm>>
      tpu.wait_dma2 semaphore(%run_scoped3A_72 : memref<!tpu.dma_semaphore, #tpu.memory_space<semaphore_mem>>) src(%dma_wait3A_80 : memref<640x128xf32, #tpu.memory_space<hbm>>) dst(%dma_wait3A_78 : memref<640x128xf32, #tpu.memory_space<vmem_shared>>)
      tpu.yield
    }) : () -> ()
    "tpu.region"() ({
      %run_scoped3A_72 = tpu.sem_alloc : memref<!tpu.dma_semaphore, #tpu.memory_space<semaphore_mem>>
      %dma_start3A_73 = arith.constant 0 : i32
      %dma_start3A_74 = tpu.memref_slice %arg3[%add3A, %dma_start3A_73] : memref<32x10080xi32, #tpu.memory_space<hbm>> -> memref<1x10080xi32, #tpu.memory_space<hbm>>
      %dma_start3A_75 = tpu.memref_squeeze %dma_start3A_74 : memref<1x10080xi32, #tpu.memory_space<hbm>> -> memref<10080xi32, #tpu.memory_space<hbm>>
      %dma_start3A_76 = arith.constant 0 : i32
      %dma_start3A_77 = tpu.memref_slice %arg3[%add3A, %dma_start3A_76] : memref<32x10080xi32, #tpu.memory_space<hbm>> -> memref<1x10080xi32, #tpu.memory_space<hbm>>
      %dma_start3A_78 = tpu.memref_squeeze %dma_start3A_77 : memref<1x10080xi32, #tpu.memory_space<hbm>> -> memref<10080xi32, #tpu.memory_space<hbm>>
      tpu.enqueue_dma source(%dma_start3A_78 : memref<10080xi32, #tpu.memory_space<hbm>>) target(%arg6 : memref<10080xi32, #tpu.memory_space<vmem>>) target_semaphore(%run_scoped3A_72 : memref<!tpu.dma_semaphore, #tpu.memory_space<semaphore_mem>>)
      %dma_wait3A_79 = arith.constant 0 : i32
      %dma_wait3A_80 = tpu.memref_slice %arg3[%add3A, %dma_wait3A_79] : memref<32x10080xi32, #tpu.memory_space<hbm>> -> memref<1x10080xi32, #tpu.memory_space<hbm>>
      %dma_wait3A_81 = tpu.memref_squeeze %dma_wait3A_80 : memref<1x10080xi32, #tpu.memory_space<hbm>> -> memref<10080xi32, #tpu.memory_space<hbm>>
      %dma_wait3A_82 = arith.constant 0 : i32
      %dma_wait3A_83 = tpu.memref_slice %arg3[%add3A, %dma_wait3A_82] : memref<32x10080xi32, #tpu.memory_space<hbm>> -> memref<1x10080xi32, #tpu.memory_space<hbm>>
      %dma_wait3A_84 = tpu.memref_squeeze %dma_wait3A_83 : memref<1x10080xi32, #tpu.memory_space<hbm>> -> memref<10080xi32, #tpu.memory_space<hbm>>
      tpu.wait_dma2 semaphore(%run_scoped3A_72 : memref<!tpu.dma_semaphore, #tpu.memory_space<semaphore_mem>>) src(%dma_wait3A_84 : memref<10080xi32, #tpu.memory_space<hbm>>) dst(%arg6 : memref<10080xi32, #tpu.memory_space<vmem>>)
      tpu.yield
    }) : () -> ()
    "tpu.region"() ({
      %run_scoped3A_72 = tpu.sem_alloc : memref<!tpu.dma_semaphore, #tpu.memory_space<semaphore_mem>>
      %dma_start3A_73 = arith.constant 0 : i32
      %dma_start3A_74 = arith.constant 0 : i32
      %dma_start3A_75 = tpu.memref_slice %arg4[%add3A, %dma_start3A_73, %dma_start3A_74] : memref<32x105x96xi32, #tpu.memory_space<hbm>> -> memref<1x105x96xi32, #tpu.memory_space<hbm>>
      %dma_start3A_76 = tpu.memref_squeeze %dma_start3A_75 : memref<1x105x96xi32, #tpu.memory_space<hbm>> -> memref<105x96xi32, #tpu.memory_space<hbm>>
      %dma_start3A_77 = arith.constant 0 : i32
      %dma_start3A_78 = arith.constant 0 : i32
      %dma_start3A_79 = tpu.memref_slice %arg4[%add3A, %dma_start3A_77, %dma_start3A_78] : memref<32x105x96xi32, #tpu.memory_space<hbm>> -> memref<1x105x96xi32, #tpu.memory_space<hbm>>
      %dma_start3A_80 = tpu.memref_squeeze %dma_start3A_79 : memref<1x105x96xi32, #tpu.memory_space<hbm>> -> memref<105x96xi32, #tpu.memory_space<hbm>>
      tpu.enqueue_dma source(%dma_start3A_80 : memref<105x96xi32, #tpu.memory_space<hbm>>) target(%arg7 : memref<105x96xi32, #tpu.memory_space<vmem>>) target_semaphore(%run_scoped3A_72 : memref<!tpu.dma_semaphore, #tpu.memory_space<semaphore_mem>>)
      %dma_wait3A_81 = arith.constant 0 : i32
      %dma_wait3A_82 = arith.constant 0 : i32
      %dma_wait3A_83 = tpu.memref_slice %arg4[%add3A, %dma_wait3A_81, %dma_wait3A_82] : memref<32x105x96xi32, #tpu.memory_space<hbm>> -> memref<1x105x96xi32, #tpu.memory_space<hbm>>
      %dma_wait3A_84 = tpu.memref_squeeze %dma_wait3A_83 : memref<1x105x96xi32, #tpu.memory_space<hbm>> -> memref<105x96xi32, #tpu.memory_space<hbm>>
      %dma_wait3A_85 = arith.constant 0 : i32
      %dma_wait3A_86 = arith.constant 0 : i32
      %dma_wait3A_87 = tpu.memref_slice %arg4[%add3A, %dma_wait3A_85, %dma_wait3A_86] : memref<32x105x96xi32, #tpu.memory_space<hbm>> -> memref<1x105x96xi32, #tpu.memory_space<hbm>>
      %dma_wait3A_88 = tpu.memref_squeeze %dma_wait3A_87 : memref<1x105x96xi32, #tpu.memory_space<hbm>> -> memref<105x96xi32, #tpu.memory_space<hbm>>
      tpu.wait_dma2 semaphore(%run_scoped3A_72 : memref<!tpu.dma_semaphore, #tpu.memory_space<semaphore_mem>>) src(%dma_wait3A_88 : memref<105x96xi32, #tpu.memory_space<hbm>>) dst(%arg7 : memref<105x96xi32, #tpu.memory_space<vmem>>)
      tpu.yield
    }) : () -> ()
    %barrier3A = arith.constant 0 : index
    tpu.barrier barrier_id(%barrier3A)
    %dma_start3A = arith.constant 0 : i32
    %dma_start3A_3 = arith.constant 0 : i32
    %dma_start3A_4 = arith.constant 0 : i32
    %dma_start3A_5 = tpu.memref_slice %arg8[%dma_start3A, %dma_start3A_3, %dma_start3A_4] : memref<2x96x128xf32, #tpu.memory_space<vmem>> -> memref<1x96x128xf32, #tpu.memory_space<vmem>>
    %dma_start3A_6 = tpu.memref_squeeze %dma_start3A_5 : memref<1x96x128xf32, #tpu.memory_space<vmem>> -> memref<96x128xf32, #tpu.memory_space<vmem>>
    %dma_start3A_7 = arith.constant 0 : i32
    %dma_start3A_8 = tpu.memref_slice %arg6[%dma_start3A_7] : memref<10080xi32, #tpu.memory_space<vmem>> -> memref<96xi32, #tpu.memory_space<vmem>>
    %dma_start3A_9 = arith.constant 0 : i32
    %dma_start3A_10 = arith.constant 0 : i32
    %dma_start3A_11 = tpu.memref_slice %arg2[%dma_start3A_9, %dma_start3A_10] : memref<10240x128xf32, #tpu.memory_space<hbm>> -> memref<10240x128xf32, #tpu.memory_space<hbm>>
    tpu.enqueue_indirect_dma source(%dma_start3A_11 : memref<10240x128xf32, #tpu.memory_space<hbm>>) target(%dma_start3A_6 : memref<96x128xf32, #tpu.memory_space<vmem>>) offsets(%dma_start3A_8 : memref<96xi32, #tpu.memory_space<vmem>>) semaphore(%arg10 : memref<!tpu.dma_semaphore, #tpu.memory_space<semaphore_mem>>)
    %dma_start3A_12 = arith.constant 1 : i32
    %dma_start3A_13 = arith.constant 0 : i32
    %dma_start3A_14 = arith.constant 0 : i32
    %dma_start3A_15 = tpu.memref_slice %arg8[%dma_start3A_12, %dma_start3A_13, %dma_start3A_14] : memref<2x96x128xf32, #tpu.memory_space<vmem>> -> memref<1x96x128xf32, #tpu.memory_space<vmem>>
    %dma_start3A_16 = tpu.memref_squeeze %dma_start3A_15 : memref<1x96x128xf32, #tpu.memory_space<vmem>> -> memref<96x128xf32, #tpu.memory_space<vmem>>
    %dma_start3A_17 = arith.constant 96 : i32
    %dma_start3A_18 = tpu.memref_slice %arg6[%dma_start3A_17] : memref<10080xi32, #tpu.memory_space<vmem>> -> memref<96xi32, #tpu.memory_space<vmem>>
    %dma_start3A_19 = arith.constant 0 : i32
    %dma_start3A_20 = arith.constant 0 : i32
    %dma_start3A_21 = tpu.memref_slice %arg2[%dma_start3A_19, %dma_start3A_20] : memref<10240x128xf32, #tpu.memory_space<hbm>> -> memref<10240x128xf32, #tpu.memory_space<hbm>>
    tpu.enqueue_indirect_dma source(%dma_start3A_21 : memref<10240x128xf32, #tpu.memory_space<hbm>>) target(%dma_start3A_16 : memref<96x128xf32, #tpu.memory_space<vmem>>) offsets(%dma_start3A_18 : memref<96xi32, #tpu.memory_space<vmem>>) semaphore(%arg11 : memref<!tpu.dma_semaphore, #tpu.memory_space<semaphore_mem>>)
    %scan3A = arith.constant 0 : i32
    %scan3A_22 = arith.constant 0 : i32
    %scan3A_23 = arith.constant 51 : i32
    %scan3A_24 = arith.addi %scan3A_22, %scan3A_23 : i32
    %scan3A_25 = arith.constant 1 : i32
    scf.for %scan3A_72 = %scan3A_22 to %scan3A_24 step %scan3A_25  : i32 {
      %mul3A_73 = arith.constant 2 : i32
      %mul3A_74 = arith.muli %mul3A_73, %scan3A_72 : i32
      %mul3A_75 = arith.constant 96 : i32
      %mul3A_76 = arith.muli %mul3A_74, %mul3A_75 : i32
      %dma_wait3A_77 = arith.constant 0 : i32
      %dma_wait3A_78 = arith.constant 0 : i32
      %dma_wait3A_79 = arith.constant 0 : i32
      %dma_wait3A_80 = tpu.memref_slice %arg8[%dma_wait3A_77, %dma_wait3A_78, %dma_wait3A_79] : memref<2x96x128xf32, #tpu.memory_space<vmem>> -> memref<1x96x128xf32, #tpu.memory_space<vmem>>
      %dma_wait3A_81 = tpu.memref_squeeze %dma_wait3A_80 : memref<1x96x128xf32, #tpu.memory_space<vmem>> -> memref<96x128xf32, #tpu.memory_space<vmem>>
      %dma_wait3A_82 = tpu.memref_slice %arg6[%mul3A_76] : memref<10080xi32, #tpu.memory_space<vmem>> -> memref<96xi32, #tpu.memory_space<vmem>>
      %dma_wait3A_83 = arith.constant 0 : i32
      %dma_wait3A_84 = arith.constant 0 : i32
      %dma_wait3A_85 = tpu.memref_slice %arg2[%dma_wait3A_83, %dma_wait3A_84] : memref<10240x128xf32, #tpu.memory_space<hbm>> -> memref<10240x128xf32, #tpu.memory_space<hbm>>
      tpu.wait_indirect_dma semaphore(%arg10 : memref<!tpu.dma_semaphore, #tpu.memory_space<semaphore_mem>>) src(%dma_wait3A_85 : memref<10240x128xf32, #tpu.memory_space<hbm>>) dst(%dma_wait3A_81 : memref<96x128xf32, #tpu.memory_space<vmem>>)
      %run_scoped3A_86 = arith.constant 0 : i32
      "tpu.region"() ({
        %run_scoped3A_129 = tpu.sem_alloc : memref<!tpu.dma_semaphore, #tpu.memory_space<semaphore_mem>>
        %dma_start3A_130 = arith.constant 0 : i32
        %dma_start3A_131 = arith.constant 0 : i32
        %dma_start3A_132 = tpu.memref_slice %arg8[%run_scoped3A_86, %dma_start3A_130, %dma_start3A_131] : memref<2x96x128xf32, #tpu.memory_space<vmem>> -> memref<1x96x128xf32, #tpu.memory_space<vmem>>
        %dma_start3A_133 = tpu.memref_squeeze %dma_start3A_132 : memref<1x96x128xf32, #tpu.memory_space<vmem>> -> memref<96x128xf32, #tpu.memory_space<vmem>>
        %dma_start3A_134 = arith.constant 0 : i32
        %dma_start3A_135 = tpu.memref_slice %arg7[%mul3A_74, %dma_start3A_134] : memref<105x96xi32, #tpu.memory_space<vmem>> -> memref<1x96xi32, #tpu.memory_space<vmem>>
        %dma_start3A_136 = tpu.memref_squeeze %dma_start3A_135 : memref<1x96xi32, #tpu.memory_space<vmem>> -> memref<96xi32, #tpu.memory_space<vmem>>
        %dma_start3A_137 = arith.constant 0 : i32
        %dma_start3A_138 = arith.constant 0 : i32
        %dma_start3A_139 = tpu.memref_slice %arg9[%dma_start3A_137, %dma_start3A_138] : memref<10240x128xf32, #tpu.memory_space<vmem_shared>> -> memref<10240x128xf32, #tpu.memory_space<vmem_shared>>
        tpu.enqueue_indirect_dma source(%dma_start3A_133 : memref<96x128xf32, #tpu.memory_space<vmem>>) target(%dma_start3A_139 : memref<10240x128xf32, #tpu.memory_space<vmem_shared>>) offsets(%dma_start3A_136 : memref<96xi32, #tpu.memory_space<vmem>>) semaphore(%run_scoped3A_129 : memref<!tpu.dma_semaphore, #tpu.memory_space<semaphore_mem>>) {add = true}
        %dma_wait3A_140 = arith.constant 0 : i32
        %dma_wait3A_141 = arith.constant 0 : i32
        %dma_wait3A_142 = tpu.memref_slice %arg8[%run_scoped3A_86, %dma_wait3A_140, %dma_wait3A_141] : memref<2x96x128xf32, #tpu.memory_space<vmem>> -> memref<1x96x128xf32, #tpu.memory_space<vmem>>
        %dma_wait3A_143 = tpu.memref_squeeze %dma_wait3A_142 : memref<1x96x128xf32, #tpu.memory_space<vmem>> -> memref<96x128xf32, #tpu.memory_space<vmem>>
        %dma_wait3A_144 = arith.constant 0 : i32
        %dma_wait3A_145 = tpu.memref_slice %arg7[%mul3A_74, %dma_wait3A_144] : memref<105x96xi32, #tpu.memory_space<vmem>> -> memref<1x96xi32, #tpu.memory_space<vmem>>
        %dma_wait3A_146 = tpu.memref_squeeze %dma_wait3A_145 : memref<1x96xi32, #tpu.memory_space<vmem>> -> memref<96xi32, #tpu.memory_space<vmem>>
        %dma_wait3A_147 = arith.constant 0 : i32
        %dma_wait3A_148 = arith.constant 0 : i32
        %dma_wait3A_149 = tpu.memref_slice %arg9[%dma_wait3A_147, %dma_wait3A_148] : memref<10240x128xf32, #tpu.memory_space<vmem_shared>> -> memref<10240x128xf32, #tpu.memory_space<vmem_shared>>
        tpu.wait_indirect_dma semaphore(%run_scoped3A_129 : memref<!tpu.dma_semaphore, #tpu.memory_space<semaphore_mem>>) src(%dma_wait3A_143 : memref<96x128xf32, #tpu.memory_space<vmem>>) dst(%dma_wait3A_149 : memref<10240x128xf32, #tpu.memory_space<vmem_shared>>)
        tpu.yield
      }) : () -> ()
      %add3A_87 = arith.constant 2 : i32
      %add3A_88 = arith.addi %mul3A_74, %add3A_87 : i32
      %mul3A_89 = arith.constant 96 : i32
      %mul3A_90 = arith.muli %add3A_88, %mul3A_89 : i32
      %dma_start3A_91 = arith.constant 0 : i32
      %dma_start3A_92 = arith.constant 0 : i32
      %dma_start3A_93 = arith.constant 0 : i32
      %dma_start3A_94 = tpu.memref_slice %arg8[%dma_start3A_91, %dma_start3A_92, %dma_start3A_93] : memref<2x96x128xf32, #tpu.memory_space<vmem>> -> memref<1x96x128xf32, #tpu.memory_space<vmem>>
      %dma_start3A_95 = tpu.memref_squeeze %dma_start3A_94 : memref<1x96x128xf32, #tpu.memory_space<vmem>> -> memref<96x128xf32, #tpu.memory_space<vmem>>
      %dma_start3A_96 = tpu.memref_slice %arg6[%mul3A_90] : memref<10080xi32, #tpu.memory_space<vmem>> -> memref<96xi32, #tpu.memory_space<vmem>>
      %dma_start3A_97 = arith.constant 0 : i32
      %dma_start3A_98 = arith.constant 0 : i32
      %dma_start3A_99 = tpu.memref_slice %arg2[%dma_start3A_97, %dma_start3A_98] : memref<10240x128xf32, #tpu.memory_space<hbm>> -> memref<10240x128xf32, #tpu.memory_space<hbm>>
      tpu.enqueue_indirect_dma source(%dma_start3A_99 : memref<10240x128xf32, #tpu.memory_space<hbm>>) target(%dma_start3A_95 : memref<96x128xf32, #tpu.memory_space<vmem>>) offsets(%dma_start3A_96 : memref<96xi32, #tpu.memory_space<vmem>>) semaphore(%arg10 : memref<!tpu.dma_semaphore, #tpu.memory_space<semaphore_mem>>)
      %add3A_100 = arith.constant 1 : i32
      %add3A_101 = arith.addi %mul3A_74, %add3A_100 : i32
      %mul3A_102 = arith.constant 96 : i32
      %mul3A_103 = arith.muli %add3A_101, %mul3A_102 : i32
      %dma_wait3A_104 = arith.constant 1 : i32
      %dma_wait3A_105 = arith.constant 0 : i32
      %dma_wait3A_106 = arith.constant 0 : i32
      %dma_wait3A_107 = tpu.memref_slice %arg8[%dma_wait3A_104, %dma_wait3A_105, %dma_wait3A_106] : memref<2x96x128xf32, #tpu.memory_space<vmem>> -> memref<1x96x128xf32, #tpu.memory_space<vmem>>
      %dma_wait3A_108 = tpu.memref_squeeze %dma_wait3A_107 : memref<1x96x128xf32, #tpu.memory_space<vmem>> -> memref<96x128xf32, #tpu.memory_space<vmem>>
      %dma_wait3A_109 = tpu.memref_slice %arg6[%mul3A_103] : memref<10080xi32, #tpu.memory_space<vmem>> -> memref<96xi32, #tpu.memory_space<vmem>>
      %dma_wait3A_110 = arith.constant 0 : i32
      %dma_wait3A_111 = arith.constant 0 : i32
      %dma_wait3A_112 = tpu.memref_slice %arg2[%dma_wait3A_110, %dma_wait3A_111] : memref<10240x128xf32, #tpu.memory_space<hbm>> -> memref<10240x128xf32, #tpu.memory_space<hbm>>
      tpu.wait_indirect_dma semaphore(%arg11 : memref<!tpu.dma_semaphore, #tpu.memory_space<semaphore_mem>>) src(%dma_wait3A_112 : memref<10240x128xf32, #tpu.memory_space<hbm>>) dst(%dma_wait3A_108 : memref<96x128xf32, #tpu.memory_space<vmem>>)
      %add3A_113 = arith.constant 1 : i32
      %add3A_114 = arith.addi %mul3A_74, %add3A_113 : i32
      %run_scoped3A_115 = arith.constant 1 : i32
      "tpu.region"() ({
        %run_scoped3A_129 = tpu.sem_alloc : memref<!tpu.dma_semaphore, #tpu.memory_space<semaphore_mem>>
        %dma_start3A_130 = arith.constant 0 : i32
        %dma_start3A_131 = arith.constant 0 : i32
        %dma_start3A_132 = tpu.memref_slice %arg8[%run_scoped3A_115, %dma_start3A_130, %dma_start3A_131] : memref<2x96x128xf32, #tpu.memory_space<vmem>> -> memref<1x96x128xf32, #tpu.memory_space<vmem>>
        %dma_start3A_133 = tpu.memref_squeeze %dma_start3A_132 : memref<1x96x128xf32, #tpu.memory_space<vmem>> -> memref<96x128xf32, #tpu.memory_space<vmem>>
        %dma_start3A_134 = arith.constant 0 : i32
        %dma_start3A_135 = tpu.memref_slice %arg7[%add3A_114, %dma_start3A_134] : memref<105x96xi32, #tpu.memory_space<vmem>> -> memref<1x96xi32, #tpu.memory_space<vmem>>
        %dma_start3A_136 = tpu.memref_squeeze %dma_start3A_135 : memref<1x96xi32, #tpu.memory_space<vmem>> -> memref<96xi32, #tpu.memory_space<vmem>>
        %dma_start3A_137 = arith.constant 0 : i32
        %dma_start3A_138 = arith.constant 0 : i32
        %dma_start3A_139 = tpu.memref_slice %arg9[%dma_start3A_137, %dma_start3A_138] : memref<10240x128xf32, #tpu.memory_space<vmem_shared>> -> memref<10240x128xf32, #tpu.memory_space<vmem_shared>>
        tpu.enqueue_indirect_dma source(%dma_start3A_133 : memref<96x128xf32, #tpu.memory_space<vmem>>) target(%dma_start3A_139 : memref<10240x128xf32, #tpu.memory_space<vmem_shared>>) offsets(%dma_start3A_136 : memref<96xi32, #tpu.memory_space<vmem>>) semaphore(%run_scoped3A_129 : memref<!tpu.dma_semaphore, #tpu.memory_space<semaphore_mem>>) {add = true}
        %dma_wait3A_140 = arith.constant 0 : i32
        %dma_wait3A_141 = arith.constant 0 : i32
        %dma_wait3A_142 = tpu.memref_slice %arg8[%run_scoped3A_115, %dma_wait3A_140, %dma_wait3A_141] : memref<2x96x128xf32, #tpu.memory_space<vmem>> -> memref<1x96x128xf32, #tpu.memory_space<vmem>>
        %dma_wait3A_143 = tpu.memref_squeeze %dma_wait3A_142 : memref<1x96x128xf32, #tpu.memory_space<vmem>> -> memref<96x128xf32, #tpu.memory_space<vmem>>
        %dma_wait3A_144 = arith.constant 0 : i32
        %dma_wait3A_145 = tpu.memref_slice %arg7[%add3A_114, %dma_wait3A_144] : memref<105x96xi32, #tpu.memory_space<vmem>> -> memref<1x96xi32, #tpu.memory_space<vmem>>
        %dma_wait3A_146 = tpu.memref_squeeze %dma_wait3A_145 : memref<1x96xi32, #tpu.memory_space<vmem>> -> memref<96xi32, #tpu.memory_space<vmem>>
        %dma_wait3A_147 = arith.constant 0 : i32
        %dma_wait3A_148 = arith.constant 0 : i32
        %dma_wait3A_149 = tpu.memref_slice %arg9[%dma_wait3A_147, %dma_wait3A_148] : memref<10240x128xf32, #tpu.memory_space<vmem_shared>> -> memref<10240x128xf32, #tpu.memory_space<vmem_shared>>
        tpu.wait_indirect_dma semaphore(%run_scoped3A_129 : memref<!tpu.dma_semaphore, #tpu.memory_space<semaphore_mem>>) src(%dma_wait3A_143 : memref<96x128xf32, #tpu.memory_space<vmem>>) dst(%dma_wait3A_149 : memref<10240x128xf32, #tpu.memory_space<vmem_shared>>)
        tpu.yield
      }) : () -> ()
      %add3A_116 = arith.constant 3 : i32
      %add3A_117 = arith.addi %mul3A_74, %add3A_116 : i32
      %mul3A_118 = arith.constant 96 : i32
      %mul3A_119 = arith.muli %add3A_117, %mul3A_118 : i32
      %dma_start3A_120 = arith.constant 1 : i32
      %dma_start3A_121 = arith.constant 0 : i32
      %dma_start3A_122 = arith.constant 0 : i32
      %dma_start3A_123 = tpu.memref_slice %arg8[%dma_start3A_120, %dma_start3A_121, %dma_start3A_122] : memref<2x96x128xf32, #tpu.memory_space<vmem>> -> memref<1x96x128xf32, #tpu.memory_space<vmem>>
      %dma_start3A_124 = tpu.memref_squeeze %dma_start3A_123 : memref<1x96x128xf32, #tpu.memory_space<vmem>> -> memref<96x128xf32, #tpu.memory_space<vmem>>
      %dma_start3A_125 = tpu.memref_slice %arg6[%mul3A_119] : memref<10080xi32, #tpu.memory_space<vmem>> -> memref<96xi32, #tpu.memory_space<vmem>>
      %dma_start3A_126 = arith.constant 0 : i32
      %dma_start3A_127 = arith.constant 0 : i32
      %dma_start3A_128 = tpu.memref_slice %arg2[%dma_start3A_126, %dma_start3A_127] : memref<10240x128xf32, #tpu.memory_space<hbm>> -> memref<10240x128xf32, #tpu.memory_space<hbm>>
      tpu.enqueue_indirect_dma source(%dma_start3A_128 : memref<10240x128xf32, #tpu.memory_space<hbm>>) target(%dma_start3A_124 : memref<96x128xf32, #tpu.memory_space<vmem>>) offsets(%dma_start3A_125 : memref<96xi32, #tpu.memory_space<vmem>>) semaphore(%arg11 : memref<!tpu.dma_semaphore, #tpu.memory_space<semaphore_mem>>)
    }
    %scan3A_26 = arith.constant 51 : i32
    %dma_wait3A = arith.constant 0 : i32
    %dma_wait3A_27 = arith.constant 0 : i32
    %dma_wait3A_28 = arith.constant 0 : i32
    %dma_wait3A_29 = tpu.memref_slice %arg8[%dma_wait3A, %dma_wait3A_27, %dma_wait3A_28] : memref<2x96x128xf32, #tpu.memory_space<vmem>> -> memref<1x96x128xf32, #tpu.memory_space<vmem>>
    %dma_wait3A_30 = tpu.memref_squeeze %dma_wait3A_29 : memref<1x96x128xf32, #tpu.memory_space<vmem>> -> memref<96x128xf32, #tpu.memory_space<vmem>>
    %dma_wait3A_31 = arith.constant 9792 : i32
    %dma_wait3A_32 = tpu.memref_slice %arg6[%dma_wait3A_31] : memref<10080xi32, #tpu.memory_space<vmem>> -> memref<96xi32, #tpu.memory_space<vmem>>
    %dma_wait3A_33 = arith.constant 0 : i32
    %dma_wait3A_34 = arith.constant 0 : i32
    %dma_wait3A_35 = tpu.memref_slice %arg2[%dma_wait3A_33, %dma_wait3A_34] : memref<10240x128xf32, #tpu.memory_space<hbm>> -> memref<10240x128xf32, #tpu.memory_space<hbm>>
    tpu.wait_indirect_dma semaphore(%arg10 : memref<!tpu.dma_semaphore, #tpu.memory_space<semaphore_mem>>) src(%dma_wait3A_35 : memref<10240x128xf32, #tpu.memory_space<hbm>>) dst(%dma_wait3A_30 : memref<96x128xf32, #tpu.memory_space<vmem>>)
    %run_scoped3A = arith.constant 0 : i32
    %run_scoped3A_36 = arith.constant 102 : i32
    "tpu.region"() ({
      %run_scoped3A_72 = tpu.sem_alloc : memref<!tpu.dma_semaphore, #tpu.memory_space<semaphore_mem>>
      %dma_start3A_73 = arith.constant 0 : i32
      %dma_start3A_74 = arith.constant 0 : i32
      %dma_start3A_75 = tpu.memref_slice %arg8[%run_scoped3A, %dma_start3A_73, %dma_start3A_74] : memref<2x96x128xf32, #tpu.memory_space<vmem>> -> memref<1x96x128xf32, #tpu.memory_space<vmem>>
      %dma_start3A_76 = tpu.memref_squeeze %dma_start3A_75 : memref<1x96x128xf32, #tpu.memory_space<vmem>> -> memref<96x128xf32, #tpu.memory_space<vmem>>
      %dma_start3A_77 = arith.constant 0 : i32
      %dma_start3A_78 = tpu.memref_slice %arg7[%run_scoped3A_36, %dma_start3A_77] : memref<105x96xi32, #tpu.memory_space<vmem>> -> memref<1x96xi32, #tpu.memory_space<vmem>>
      %dma_start3A_79 = tpu.memref_squeeze %dma_start3A_78 : memref<1x96xi32, #tpu.memory_space<vmem>> -> memref<96xi32, #tpu.memory_space<vmem>>
      %dma_start3A_80 = arith.constant 0 : i32
      %dma_start3A_81 = arith.constant 0 : i32
      %dma_start3A_82 = tpu.memref_slice %arg9[%dma_start3A_80, %dma_start3A_81] : memref<10240x128xf32, #tpu.memory_space<vmem_shared>> -> memref<10240x128xf32, #tpu.memory_space<vmem_shared>>
      tpu.enqueue_indirect_dma source(%dma_start3A_76 : memref<96x128xf32, #tpu.memory_space<vmem>>) target(%dma_start3A_82 : memref<10240x128xf32, #tpu.memory_space<vmem_shared>>) offsets(%dma_start3A_79 : memref<96xi32, #tpu.memory_space<vmem>>) semaphore(%run_scoped3A_72 : memref<!tpu.dma_semaphore, #tpu.memory_space<semaphore_mem>>) {add = true}
      %dma_wait3A_83 = arith.constant 0 : i32
      %dma_wait3A_84 = arith.constant 0 : i32
      %dma_wait3A_85 = tpu.memref_slice %arg8[%run_scoped3A, %dma_wait3A_83, %dma_wait3A_84] : memref<2x96x128xf32, #tpu.memory_space<vmem>> -> memref<1x96x128xf32, #tpu.memory_space<vmem>>
      %dma_wait3A_86 = tpu.memref_squeeze %dma_wait3A_85 : memref<1x96x128xf32, #tpu.memory_space<vmem>> -> memref<96x128xf32, #tpu.memory_space<vmem>>
      %dma_wait3A_87 = arith.constant 0 : i32
      %dma_wait3A_88 = tpu.memref_slice %arg7[%run_scoped3A_36, %dma_wait3A_87] : memref<105x96xi32, #tpu.memory_space<vmem>> -> memref<1x96xi32, #tpu.memory_space<vmem>>
      %dma_wait3A_89 = tpu.memref_squeeze %dma_wait3A_88 : memref<1x96xi32, #tpu.memory_space<vmem>> -> memref<96xi32, #tpu.memory_space<vmem>>
      %dma_wait3A_90 = arith.constant 0 : i32
      %dma_wait3A_91 = arith.constant 0 : i32
      %dma_wait3A_92 = tpu.memref_slice %arg9[%dma_wait3A_90, %dma_wait3A_91] : memref<10240x128xf32, #tpu.memory_space<vmem_shared>> -> memref<10240x128xf32, #tpu.memory_space<vmem_shared>>
      tpu.wait_indirect_dma semaphore(%run_scoped3A_72 : memref<!tpu.dma_semaphore, #tpu.memory_space<semaphore_mem>>) src(%dma_wait3A_86 : memref<96x128xf32, #tpu.memory_space<vmem>>) dst(%dma_wait3A_92 : memref<10240x128xf32, #tpu.memory_space<vmem_shared>>)
      tpu.yield
    }) : () -> ()
    %dma_start3A_37 = arith.constant 0 : i32
    %dma_start3A_38 = arith.constant 0 : i32
    %dma_start3A_39 = arith.constant 0 : i32
    %dma_start3A_40 = tpu.memref_slice %arg8[%dma_start3A_37, %dma_start3A_38, %dma_start3A_39] : memref<2x96x128xf32, #tpu.memory_space<vmem>> -> memref<1x96x128xf32, #tpu.memory_space<vmem>>
    %dma_start3A_41 = tpu.memref_squeeze %dma_start3A_40 : memref<1x96x128xf32, #tpu.memory_space<vmem>> -> memref<96x128xf32, #tpu.memory_space<vmem>>
    %dma_start3A_42 = arith.constant 9984 : i32
    %dma_start3A_43 = tpu.memref_slice %arg6[%dma_start3A_42] : memref<10080xi32, #tpu.memory_space<vmem>> -> memref<96xi32, #tpu.memory_space<vmem>>
    %dma_start3A_44 = arith.constant 0 : i32
    %dma_start3A_45 = arith.constant 0 : i32
    %dma_start3A_46 = tpu.memref_slice %arg2[%dma_start3A_44, %dma_start3A_45] : memref<10240x128xf32, #tpu.memory_space<hbm>> -> memref<10240x128xf32, #tpu.memory_space<hbm>>
    tpu.enqueue_indirect_dma source(%dma_start3A_46 : memref<10240x128xf32, #tpu.memory_space<hbm>>) target(%dma_start3A_41 : memref<96x128xf32, #tpu.memory_space<vmem>>) offsets(%dma_start3A_43 : memref<96xi32, #tpu.memory_space<vmem>>) semaphore(%arg10 : memref<!tpu.dma_semaphore, #tpu.memory_space<semaphore_mem>>)
    %dma_wait3A_47 = arith.constant 1 : i32
    %dma_wait3A_48 = arith.constant 0 : i32
    %dma_wait3A_49 = arith.constant 0 : i32
    %dma_wait3A_50 = tpu.memref_slice %arg8[%dma_wait3A_47, %dma_wait3A_48, %dma_wait3A_49] : memref<2x96x128xf32, #tpu.memory_space<vmem>> -> memref<1x96x128xf32, #tpu.memory_space<vmem>>
    %dma_wait3A_51 = tpu.memref_squeeze %dma_wait3A_50 : memref<1x96x128xf32, #tpu.memory_space<vmem>> -> memref<96x128xf32, #tpu.memory_space<vmem>>
    %dma_wait3A_52 = arith.constant 9888 : i32
    %dma_wait3A_53 = tpu.memref_slice %arg6[%dma_wait3A_52] : memref<10080xi32, #tpu.memory_space<vmem>> -> memref<96xi32, #tpu.memory_space<vmem>>
    %dma_wait3A_54 = arith.constant 0 : i32
    %dma_wait3A_55 = arith.constant 0 : i32
    %dma_wait3A_56 = tpu.memref_slice %arg2[%dma_wait3A_54, %dma_wait3A_55] : memref<10240x128xf32, #tpu.memory_space<hbm>> -> memref<10240x128xf32, #tpu.memory_space<hbm>>
    tpu.wait_indirect_dma semaphore(%arg11 : memref<!tpu.dma_semaphore, #tpu.memory_space<semaphore_mem>>) src(%dma_wait3A_56 : memref<10240x128xf32, #tpu.memory_space<hbm>>) dst(%dma_wait3A_51 : memref<96x128xf32, #tpu.memory_space<vmem>>)
    %run_scoped3A_57 = arith.constant 1 : i32
    %run_scoped3A_58 = arith.constant 103 : i32
    "tpu.region"() ({
      %run_scoped3A_72 = tpu.sem_alloc : memref<!tpu.dma_semaphore, #tpu.memory_space<semaphore_mem>>
      %dma_start3A_73 = arith.constant 0 : i32
      %dma_start3A_74 = arith.constant 0 : i32
      %dma_start3A_75 = tpu.memref_slice %arg8[%run_scoped3A_57, %dma_start3A_73, %dma_start3A_74] : memref<2x96x128xf32, #tpu.memory_space<vmem>> -> memref<1x96x128xf32, #tpu.memory_space<vmem>>
      %dma_start3A_76 = tpu.memref_squeeze %dma_start3A_75 : memref<1x96x128xf32, #tpu.memory_space<vmem>> -> memref<96x128xf32, #tpu.memory_space<vmem>>
      %dma_start3A_77 = arith.constant 0 : i32
      %dma_start3A_78 = tpu.memref_slice %arg7[%run_scoped3A_58, %dma_start3A_77] : memref<105x96xi32, #tpu.memory_space<vmem>> -> memref<1x96xi32, #tpu.memory_space<vmem>>
      %dma_start3A_79 = tpu.memref_squeeze %dma_start3A_78 : memref<1x96xi32, #tpu.memory_space<vmem>> -> memref<96xi32, #tpu.memory_space<vmem>>
      %dma_start3A_80 = arith.constant 0 : i32
      %dma_start3A_81 = arith.constant 0 : i32
      %dma_start3A_82 = tpu.memref_slice %arg9[%dma_start3A_80, %dma_start3A_81] : memref<10240x128xf32, #tpu.memory_space<vmem_shared>> -> memref<10240x128xf32, #tpu.memory_space<vmem_shared>>
      tpu.enqueue_indirect_dma source(%dma_start3A_76 : memref<96x128xf32, #tpu.memory_space<vmem>>) target(%dma_start3A_82 : memref<10240x128xf32, #tpu.memory_space<vmem_shared>>) offsets(%dma_start3A_79 : memref<96xi32, #tpu.memory_space<vmem>>) semaphore(%run_scoped3A_72 : memref<!tpu.dma_semaphore, #tpu.memory_space<semaphore_mem>>) {add = true}
      %dma_wait3A_83 = arith.constant 0 : i32
      %dma_wait3A_84 = arith.constant 0 : i32
      %dma_wait3A_85 = tpu.memref_slice %arg8[%run_scoped3A_57, %dma_wait3A_83, %dma_wait3A_84] : memref<2x96x128xf32, #tpu.memory_space<vmem>> -> memref<1x96x128xf32, #tpu.memory_space<vmem>>
      %dma_wait3A_86 = tpu.memref_squeeze %dma_wait3A_85 : memref<1x96x128xf32, #tpu.memory_space<vmem>> -> memref<96x128xf32, #tpu.memory_space<vmem>>
      %dma_wait3A_87 = arith.constant 0 : i32
      %dma_wait3A_88 = tpu.memref_slice %arg7[%run_scoped3A_58, %dma_wait3A_87] : memref<105x96xi32, #tpu.memory_space<vmem>> -> memref<1x96xi32, #tpu.memory_space<vmem>>
      %dma_wait3A_89 = tpu.memref_squeeze %dma_wait3A_88 : memref<1x96xi32, #tpu.memory_space<vmem>> -> memref<96xi32, #tpu.memory_space<vmem>>
      %dma_wait3A_90 = arith.constant 0 : i32
      %dma_wait3A_91 = arith.constant 0 : i32
      %dma_wait3A_92 = tpu.memref_slice %arg9[%dma_wait3A_90, %dma_wait3A_91] : memref<10240x128xf32, #tpu.memory_space<vmem_shared>> -> memref<10240x128xf32, #tpu.memory_space<vmem_shared>>
      tpu.wait_indirect_dma semaphore(%run_scoped3A_72 : memref<!tpu.dma_semaphore, #tpu.memory_space<semaphore_mem>>) src(%dma_wait3A_86 : memref<96x128xf32, #tpu.memory_space<vmem>>) dst(%dma_wait3A_92 : memref<10240x128xf32, #tpu.memory_space<vmem_shared>>)
      tpu.yield
    }) : () -> ()
    %dma_wait3A_59 = arith.constant 0 : i32
    %dma_wait3A_60 = arith.constant 0 : i32
    %dma_wait3A_61 = arith.constant 0 : i32
    %dma_wait3A_62 = tpu.memref_slice %arg8[%dma_wait3A_59, %dma_wait3A_60, %dma_wait3A_61] : memref<2x96x128xf32, #tpu.memory_space<vmem>> -> memref<1x96x128xf32, #tpu.memory_space<vmem>>
    %dma_wait3A_63 = tpu.memref_squeeze %dma_wait3A_62 : memref<1x96x128xf32, #tpu.memory_space<vmem>> -> memref<96x128xf32, #tpu.memory_space<vmem>>
    %dma_wait3A_64 = arith.constant 9984 : i32
    %dma_wait3A_65 = tpu.memref_slice %arg6[%dma_wait3A_64] : memref<10080xi32, #tpu.memory_space<vmem>> -> memref<96xi32, #tpu.memory_space<vmem>>
    %dma_wait3A_66 = arith.constant 0 : i32
    %dma_wait3A_67 = arith.constant 0 : i32
    %dma_wait3A_68 = tpu.memref_slice %arg2[%dma_wait3A_66, %dma_wait3A_67] : memref<10240x128xf32, #tpu.memory_space<hbm>> -> memref<10240x128xf32, #tpu.memory_space<hbm>>
    tpu.wait_indirect_dma semaphore(%arg10 : memref<!tpu.dma_semaphore, #tpu.memory_space<semaphore_mem>>) src(%dma_wait3A_68 : memref<10240x128xf32, #tpu.memory_space<hbm>>) dst(%dma_wait3A_63 : memref<96x128xf32, #tpu.memory_space<vmem>>)
    %run_scoped3A_69 = arith.constant 0 : i32
    %run_scoped3A_70 = arith.constant 104 : i32
    "tpu.region"() ({
      %run_scoped3A_72 = tpu.sem_alloc : memref<!tpu.dma_semaphore, #tpu.memory_space<semaphore_mem>>
      %dma_start3A_73 = arith.constant 0 : i32
      %dma_start3A_74 = arith.constant 0 : i32
      %dma_start3A_75 = tpu.memref_slice %arg8[%run_scoped3A_69, %dma_start3A_73, %dma_start3A_74] : memref<2x96x128xf32, #tpu.memory_space<vmem>> -> memref<1x96x128xf32, #tpu.memory_space<vmem>>
      %dma_start3A_76 = tpu.memref_squeeze %dma_start3A_75 : memref<1x96x128xf32, #tpu.memory_space<vmem>> -> memref<96x128xf32, #tpu.memory_space<vmem>>
      %dma_start3A_77 = arith.constant 0 : i32
      %dma_start3A_78 = tpu.memref_slice %arg7[%run_scoped3A_70, %dma_start3A_77] : memref<105x96xi32, #tpu.memory_space<vmem>> -> memref<1x96xi32, #tpu.memory_space<vmem>>
      %dma_start3A_79 = tpu.memref_squeeze %dma_start3A_78 : memref<1x96xi32, #tpu.memory_space<vmem>> -> memref<96xi32, #tpu.memory_space<vmem>>
      %dma_start3A_80 = arith.constant 0 : i32
      %dma_start3A_81 = arith.constant 0 : i32
      %dma_start3A_82 = tpu.memref_slice %arg9[%dma_start3A_80, %dma_start3A_81] : memref<10240x128xf32, #tpu.memory_space<vmem_shared>> -> memref<10240x128xf32, #tpu.memory_space<vmem_shared>>
      tpu.enqueue_indirect_dma source(%dma_start3A_76 : memref<96x128xf32, #tpu.memory_space<vmem>>) target(%dma_start3A_82 : memref<10240x128xf32, #tpu.memory_space<vmem_shared>>) offsets(%dma_start3A_79 : memref<96xi32, #tpu.memory_space<vmem>>) semaphore(%run_scoped3A_72 : memref<!tpu.dma_semaphore, #tpu.memory_space<semaphore_mem>>) {add = true}
      %dma_wait3A_83 = arith.constant 0 : i32
      %dma_wait3A_84 = arith.constant 0 : i32
      %dma_wait3A_85 = tpu.memref_slice %arg8[%run_scoped3A_69, %dma_wait3A_83, %dma_wait3A_84] : memref<2x96x128xf32, #tpu.memory_space<vmem>> -> memref<1x96x128xf32, #tpu.memory_space<vmem>>
      %dma_wait3A_86 = tpu.memref_squeeze %dma_wait3A_85 : memref<1x96x128xf32, #tpu.memory_space<vmem>> -> memref<96x128xf32, #tpu.memory_space<vmem>>
      %dma_wait3A_87 = arith.constant 0 : i32
      %dma_wait3A_88 = tpu.memref_slice %arg7[%run_scoped3A_70, %dma_wait3A_87] : memref<105x96xi32, #tpu.memory_space<vmem>> -> memref<1x96xi32, #tpu.memory_space<vmem>>
      %dma_wait3A_89 = tpu.memref_squeeze %dma_wait3A_88 : memref<1x96xi32, #tpu.memory_space<vmem>> -> memref<96xi32, #tpu.memory_space<vmem>>
      %dma_wait3A_90 = arith.constant 0 : i32
      %dma_wait3A_91 = arith.constant 0 : i32
      %dma_wait3A_92 = tpu.memref_slice %arg9[%dma_wait3A_90, %dma_wait3A_91] : memref<10240x128xf32, #tpu.memory_space<vmem_shared>> -> memref<10240x128xf32, #tpu.memory_space<vmem_shared>>
      tpu.wait_indirect_dma semaphore(%run_scoped3A_72 : memref<!tpu.dma_semaphore, #tpu.memory_space<semaphore_mem>>) src(%dma_wait3A_86 : memref<96x128xf32, #tpu.memory_space<vmem>>) dst(%dma_wait3A_92 : memref<10240x128xf32, #tpu.memory_space<vmem_shared>>)
      tpu.yield
    }) : () -> ()
    %barrier3A_71 = arith.constant 0 : index
    tpu.barrier barrier_id(%barrier3A_71)
    "tpu.region"() ({
      %run_scoped3A_72 = tpu.sem_alloc : memref<!tpu.dma_semaphore, #tpu.memory_space<semaphore_mem>>
      %dma_start3A_73 = arith.constant 0 : i32
      %dma_start3A_74 = tpu.memref_slice %arg5[%arg0, %mul3A_2, %dma_start3A_73] : memref<2x10240x128xf32, #tpu.memory_space<hbm>> -> memref<1x640x128xf32, #tpu.memory_space<hbm>>
      %dma_start3A_75 = tpu.memref_squeeze %dma_start3A_74 : memref<1x640x128xf32, #tpu.memory_space<hbm>> -> memref<640x128xf32, #tpu.memory_space<hbm>>
      %dma_start3A_76 = arith.constant 0 : i32
      %dma_start3A_77 = tpu.memref_slice %arg9[%mul3A_2, %dma_start3A_76] : memref<10240x128xf32, #tpu.memory_space<vmem_shared>> -> memref<640x128xf32, #tpu.memory_space<vmem_shared>>
      tpu.enqueue_dma source(%dma_start3A_77 : memref<640x128xf32, #tpu.memory_space<vmem_shared>>) target(%dma_start3A_75 : memref<640x128xf32, #tpu.memory_space<hbm>>) target_semaphore(%run_scoped3A_72 : memref<!tpu.dma_semaphore, #tpu.memory_space<semaphore_mem>>)
      %dma_wait3A_78 = arith.constant 0 : i32
      %dma_wait3A_79 = tpu.memref_slice %arg5[%arg0, %mul3A_2, %dma_wait3A_78] : memref<2x10240x128xf32, #tpu.memory_space<hbm>> -> memref<1x640x128xf32, #tpu.memory_space<hbm>>
      %dma_wait3A_80 = tpu.memref_squeeze %dma_wait3A_79 : memref<1x640x128xf32, #tpu.memory_space<hbm>> -> memref<640x128xf32, #tpu.memory_space<hbm>>
      %dma_wait3A_81 = arith.constant 0 : i32
      %dma_wait3A_82 = tpu.memref_slice %arg9[%mul3A_2, %dma_wait3A_81] : memref<10240x128xf32, #tpu.memory_space<vmem_shared>> -> memref<640x128xf32, #tpu.memory_space<vmem_shared>>
      tpu.wait_dma2 semaphore(%run_scoped3A_72 : memref<!tpu.dma_semaphore, #tpu.memory_space<semaphore_mem>>) src(%dma_wait3A_82 : memref<640x128xf32, #tpu.memory_space<vmem_shared>>) dst(%dma_wait3A_80 : memref<640x128xf32, #tpu.memory_space<hbm>>)
      tpu.yield
    }) : () -> ()
    return
  }
}

#map = affine_map<(d0, d1) -> (0, 0)>
#map1 = affine_map<(d0, d1) -> (0, 0, 0)>
module attributes {stable_mosaic.version = 14 : i64} {
  func.func @_sc_scatter_body(%arg0: i32, %arg1: i32, %arg2: memref<10240x128xf32, #tpu.memory_space<hbm>>, %arg3: memref<32x10080xi32, #tpu.memory_space<hbm>>, %arg4: memref<32x105x96xi32, #tpu.memory_space<hbm>>, %arg5: memref<2x10240x128xf32, #tpu.memory_space<hbm>>, %arg6: memref<10080xi32, #tpu.memory_space<vmem>>, %arg7: memref<105x96xi32, #tpu.memory_space<vmem>>, %arg8: memref<2x96x128xf32, #tpu.memory_space<vmem>>, %arg9: memref<10240x128xf32, #tpu.memory_space<vmem_shared>>, %arg10: memref<!tpu.dma_semaphore, #tpu.memory_space<semaphore_mem>>, %arg11: memref<!tpu.dma_semaphore, #tpu.memory_space<semaphore_mem>>) attributes {dimension_semantics = [#tpu.dimension_semantics<core_parallel>, #tpu.dimension_semantics<subcore_parallel>], iteration_bounds = array<i64: 2, 16>, scalar_prefetch = 0 : i64, scratch_operands = 6 : i64, tpu.core_type = #tpu.core_type<sc_vector_subcore>, window_params = [{transform_indices = #map}, {transform_indices = #map}, {transform_indices = #map1}, {transform_indices = #map1}]} {
    %mul3A = arith.constant 2 : i32
    %mul3A_0 = arith.muli %arg1, %mul3A : i32
    %add3A = arith.addi %mul3A_0, %arg0 : i32
    %mul3A_1 = arith.constant 640 : i32
    %mul3A_2 = arith.muli %arg1, %mul3A_1 : i32
    "tpu.region"() ({
      %run_scoped3A_72 = tpu.sem_alloc : memref<!tpu.dma_semaphore, #tpu.memory_space<semaphore_mem>>
      %dma_start3A_73 = arith.constant 0 : i32
      %dma_start3A_74 = tpu.memref_slice %arg9[%mul3A_2, %dma_start3A_73] : memref<10240x128xf32, #tpu.memory_space<vmem_shared>> -> memref<640x128xf32, #tpu.memory_space<vmem_shared>>
      %dma_start3A_75 = arith.constant 0 : i32
      %dma_start3A_76 = tpu.memref_slice %arg2[%mul3A_2, %dma_start3A_75] : memref<10240x128xf32, #tpu.memory_space<hbm>> -> memref<640x128xf32, #tpu.memory_space<hbm>>
      tpu.enqueue_dma source(%dma_start3A_76 : memref<640x128xf32, #tpu.memory_space<hbm>>) target(%dma_start3A_74 : memref<640x128xf32, #tpu.memory_space<vmem_shared>>) target_semaphore(%run_scoped3A_72 : memref<!tpu.dma_semaphore, #tpu.memory_space<semaphore_mem>>)
      %dma_wait3A_77 = arith.constant 0 : i32
      %dma_wait3A_78 = tpu.memref_slice %arg9[%mul3A_2, %dma_wait3A_77] : memref<10240x128xf32, #tpu.memory_space<vmem_shared>> -> memref<640x128xf32, #tpu.memory_space<vmem_shared>>
      %dma_wait3A_79 = arith.constant 0 : i32
      %dma_wait3A_80 = tpu.memref_slice %arg2[%mul3A_2, %dma_wait3A_79] : memref<10240x128xf32, #tpu.memory_space<hbm>> -> memref<640x128xf32, #tpu.memory_space<hbm>>
      tpu.wait_dma2 semaphore(%run_scoped3A_72 : memref<!tpu.dma_semaphore, #tpu.memory_space<semaphore_mem>>) src(%dma_wait3A_80 : memref<640x128xf32, #tpu.memory_space<hbm>>) dst(%dma_wait3A_78 : memref<640x128xf32, #tpu.memory_space<vmem_shared>>)
      tpu.yield
    }) : () -> ()
    "tpu.region"() ({
      %run_scoped3A_72 = tpu.sem_alloc : memref<!tpu.dma_semaphore, #tpu.memory_space<semaphore_mem>>
      %dma_start3A_73 = arith.constant 0 : i32
      %dma_start3A_74 = tpu.memref_slice %arg3[%add3A, %dma_start3A_73] : memref<32x10080xi32, #tpu.memory_space<hbm>> -> memref<1x10080xi32, #tpu.memory_space<hbm>>
      %dma_start3A_75 = tpu.memref_squeeze %dma_start3A_74 : memref<1x10080xi32, #tpu.memory_space<hbm>> -> memref<10080xi32, #tpu.memory_space<hbm>>
      %dma_start3A_76 = arith.constant 0 : i32
      %dma_start3A_77 = tpu.memref_slice %arg3[%add3A, %dma_start3A_76] : memref<32x10080xi32, #tpu.memory_space<hbm>> -> memref<1x10080xi32, #tpu.memory_space<hbm>>
      %dma_start3A_78 = tpu.memref_squeeze %dma_start3A_77 : memref<1x10080xi32, #tpu.memory_space<hbm>> -> memref<10080xi32, #tpu.memory_space<hbm>>
      tpu.enqueue_dma source(%dma_start3A_78 : memref<10080xi32, #tpu.memory_space<hbm>>) target(%arg6 : memref<10080xi32, #tpu.memory_space<vmem>>) target_semaphore(%run_scoped3A_72 : memref<!tpu.dma_semaphore, #tpu.memory_space<semaphore_mem>>)
      %dma_wait3A_79 = arith.constant 0 : i32
      %dma_wait3A_80 = tpu.memref_slice %arg3[%add3A, %dma_wait3A_79] : memref<32x10080xi32, #tpu.memory_space<hbm>> -> memref<1x10080xi32, #tpu.memory_space<hbm>>
      %dma_wait3A_81 = tpu.memref_squeeze %dma_wait3A_80 : memref<1x10080xi32, #tpu.memory_space<hbm>> -> memref<10080xi32, #tpu.memory_space<hbm>>
      %dma_wait3A_82 = arith.constant 0 : i32
      %dma_wait3A_83 = tpu.memref_slice %arg3[%add3A, %dma_wait3A_82] : memref<32x10080xi32, #tpu.memory_space<hbm>> -> memref<1x10080xi32, #tpu.memory_space<hbm>>
      %dma_wait3A_84 = tpu.memref_squeeze %dma_wait3A_83 : memref<1x10080xi32, #tpu.memory_space<hbm>> -> memref<10080xi32, #tpu.memory_space<hbm>>
      tpu.wait_dma2 semaphore(%run_scoped3A_72 : memref<!tpu.dma_semaphore, #tpu.memory_space<semaphore_mem>>) src(%dma_wait3A_84 : memref<10080xi32, #tpu.memory_space<hbm>>) dst(%arg6 : memref<10080xi32, #tpu.memory_space<vmem>>)
      tpu.yield
    }) : () -> ()
    "tpu.region"() ({
      %run_scoped3A_72 = tpu.sem_alloc : memref<!tpu.dma_semaphore, #tpu.memory_space<semaphore_mem>>
      %dma_start3A_73 = arith.constant 0 : i32
      %dma_start3A_74 = arith.constant 0 : i32
      %dma_start3A_75 = tpu.memref_slice %arg4[%add3A, %dma_start3A_73, %dma_start3A_74] : memref<32x105x96xi32, #tpu.memory_space<hbm>> -> memref<1x105x96xi32, #tpu.memory_space<hbm>>
      %dma_start3A_76 = tpu.memref_squeeze %dma_start3A_75 : memref<1x105x96xi32, #tpu.memory_space<hbm>> -> memref<105x96xi32, #tpu.memory_space<hbm>>
      %dma_start3A_77 = arith.constant 0 : i32
      %dma_start3A_78 = arith.constant 0 : i32
      %dma_start3A_79 = tpu.memref_slice %arg4[%add3A, %dma_start3A_77, %dma_start3A_78] : memref<32x105x96xi32, #tpu.memory_space<hbm>> -> memref<1x105x96xi32, #tpu.memory_space<hbm>>
      %dma_start3A_80 = tpu.memref_squeeze %dma_start3A_79 : memref<1x105x96xi32, #tpu.memory_space<hbm>> -> memref<105x96xi32, #tpu.memory_space<hbm>>
      tpu.enqueue_dma source(%dma_start3A_80 : memref<105x96xi32, #tpu.memory_space<hbm>>) target(%arg7 : memref<105x96xi32, #tpu.memory_space<vmem>>) target_semaphore(%run_scoped3A_72 : memref<!tpu.dma_semaphore, #tpu.memory_space<semaphore_mem>>)
      %dma_wait3A_81 = arith.constant 0 : i32
      %dma_wait3A_82 = arith.constant 0 : i32
      %dma_wait3A_83 = tpu.memref_slice %arg4[%add3A, %dma_wait3A_81, %dma_wait3A_82] : memref<32x105x96xi32, #tpu.memory_space<hbm>> -> memref<1x105x96xi32, #tpu.memory_space<hbm>>
      %dma_wait3A_84 = tpu.memref_squeeze %dma_wait3A_83 : memref<1x105x96xi32, #tpu.memory_space<hbm>> -> memref<105x96xi32, #tpu.memory_space<hbm>>
      %dma_wait3A_85 = arith.constant 0 : i32
      %dma_wait3A_86 = arith.constant 0 : i32
      %dma_wait3A_87 = tpu.memref_slice %arg4[%add3A, %dma_wait3A_85, %dma_wait3A_86] : memref<32x105x96xi32, #tpu.memory_space<hbm>> -> memref<1x105x96xi32, #tpu.memory_space<hbm>>
      %dma_wait3A_88 = tpu.memref_squeeze %dma_wait3A_87 : memref<1x105x96xi32, #tpu.memory_space<hbm>> -> memref<105x96xi32, #tpu.memory_space<hbm>>
      tpu.wait_dma2 semaphore(%run_scoped3A_72 : memref<!tpu.dma_semaphore, #tpu.memory_space<semaphore_mem>>) src(%dma_wait3A_88 : memref<105x96xi32, #tpu.memory_space<hbm>>) dst(%arg7 : memref<105x96xi32, #tpu.memory_space<vmem>>)
      tpu.yield
    }) : () -> ()
    %barrier3A = arith.constant 0 : index
    tpu.barrier barrier_id(%barrier3A)
    %dma_start3A = arith.constant 0 : i32
    %dma_start3A_3 = arith.constant 0 : i32
    %dma_start3A_4 = arith.constant 0 : i32
    %dma_start3A_5 = tpu.memref_slice %arg8[%dma_start3A, %dma_start3A_3, %dma_start3A_4] : memref<2x96x128xf32, #tpu.memory_space<vmem>> -> memref<1x96x128xf32, #tpu.memory_space<vmem>>
    %dma_start3A_6 = tpu.memref_squeeze %dma_start3A_5 : memref<1x96x128xf32, #tpu.memory_space<vmem>> -> memref<96x128xf32, #tpu.memory_space<vmem>>
    %dma_start3A_7 = arith.constant 0 : i32
    %dma_start3A_8 = tpu.memref_slice %arg6[%dma_start3A_7] : memref<10080xi32, #tpu.memory_space<vmem>> -> memref<96xi32, #tpu.memory_space<vmem>>
    %dma_start3A_9 = arith.constant 0 : i32
    %dma_start3A_10 = arith.constant 0 : i32
    %dma_start3A_11 = tpu.memref_slice %arg2[%dma_start3A_9, %dma_start3A_10] : memref<10240x128xf32, #tpu.memory_space<hbm>> -> memref<10240x128xf32, #tpu.memory_space<hbm>>
    tpu.enqueue_indirect_dma source(%dma_start3A_11 : memref<10240x128xf32, #tpu.memory_space<hbm>>) target(%dma_start3A_6 : memref<96x128xf32, #tpu.memory_space<vmem>>) offsets(%dma_start3A_8 : memref<96xi32, #tpu.memory_space<vmem>>) semaphore(%arg10 : memref<!tpu.dma_semaphore, #tpu.memory_space<semaphore_mem>>)
    %dma_start3A_12 = arith.constant 1 : i32
    %dma_start3A_13 = arith.constant 0 : i32
    %dma_start3A_14 = arith.constant 0 : i32
    %dma_start3A_15 = tpu.memref_slice %arg8[%dma_start3A_12, %dma_start3A_13, %dma_start3A_14] : memref<2x96x128xf32, #tpu.memory_space<vmem>> -> memref<1x96x128xf32, #tpu.memory_space<vmem>>
    %dma_start3A_16 = tpu.memref_squeeze %dma_start3A_15 : memref<1x96x128xf32, #tpu.memory_space<vmem>> -> memref<96x128xf32, #tpu.memory_space<vmem>>
    %dma_start3A_17 = arith.constant 96 : i32
    %dma_start3A_18 = tpu.memref_slice %arg6[%dma_start3A_17] : memref<10080xi32, #tpu.memory_space<vmem>> -> memref<96xi32, #tpu.memory_space<vmem>>
    %dma_start3A_19 = arith.constant 0 : i32
    %dma_start3A_20 = arith.constant 0 : i32
    %dma_start3A_21 = tpu.memref_slice %arg2[%dma_start3A_19, %dma_start3A_20] : memref<10240x128xf32, #tpu.memory_space<hbm>> -> memref<10240x128xf32, #tpu.memory_space<hbm>>
    tpu.enqueue_indirect_dma source(%dma_start3A_21 : memref<10240x128xf32, #tpu.memory_space<hbm>>) target(%dma_start3A_16 : memref<96x128xf32, #tpu.memory_space<vmem>>) offsets(%dma_start3A_18 : memref<96xi32, #tpu.memory_space<vmem>>) semaphore(%arg11 : memref<!tpu.dma_semaphore, #tpu.memory_space<semaphore_mem>>)
    %scan3A = arith.constant 0 : i32
    %scan3A_22 = arith.constant 0 : i32
    %scan3A_23 = arith.constant 51 : i32
    %scan3A_24 = arith.addi %scan3A_22, %scan3A_23 : i32
    %scan3A_25 = arith.constant 1 : i32
    scf.for %scan3A_72 = %scan3A_22 to %scan3A_24 step %scan3A_25  : i32 {
      %mul3A_73 = arith.constant 2 : i32
      %mul3A_74 = arith.muli %mul3A_73, %scan3A_72 : i32
      %mul3A_75 = arith.constant 96 : i32
      %mul3A_76 = arith.muli %mul3A_74, %mul3A_75 : i32
      %dma_wait3A_77 = arith.constant 0 : i32
      %dma_wait3A_78 = arith.constant 0 : i32
      %dma_wait3A_79 = arith.constant 0 : i32
      %dma_wait3A_80 = tpu.memref_slice %arg8[%dma_wait3A_77, %dma_wait3A_78, %dma_wait3A_79] : memref<2x96x128xf32, #tpu.memory_space<vmem>> -> memref<1x96x128xf32, #tpu.memory_space<vmem>>
      %dma_wait3A_81 = tpu.memref_squeeze %dma_wait3A_80 : memref<1x96x128xf32, #tpu.memory_space<vmem>> -> memref<96x128xf32, #tpu.memory_space<vmem>>
      %dma_wait3A_82 = tpu.memref_slice %arg6[%mul3A_76] : memref<10080xi32, #tpu.memory_space<vmem>> -> memref<96xi32, #tpu.memory_space<vmem>>
      %dma_wait3A_83 = arith.constant 0 : i32
      %dma_wait3A_84 = arith.constant 0 : i32
      %dma_wait3A_85 = tpu.memref_slice %arg2[%dma_wait3A_83, %dma_wait3A_84] : memref<10240x128xf32, #tpu.memory_space<hbm>> -> memref<10240x128xf32, #tpu.memory_space<hbm>>
      tpu.wait_indirect_dma semaphore(%arg10 : memref<!tpu.dma_semaphore, #tpu.memory_space<semaphore_mem>>) src(%dma_wait3A_85 : memref<10240x128xf32, #tpu.memory_space<hbm>>) dst(%dma_wait3A_81 : memref<96x128xf32, #tpu.memory_space<vmem>>)
      %run_scoped3A_86 = arith.constant 0 : i32
      "tpu.region"() ({
        %run_scoped3A_129 = tpu.sem_alloc : memref<!tpu.dma_semaphore, #tpu.memory_space<semaphore_mem>>
        %dma_start3A_130 = arith.constant 0 : i32
        %dma_start3A_131 = arith.constant 0 : i32
        %dma_start3A_132 = tpu.memref_slice %arg8[%run_scoped3A_86, %dma_start3A_130, %dma_start3A_131] : memref<2x96x128xf32, #tpu.memory_space<vmem>> -> memref<1x96x128xf32, #tpu.memory_space<vmem>>
        %dma_start3A_133 = tpu.memref_squeeze %dma_start3A_132 : memref<1x96x128xf32, #tpu.memory_space<vmem>> -> memref<96x128xf32, #tpu.memory_space<vmem>>
        %dma_start3A_134 = arith.constant 0 : i32
        %dma_start3A_135 = tpu.memref_slice %arg7[%mul3A_74, %dma_start3A_134] : memref<105x96xi32, #tpu.memory_space<vmem>> -> memref<1x96xi32, #tpu.memory_space<vmem>>
        %dma_start3A_136 = tpu.memref_squeeze %dma_start3A_135 : memref<1x96xi32, #tpu.memory_space<vmem>> -> memref<96xi32, #tpu.memory_space<vmem>>
        %dma_start3A_137 = arith.constant 0 : i32
        %dma_start3A_138 = arith.constant 0 : i32
        %dma_start3A_139 = tpu.memref_slice %arg9[%dma_start3A_137, %dma_start3A_138] : memref<10240x128xf32, #tpu.memory_space<vmem_shared>> -> memref<10240x128xf32, #tpu.memory_space<vmem_shared>>
        tpu.enqueue_indirect_dma source(%dma_start3A_133 : memref<96x128xf32, #tpu.memory_space<vmem>>) target(%dma_start3A_139 : memref<10240x128xf32, #tpu.memory_space<vmem_shared>>) offsets(%dma_start3A_136 : memref<96xi32, #tpu.memory_space<vmem>>) semaphore(%run_scoped3A_129 : memref<!tpu.dma_semaphore, #tpu.memory_space<semaphore_mem>>) {add = true}
        %dma_wait3A_140 = arith.constant 0 : i32
        %dma_wait3A_141 = arith.constant 0 : i32
        %dma_wait3A_142 = tpu.memref_slice %arg8[%run_scoped3A_86, %dma_wait3A_140, %dma_wait3A_141] : memref<2x96x128xf32, #tpu.memory_space<vmem>> -> memref<1x96x128xf32, #tpu.memory_space<vmem>>
        %dma_wait3A_143 = tpu.memref_squeeze %dma_wait3A_142 : memref<1x96x128xf32, #tpu.memory_space<vmem>> -> memref<96x128xf32, #tpu.memory_space<vmem>>
        %dma_wait3A_144 = arith.constant 0 : i32
        %dma_wait3A_145 = tpu.memref_slice %arg7[%mul3A_74, %dma_wait3A_144] : memref<105x96xi32, #tpu.memory_space<vmem>> -> memref<1x96xi32, #tpu.memory_space<vmem>>
        %dma_wait3A_146 = tpu.memref_squeeze %dma_wait3A_145 : memref<1x96xi32, #tpu.memory_space<vmem>> -> memref<96xi32, #tpu.memory_space<vmem>>
        %dma_wait3A_147 = arith.constant 0 : i32
        %dma_wait3A_148 = arith.constant 0 : i32
        %dma_wait3A_149 = tpu.memref_slice %arg9[%dma_wait3A_147, %dma_wait3A_148] : memref<10240x128xf32, #tpu.memory_space<vmem_shared>> -> memref<10240x128xf32, #tpu.memory_space<vmem_shared>>
        tpu.wait_indirect_dma semaphore(%run_scoped3A_129 : memref<!tpu.dma_semaphore, #tpu.memory_space<semaphore_mem>>) src(%dma_wait3A_143 : memref<96x128xf32, #tpu.memory_space<vmem>>) dst(%dma_wait3A_149 : memref<10240x128xf32, #tpu.memory_space<vmem_shared>>)
        tpu.yield
      }) : () -> ()
      %add3A_87 = arith.constant 2 : i32
      %add3A_88 = arith.addi %mul3A_74, %add3A_87 : i32
      %mul3A_89 = arith.constant 96 : i32
      %mul3A_90 = arith.muli %add3A_88, %mul3A_89 : i32
      %dma_start3A_91 = arith.constant 0 : i32
      %dma_start3A_92 = arith.constant 0 : i32
      %dma_start3A_93 = arith.constant 0 : i32
      %dma_start3A_94 = tpu.memref_slice %arg8[%dma_start3A_91, %dma_start3A_92, %dma_start3A_93] : memref<2x96x128xf32, #tpu.memory_space<vmem>> -> memref<1x96x128xf32, #tpu.memory_space<vmem>>
      %dma_start3A_95 = tpu.memref_squeeze %dma_start3A_94 : memref<1x96x128xf32, #tpu.memory_space<vmem>> -> memref<96x128xf32, #tpu.memory_space<vmem>>
      %dma_start3A_96 = tpu.memref_slice %arg6[%mul3A_90] : memref<10080xi32, #tpu.memory_space<vmem>> -> memref<96xi32, #tpu.memory_space<vmem>>
      %dma_start3A_97 = arith.constant 0 : i32
      %dma_start3A_98 = arith.constant 0 : i32
      %dma_start3A_99 = tpu.memref_slice %arg2[%dma_start3A_97, %dma_start3A_98] : memref<10240x128xf32, #tpu.memory_space<hbm>> -> memref<10240x128xf32, #tpu.memory_space<hbm>>
      tpu.enqueue_indirect_dma source(%dma_start3A_99 : memref<10240x128xf32, #tpu.memory_space<hbm>>) target(%dma_start3A_95 : memref<96x128xf32, #tpu.memory_space<vmem>>) offsets(%dma_start3A_96 : memref<96xi32, #tpu.memory_space<vmem>>) semaphore(%arg10 : memref<!tpu.dma_semaphore, #tpu.memory_space<semaphore_mem>>)
      %add3A_100 = arith.constant 1 : i32
      %add3A_101 = arith.addi %mul3A_74, %add3A_100 : i32
      %mul3A_102 = arith.constant 96 : i32
      %mul3A_103 = arith.muli %add3A_101, %mul3A_102 : i32
      %dma_wait3A_104 = arith.constant 1 : i32
      %dma_wait3A_105 = arith.constant 0 : i32
      %dma_wait3A_106 = arith.constant 0 : i32
      %dma_wait3A_107 = tpu.memref_slice %arg8[%dma_wait3A_104, %dma_wait3A_105, %dma_wait3A_106] : memref<2x96x128xf32, #tpu.memory_space<vmem>> -> memref<1x96x128xf32, #tpu.memory_space<vmem>>
      %dma_wait3A_108 = tpu.memref_squeeze %dma_wait3A_107 : memref<1x96x128xf32, #tpu.memory_space<vmem>> -> memref<96x128xf32, #tpu.memory_space<vmem>>
      %dma_wait3A_109 = tpu.memref_slice %arg6[%mul3A_103] : memref<10080xi32, #tpu.memory_space<vmem>> -> memref<96xi32, #tpu.memory_space<vmem>>
      %dma_wait3A_110 = arith.constant 0 : i32
      %dma_wait3A_111 = arith.constant 0 : i32
      %dma_wait3A_112 = tpu.memref_slice %arg2[%dma_wait3A_110, %dma_wait3A_111] : memref<10240x128xf32, #tpu.memory_space<hbm>> -> memref<10240x128xf32, #tpu.memory_space<hbm>>
      tpu.wait_indirect_dma semaphore(%arg11 : memref<!tpu.dma_semaphore, #tpu.memory_space<semaphore_mem>>) src(%dma_wait3A_112 : memref<10240x128xf32, #tpu.memory_space<hbm>>) dst(%dma_wait3A_108 : memref<96x128xf32, #tpu.memory_space<vmem>>)
      %add3A_113 = arith.constant 1 : i32
      %add3A_114 = arith.addi %mul3A_74, %add3A_113 : i32
      %run_scoped3A_115 = arith.constant 1 : i32
      "tpu.region"() ({
        %run_scoped3A_129 = tpu.sem_alloc : memref<!tpu.dma_semaphore, #tpu.memory_space<semaphore_mem>>
        %dma_start3A_130 = arith.constant 0 : i32
        %dma_start3A_131 = arith.constant 0 : i32
        %dma_start3A_132 = tpu.memref_slice %arg8[%run_scoped3A_115, %dma_start3A_130, %dma_start3A_131] : memref<2x96x128xf32, #tpu.memory_space<vmem>> -> memref<1x96x128xf32, #tpu.memory_space<vmem>>
        %dma_start3A_133 = tpu.memref_squeeze %dma_start3A_132 : memref<1x96x128xf32, #tpu.memory_space<vmem>> -> memref<96x128xf32, #tpu.memory_space<vmem>>
        %dma_start3A_134 = arith.constant 0 : i32
        %dma_start3A_135 = tpu.memref_slice %arg7[%add3A_114, %dma_start3A_134] : memref<105x96xi32, #tpu.memory_space<vmem>> -> memref<1x96xi32, #tpu.memory_space<vmem>>
        %dma_start3A_136 = tpu.memref_squeeze %dma_start3A_135 : memref<1x96xi32, #tpu.memory_space<vmem>> -> memref<96xi32, #tpu.memory_space<vmem>>
        %dma_start3A_137 = arith.constant 0 : i32
        %dma_start3A_138 = arith.constant 0 : i32
        %dma_start3A_139 = tpu.memref_slice %arg9[%dma_start3A_137, %dma_start3A_138] : memref<10240x128xf32, #tpu.memory_space<vmem_shared>> -> memref<10240x128xf32, #tpu.memory_space<vmem_shared>>
        tpu.enqueue_indirect_dma source(%dma_start3A_133 : memref<96x128xf32, #tpu.memory_space<vmem>>) target(%dma_start3A_139 : memref<10240x128xf32, #tpu.memory_space<vmem_shared>>) offsets(%dma_start3A_136 : memref<96xi32, #tpu.memory_space<vmem>>) semaphore(%run_scoped3A_129 : memref<!tpu.dma_semaphore, #tpu.memory_space<semaphore_mem>>) {add = true}
        %dma_wait3A_140 = arith.constant 0 : i32
        %dma_wait3A_141 = arith.constant 0 : i32
        %dma_wait3A_142 = tpu.memref_slice %arg8[%run_scoped3A_115, %dma_wait3A_140, %dma_wait3A_141] : memref<2x96x128xf32, #tpu.memory_space<vmem>> -> memref<1x96x128xf32, #tpu.memory_space<vmem>>
        %dma_wait3A_143 = tpu.memref_squeeze %dma_wait3A_142 : memref<1x96x128xf32, #tpu.memory_space<vmem>> -> memref<96x128xf32, #tpu.memory_space<vmem>>
        %dma_wait3A_144 = arith.constant 0 : i32
        %dma_wait3A_145 = tpu.memref_slice %arg7[%add3A_114, %dma_wait3A_144] : memref<105x96xi32, #tpu.memory_space<vmem>> -> memref<1x96xi32, #tpu.memory_space<vmem>>
        %dma_wait3A_146 = tpu.memref_squeeze %dma_wait3A_145 : memref<1x96xi32, #tpu.memory_space<vmem>> -> memref<96xi32, #tpu.memory_space<vmem>>
        %dma_wait3A_147 = arith.constant 0 : i32
        %dma_wait3A_148 = arith.constant 0 : i32
        %dma_wait3A_149 = tpu.memref_slice %arg9[%dma_wait3A_147, %dma_wait3A_148] : memref<10240x128xf32, #tpu.memory_space<vmem_shared>> -> memref<10240x128xf32, #tpu.memory_space<vmem_shared>>
        tpu.wait_indirect_dma semaphore(%run_scoped3A_129 : memref<!tpu.dma_semaphore, #tpu.memory_space<semaphore_mem>>) src(%dma_wait3A_143 : memref<96x128xf32, #tpu.memory_space<vmem>>) dst(%dma_wait3A_149 : memref<10240x128xf32, #tpu.memory_space<vmem_shared>>)
        tpu.yield
      }) : () -> ()
      %add3A_116 = arith.constant 3 : i32
      %add3A_117 = arith.addi %mul3A_74, %add3A_116 : i32
      %mul3A_118 = arith.constant 96 : i32
      %mul3A_119 = arith.muli %add3A_117, %mul3A_118 : i32
      %dma_start3A_120 = arith.constant 1 : i32
      %dma_start3A_121 = arith.constant 0 : i32
      %dma_start3A_122 = arith.constant 0 : i32
      %dma_start3A_123 = tpu.memref_slice %arg8[%dma_start3A_120, %dma_start3A_121, %dma_start3A_122] : memref<2x96x128xf32, #tpu.memory_space<vmem>> -> memref<1x96x128xf32, #tpu.memory_space<vmem>>
      %dma_start3A_124 = tpu.memref_squeeze %dma_start3A_123 : memref<1x96x128xf32, #tpu.memory_space<vmem>> -> memref<96x128xf32, #tpu.memory_space<vmem>>
      %dma_start3A_125 = tpu.memref_slice %arg6[%mul3A_119] : memref<10080xi32, #tpu.memory_space<vmem>> -> memref<96xi32, #tpu.memory_space<vmem>>
      %dma_start3A_126 = arith.constant 0 : i32
      %dma_start3A_127 = arith.constant 0 : i32
      %dma_start3A_128 = tpu.memref_slice %arg2[%dma_start3A_126, %dma_start3A_127] : memref<10240x128xf32, #tpu.memory_space<hbm>> -> memref<10240x128xf32, #tpu.memory_space<hbm>>
      tpu.enqueue_indirect_dma source(%dma_start3A_128 : memref<10240x128xf32, #tpu.memory_space<hbm>>) target(%dma_start3A_124 : memref<96x128xf32, #tpu.memory_space<vmem>>) offsets(%dma_start3A_125 : memref<96xi32, #tpu.memory_space<vmem>>) semaphore(%arg11 : memref<!tpu.dma_semaphore, #tpu.memory_space<semaphore_mem>>)
    }
    %scan3A_26 = arith.constant 51 : i32
    %dma_wait3A = arith.constant 0 : i32
    %dma_wait3A_27 = arith.constant 0 : i32
    %dma_wait3A_28 = arith.constant 0 : i32
    %dma_wait3A_29 = tpu.memref_slice %arg8[%dma_wait3A, %dma_wait3A_27, %dma_wait3A_28] : memref<2x96x128xf32, #tpu.memory_space<vmem>> -> memref<1x96x128xf32, #tpu.memory_space<vmem>>
    %dma_wait3A_30 = tpu.memref_squeeze %dma_wait3A_29 : memref<1x96x128xf32, #tpu.memory_space<vmem>> -> memref<96x128xf32, #tpu.memory_space<vmem>>
    %dma_wait3A_31 = arith.constant 9792 : i32
    %dma_wait3A_32 = tpu.memref_slice %arg6[%dma_wait3A_31] : memref<10080xi32, #tpu.memory_space<vmem>> -> memref<96xi32, #tpu.memory_space<vmem>>
    %dma_wait3A_33 = arith.constant 0 : i32
    %dma_wait3A_34 = arith.constant 0 : i32
    %dma_wait3A_35 = tpu.memref_slice %arg2[%dma_wait3A_33, %dma_wait3A_34] : memref<10240x128xf32, #tpu.memory_space<hbm>> -> memref<10240x128xf32, #tpu.memory_space<hbm>>
    tpu.wait_indirect_dma semaphore(%arg10 : memref<!tpu.dma_semaphore, #tpu.memory_space<semaphore_mem>>) src(%dma_wait3A_35 : memref<10240x128xf32, #tpu.memory_space<hbm>>) dst(%dma_wait3A_30 : memref<96x128xf32, #tpu.memory_space<vmem>>)
    %run_scoped3A = arith.constant 0 : i32
    %run_scoped3A_36 = arith.constant 102 : i32
    "tpu.region"() ({
      %run_scoped3A_72 = tpu.sem_alloc : memref<!tpu.dma_semaphore, #tpu.memory_space<semaphore_mem>>
      %dma_start3A_73 = arith.constant 0 : i32
      %dma_start3A_74 = arith.constant 0 : i32
      %dma_start3A_75 = tpu.memref_slice %arg8[%run_scoped3A, %dma_start3A_73, %dma_start3A_74] : memref<2x96x128xf32, #tpu.memory_space<vmem>> -> memref<1x96x128xf32, #tpu.memory_space<vmem>>
      %dma_start3A_76 = tpu.memref_squeeze %dma_start3A_75 : memref<1x96x128xf32, #tpu.memory_space<vmem>> -> memref<96x128xf32, #tpu.memory_space<vmem>>
      %dma_start3A_77 = arith.constant 0 : i32
      %dma_start3A_78 = tpu.memref_slice %arg7[%run_scoped3A_36, %dma_start3A_77] : memref<105x96xi32, #tpu.memory_space<vmem>> -> memref<1x96xi32, #tpu.memory_space<vmem>>
      %dma_start3A_79 = tpu.memref_squeeze %dma_start3A_78 : memref<1x96xi32, #tpu.memory_space<vmem>> -> memref<96xi32, #tpu.memory_space<vmem>>
      %dma_start3A_80 = arith.constant 0 : i32
      %dma_start3A_81 = arith.constant 0 : i32
      %dma_start3A_82 = tpu.memref_slice %arg9[%dma_start3A_80, %dma_start3A_81] : memref<10240x128xf32, #tpu.memory_space<vmem_shared>> -> memref<10240x128xf32, #tpu.memory_space<vmem_shared>>
      tpu.enqueue_indirect_dma source(%dma_start3A_76 : memref<96x128xf32, #tpu.memory_space<vmem>>) target(%dma_start3A_82 : memref<10240x128xf32, #tpu.memory_space<vmem_shared>>) offsets(%dma_start3A_79 : memref<96xi32, #tpu.memory_space<vmem>>) semaphore(%run_scoped3A_72 : memref<!tpu.dma_semaphore, #tpu.memory_space<semaphore_mem>>) {add = true}
      %dma_wait3A_83 = arith.constant 0 : i32
      %dma_wait3A_84 = arith.constant 0 : i32
      %dma_wait3A_85 = tpu.memref_slice %arg8[%run_scoped3A, %dma_wait3A_83, %dma_wait3A_84] : memref<2x96x128xf32, #tpu.memory_space<vmem>> -> memref<1x96x128xf32, #tpu.memory_space<vmem>>
      %dma_wait3A_86 = tpu.memref_squeeze %dma_wait3A_85 : memref<1x96x128xf32, #tpu.memory_space<vmem>> -> memref<96x128xf32, #tpu.memory_space<vmem>>
      %dma_wait3A_87 = arith.constant 0 : i32
      %dma_wait3A_88 = tpu.memref_slice %arg7[%run_scoped3A_36, %dma_wait3A_87] : memref<105x96xi32, #tpu.memory_space<vmem>> -> memref<1x96xi32, #tpu.memory_space<vmem>>
      %dma_wait3A_89 = tpu.memref_squeeze %dma_wait3A_88 : memref<1x96xi32, #tpu.memory_space<vmem>> -> memref<96xi32, #tpu.memory_space<vmem>>
      %dma_wait3A_90 = arith.constant 0 : i32
      %dma_wait3A_91 = arith.constant 0 : i32
      %dma_wait3A_92 = tpu.memref_slice %arg9[%dma_wait3A_90, %dma_wait3A_91] : memref<10240x128xf32, #tpu.memory_space<vmem_shared>> -> memref<10240x128xf32, #tpu.memory_space<vmem_shared>>
      tpu.wait_indirect_dma semaphore(%run_scoped3A_72 : memref<!tpu.dma_semaphore, #tpu.memory_space<semaphore_mem>>) src(%dma_wait3A_86 : memref<96x128xf32, #tpu.memory_space<vmem>>) dst(%dma_wait3A_92 : memref<10240x128xf32, #tpu.memory_space<vmem_shared>>)
      tpu.yield
    }) : () -> ()
    %dma_start3A_37 = arith.constant 0 : i32
    %dma_start3A_38 = arith.constant 0 : i32
    %dma_start3A_39 = arith.constant 0 : i32
    %dma_start3A_40 = tpu.memref_slice %arg8[%dma_start3A_37, %dma_start3A_38, %dma_start3A_39] : memref<2x96x128xf32, #tpu.memory_space<vmem>> -> memref<1x96x128xf32, #tpu.memory_space<vmem>>
    %dma_start3A_41 = tpu.memref_squeeze %dma_start3A_40 : memref<1x96x128xf32, #tpu.memory_space<vmem>> -> memref<96x128xf32, #tpu.memory_space<vmem>>
    %dma_start3A_42 = arith.constant 9984 : i32
    %dma_start3A_43 = tpu.memref_slice %arg6[%dma_start3A_42] : memref<10080xi32, #tpu.memory_space<vmem>> -> memref<96xi32, #tpu.memory_space<vmem>>
    %dma_start3A_44 = arith.constant 0 : i32
    %dma_start3A_45 = arith.constant 0 : i32
    %dma_start3A_46 = tpu.memref_slice %arg2[%dma_start3A_44, %dma_start3A_45] : memref<10240x128xf32, #tpu.memory_space<hbm>> -> memref<10240x128xf32, #tpu.memory_space<hbm>>
    tpu.enqueue_indirect_dma source(%dma_start3A_46 : memref<10240x128xf32, #tpu.memory_space<hbm>>) target(%dma_start3A_41 : memref<96x128xf32, #tpu.memory_space<vmem>>) offsets(%dma_start3A_43 : memref<96xi32, #tpu.memory_space<vmem>>) semaphore(%arg10 : memref<!tpu.dma_semaphore, #tpu.memory_space<semaphore_mem>>)
    %dma_wait3A_47 = arith.constant 1 : i32
    %dma_wait3A_48 = arith.constant 0 : i32
    %dma_wait3A_49 = arith.constant 0 : i32
    %dma_wait3A_50 = tpu.memref_slice %arg8[%dma_wait3A_47, %dma_wait3A_48, %dma_wait3A_49] : memref<2x96x128xf32, #tpu.memory_space<vmem>> -> memref<1x96x128xf32, #tpu.memory_space<vmem>>
    %dma_wait3A_51 = tpu.memref_squeeze %dma_wait3A_50 : memref<1x96x128xf32, #tpu.memory_space<vmem>> -> memref<96x128xf32, #tpu.memory_space<vmem>>
    %dma_wait3A_52 = arith.constant 9888 : i32
    %dma_wait3A_53 = tpu.memref_slice %arg6[%dma_wait3A_52] : memref<10080xi32, #tpu.memory_space<vmem>> -> memref<96xi32, #tpu.memory_space<vmem>>
    %dma_wait3A_54 = arith.constant 0 : i32
    %dma_wait3A_55 = arith.constant 0 : i32
    %dma_wait3A_56 = tpu.memref_slice %arg2[%dma_wait3A_54, %dma_wait3A_55] : memref<10240x128xf32, #tpu.memory_space<hbm>> -> memref<10240x128xf32, #tpu.memory_space<hbm>>
    tpu.wait_indirect_dma semaphore(%arg11 : memref<!tpu.dma_semaphore, #tpu.memory_space<semaphore_mem>>) src(%dma_wait3A_56 : memref<10240x128xf32, #tpu.memory_space<hbm>>) dst(%dma_wait3A_51 : memref<96x128xf32, #tpu.memory_space<vmem>>)
    %run_scoped3A_57 = arith.constant 1 : i32
    %run_scoped3A_58 = arith.constant 103 : i32
    "tpu.region"() ({
      %run_scoped3A_72 = tpu.sem_alloc : memref<!tpu.dma_semaphore, #tpu.memory_space<semaphore_mem>>
      %dma_start3A_73 = arith.constant 0 : i32
      %dma_start3A_74 = arith.constant 0 : i32
      %dma_start3A_75 = tpu.memref_slice %arg8[%run_scoped3A_57, %dma_start3A_73, %dma_start3A_74] : memref<2x96x128xf32, #tpu.memory_space<vmem>> -> memref<1x96x128xf32, #tpu.memory_space<vmem>>
      %dma_start3A_76 = tpu.memref_squeeze %dma_start3A_75 : memref<1x96x128xf32, #tpu.memory_space<vmem>> -> memref<96x128xf32, #tpu.memory_space<vmem>>
      %dma_start3A_77 = arith.constant 0 : i32
      %dma_start3A_78 = tpu.memref_slice %arg7[%run_scoped3A_58, %dma_start3A_77] : memref<105x96xi32, #tpu.memory_space<vmem>> -> memref<1x96xi32, #tpu.memory_space<vmem>>
      %dma_start3A_79 = tpu.memref_squeeze %dma_start3A_78 : memref<1x96xi32, #tpu.memory_space<vmem>> -> memref<96xi32, #tpu.memory_space<vmem>>
      %dma_start3A_80 = arith.constant 0 : i32
      %dma_start3A_81 = arith.constant 0 : i32
      %dma_start3A_82 = tpu.memref_slice %arg9[%dma_start3A_80, %dma_start3A_81] : memref<10240x128xf32, #tpu.memory_space<vmem_shared>> -> memref<10240x128xf32, #tpu.memory_space<vmem_shared>>
      tpu.enqueue_indirect_dma source(%dma_start3A_76 : memref<96x128xf32, #tpu.memory_space<vmem>>) target(%dma_start3A_82 : memref<10240x128xf32, #tpu.memory_space<vmem_shared>>) offsets(%dma_start3A_79 : memref<96xi32, #tpu.memory_space<vmem>>) semaphore(%run_scoped3A_72 : memref<!tpu.dma_semaphore, #tpu.memory_space<semaphore_mem>>) {add = true}
      %dma_wait3A_83 = arith.constant 0 : i32
      %dma_wait3A_84 = arith.constant 0 : i32
      %dma_wait3A_85 = tpu.memref_slice %arg8[%run_scoped3A_57, %dma_wait3A_83, %dma_wait3A_84] : memref<2x96x128xf32, #tpu.memory_space<vmem>> -> memref<1x96x128xf32, #tpu.memory_space<vmem>>
      %dma_wait3A_86 = tpu.memref_squeeze %dma_wait3A_85 : memref<1x96x128xf32, #tpu.memory_space<vmem>> -> memref<96x128xf32, #tpu.memory_space<vmem>>
      %dma_wait3A_87 = arith.constant 0 : i32
      %dma_wait3A_88 = tpu.memref_slice %arg7[%run_scoped3A_58, %dma_wait3A_87] : memref<105x96xi32, #tpu.memory_space<vmem>> -> memref<1x96xi32, #tpu.memory_space<vmem>>
      %dma_wait3A_89 = tpu.memref_squeeze %dma_wait3A_88 : memref<1x96xi32, #tpu.memory_space<vmem>> -> memref<96xi32, #tpu.memory_space<vmem>>
      %dma_wait3A_90 = arith.constant 0 : i32
      %dma_wait3A_91 = arith.constant 0 : i32
      %dma_wait3A_92 = tpu.memref_slice %arg9[%dma_wait3A_90, %dma_wait3A_91] : memref<10240x128xf32, #tpu.memory_space<vmem_shared>> -> memref<10240x128xf32, #tpu.memory_space<vmem_shared>>
      tpu.wait_indirect_dma semaphore(%run_scoped3A_72 : memref<!tpu.dma_semaphore, #tpu.memory_space<semaphore_mem>>) src(%dma_wait3A_86 : memref<96x128xf32, #tpu.memory_space<vmem>>) dst(%dma_wait3A_92 : memref<10240x128xf32, #tpu.memory_space<vmem_shared>>)
      tpu.yield
    }) : () -> ()
    %dma_wait3A_59 = arith.constant 0 : i32
    %dma_wait3A_60 = arith.constant 0 : i32
    %dma_wait3A_61 = arith.constant 0 : i32
    %dma_wait3A_62 = tpu.memref_slice %arg8[%dma_wait3A_59, %dma_wait3A_60, %dma_wait3A_61] : memref<2x96x128xf32, #tpu.memory_space<vmem>> -> memref<1x96x128xf32, #tpu.memory_space<vmem>>
    %dma_wait3A_63 = tpu.memref_squeeze %dma_wait3A_62 : memref<1x96x128xf32, #tpu.memory_space<vmem>> -> memref<96x128xf32, #tpu.memory_space<vmem>>
    %dma_wait3A_64 = arith.constant 9984 : i32
    %dma_wait3A_65 = tpu.memref_slice %arg6[%dma_wait3A_64] : memref<10080xi32, #tpu.memory_space<vmem>> -> memref<96xi32, #tpu.memory_space<vmem>>
    %dma_wait3A_66 = arith.constant 0 : i32
    %dma_wait3A_67 = arith.constant 0 : i32
    %dma_wait3A_68 = tpu.memref_slice %arg2[%dma_wait3A_66, %dma_wait3A_67] : memref<10240x128xf32, #tpu.memory_space<hbm>> -> memref<10240x128xf32, #tpu.memory_space<hbm>>
    tpu.wait_indirect_dma semaphore(%arg10 : memref<!tpu.dma_semaphore, #tpu.memory_space<semaphore_mem>>) src(%dma_wait3A_68 : memref<10240x128xf32, #tpu.memory_space<hbm>>) dst(%dma_wait3A_63 : memref<96x128xf32, #tpu.memory_space<vmem>>)
    %run_scoped3A_69 = arith.constant 0 : i32
    %run_scoped3A_70 = arith.constant 104 : i32
    "tpu.region"() ({
      %run_scoped3A_72 = tpu.sem_alloc : memref<!tpu.dma_semaphore, #tpu.memory_space<semaphore_mem>>
      %dma_start3A_73 = arith.constant 0 : i32
      %dma_start3A_74 = arith.constant 0 : i32
      %dma_start3A_75 = tpu.memref_slice %arg8[%run_scoped3A_69, %dma_start3A_73, %dma_start3A_74] : memref<2x96x128xf32, #tpu.memory_space<vmem>> -> memref<1x96x128xf32, #tpu.memory_space<vmem>>
      %dma_start3A_76 = tpu.memref_squeeze %dma_start3A_75 : memref<1x96x128xf32, #tpu.memory_space<vmem>> -> memref<96x128xf32, #tpu.memory_space<vmem>>
      %dma_start3A_77 = arith.constant 0 : i32
      %dma_start3A_78 = tpu.memref_slice %arg7[%run_scoped3A_70, %dma_start3A_77] : memref<105x96xi32, #tpu.memory_space<vmem>> -> memref<1x96xi32, #tpu.memory_space<vmem>>
      %dma_start3A_79 = tpu.memref_squeeze %dma_start3A_78 : memref<1x96xi32, #tpu.memory_space<vmem>> -> memref<96xi32, #tpu.memory_space<vmem>>
      %dma_start3A_80 = arith.constant 0 : i32
      %dma_start3A_81 = arith.constant 0 : i32
      %dma_start3A_82 = tpu.memref_slice %arg9[%dma_start3A_80, %dma_start3A_81] : memref<10240x128xf32, #tpu.memory_space<vmem_shared>> -> memref<10240x128xf32, #tpu.memory_space<vmem_shared>>
      tpu.enqueue_indirect_dma source(%dma_start3A_76 : memref<96x128xf32, #tpu.memory_space<vmem>>) target(%dma_start3A_82 : memref<10240x128xf32, #tpu.memory_space<vmem_shared>>) offsets(%dma_start3A_79 : memref<96xi32, #tpu.memory_space<vmem>>) semaphore(%run_scoped3A_72 : memref<!tpu.dma_semaphore, #tpu.memory_space<semaphore_mem>>) {add = true}
      %dma_wait3A_83 = arith.constant 0 : i32
      %dma_wait3A_84 = arith.constant 0 : i32
      %dma_wait3A_85 = tpu.memref_slice %arg8[%run_scoped3A_69, %dma_wait3A_83, %dma_wait3A_84] : memref<2x96x128xf32, #tpu.memory_space<vmem>> -> memref<1x96x128xf32, #tpu.memory_space<vmem>>
      %dma_wait3A_86 = tpu.memref_squeeze %dma_wait3A_85 : memref<1x96x128xf32, #tpu.memory_space<vmem>> -> memref<96x128xf32, #tpu.memory_space<vmem>>
      %dma_wait3A_87 = arith.constant 0 : i32
      %dma_wait3A_88 = tpu.memref_slice %arg7[%run_scoped3A_70, %dma_wait3A_87] : memref<105x96xi32, #tpu.memory_space<vmem>> -> memref<1x96xi32, #tpu.memory_space<vmem>>
      %dma_wait3A_89 = tpu.memref_squeeze %dma_wait3A_88 : memref<1x96xi32, #tpu.memory_space<vmem>> -> memref<96xi32, #tpu.memory_space<vmem>>
      %dma_wait3A_90 = arith.constant 0 : i32
      %dma_wait3A_91 = arith.constant 0 : i32
      %dma_wait3A_92 = tpu.memref_slice %arg9[%dma_wait3A_90, %dma_wait3A_91] : memref<10240x128xf32, #tpu.memory_space<vmem_shared>> -> memref<10240x128xf32, #tpu.memory_space<vmem_shared>>
      tpu.wait_indirect_dma semaphore(%run_scoped3A_72 : memref<!tpu.dma_semaphore, #tpu.memory_space<semaphore_mem>>) src(%dma_wait3A_86 : memref<96x128xf32, #tpu.memory_space<vmem>>) dst(%dma_wait3A_92 : memref<10240x128xf32, #tpu.memory_space<vmem_shared>>)
      tpu.yield
    }) : () -> ()
    %barrier3A_71 = arith.constant 0 : index
    tpu.barrier barrier_id(%barrier3A_71)
    "tpu.region"() ({
      %run_scoped3A_72 = tpu.sem_alloc : memref<!tpu.dma_semaphore, #tpu.memory_space<semaphore_mem>>
      %dma_start3A_73 = arith.constant 0 : i32
      %dma_start3A_74 = tpu.memref_slice %arg5[%arg0, %mul3A_2, %dma_start3A_73] : memref<2x10240x128xf32, #tpu.memory_space<hbm>> -> memref<1x640x128xf32, #tpu.memory_space<hbm>>
      %dma_start3A_75 = tpu.memref_squeeze %dma_start3A_74 : memref<1x640x128xf32, #tpu.memory_space<hbm>> -> memref<640x128xf32, #tpu.memory_space<hbm>>
      %dma_start3A_76 = arith.constant 0 : i32
      %dma_start3A_77 = tpu.memref_slice %arg9[%mul3A_2, %dma_start3A_76] : memref<10240x128xf32, #tpu.memory_space<vmem_shared>> -> memref<640x128xf32, #tpu.memory_space<vmem_shared>>
      tpu.enqueue_dma source(%dma_start3A_77 : memref<640x128xf32, #tpu.memory_space<vmem_shared>>) target(%dma_start3A_75 : memref<640x128xf32, #tpu.memory_space<hbm>>) target_semaphore(%run_scoped3A_72 : memref<!tpu.dma_semaphore, #tpu.memory_space<semaphore_mem>>)
      %dma_wait3A_78 = arith.constant 0 : i32
      %dma_wait3A_79 = tpu.memref_slice %arg5[%arg0, %mul3A_2, %dma_wait3A_78] : memref<2x10240x128xf32, #tpu.memory_space<hbm>> -> memref<1x640x128xf32, #tpu.memory_space<hbm>>
      %dma_wait3A_80 = tpu.memref_squeeze %dma_wait3A_79 : memref<1x640x128xf32, #tpu.memory_space<hbm>> -> memref<640x128xf32, #tpu.memory_space<hbm>>
      %dma_wait3A_81 = arith.constant 0 : i32
      %dma_wait3A_82 = tpu.memref_slice %arg9[%mul3A_2, %dma_wait3A_81] : memref<10240x128xf32, #tpu.memory_space<vmem_shared>> -> memref<640x128xf32, #tpu.memory_space<vmem_shared>>
      tpu.wait_dma2 semaphore(%run_scoped3A_72 : memref<!tpu.dma_semaphore, #tpu.memory_space<semaphore_mem>>) src(%dma_wait3A_82 : memref<640x128xf32, #tpu.memory_space<vmem_shared>>) dst(%dma_wait3A_80 : memref<640x128xf32, #tpu.memory_space<hbm>>)
      tpu.yield
    }) : () -> ()
    return
  }
}

#map = affine_map<(d0, d1) -> (0, 0)>
#map1 = affine_map<(d0, d1) -> (0, 0, 0)>
module attributes {stable_mosaic.version = 14 : i64} {
  func.func @_sc_scatter_body(%arg0: i32, %arg1: i32, %arg2: memref<10240x128xf32, #tpu.memory_space<hbm>>, %arg3: memref<32x10080xi32, #tpu.memory_space<hbm>>, %arg4: memref<32x105x96xi32, #tpu.memory_space<hbm>>, %arg5: memref<2x10240x128xf32, #tpu.memory_space<hbm>>, %arg6: memref<10080xi32, #tpu.memory_space<vmem>>, %arg7: memref<105x96xi32, #tpu.memory_space<vmem>>, %arg8: memref<2x96x128xf32, #tpu.memory_space<vmem>>, %arg9: memref<10240x128xf32, #tpu.memory_space<vmem_shared>>, %arg10: memref<!tpu.dma_semaphore, #tpu.memory_space<semaphore_mem>>, %arg11: memref<!tpu.dma_semaphore, #tpu.memory_space<semaphore_mem>>) attributes {dimension_semantics = [#tpu.dimension_semantics<core_parallel>, #tpu.dimension_semantics<subcore_parallel>], iteration_bounds = array<i64: 2, 16>, scalar_prefetch = 0 : i64, scratch_operands = 6 : i64, tpu.core_type = #tpu.core_type<sc_vector_subcore>, window_params = [{transform_indices = #map}, {transform_indices = #map}, {transform_indices = #map1}, {transform_indices = #map1}]} {
    %mul3A = arith.constant 2 : i32
    %mul3A_0 = arith.muli %arg1, %mul3A : i32
    %add3A = arith.addi %mul3A_0, %arg0 : i32
    %mul3A_1 = arith.constant 640 : i32
    %mul3A_2 = arith.muli %arg1, %mul3A_1 : i32
    "tpu.region"() ({
      %run_scoped3A_72 = tpu.sem_alloc : memref<!tpu.dma_semaphore, #tpu.memory_space<semaphore_mem>>
      %dma_start3A_73 = arith.constant 0 : i32
      %dma_start3A_74 = tpu.memref_slice %arg9[%mul3A_2, %dma_start3A_73] : memref<10240x128xf32, #tpu.memory_space<vmem_shared>> -> memref<640x128xf32, #tpu.memory_space<vmem_shared>>
      %dma_start3A_75 = arith.constant 0 : i32
      %dma_start3A_76 = tpu.memref_slice %arg2[%mul3A_2, %dma_start3A_75] : memref<10240x128xf32, #tpu.memory_space<hbm>> -> memref<640x128xf32, #tpu.memory_space<hbm>>
      tpu.enqueue_dma source(%dma_start3A_76 : memref<640x128xf32, #tpu.memory_space<hbm>>) target(%dma_start3A_74 : memref<640x128xf32, #tpu.memory_space<vmem_shared>>) target_semaphore(%run_scoped3A_72 : memref<!tpu.dma_semaphore, #tpu.memory_space<semaphore_mem>>)
      %dma_wait3A_77 = arith.constant 0 : i32
      %dma_wait3A_78 = tpu.memref_slice %arg9[%mul3A_2, %dma_wait3A_77] : memref<10240x128xf32, #tpu.memory_space<vmem_shared>> -> memref<640x128xf32, #tpu.memory_space<vmem_shared>>
      %dma_wait3A_79 = arith.constant 0 : i32
      %dma_wait3A_80 = tpu.memref_slice %arg2[%mul3A_2, %dma_wait3A_79] : memref<10240x128xf32, #tpu.memory_space<hbm>> -> memref<640x128xf32, #tpu.memory_space<hbm>>
      tpu.wait_dma2 semaphore(%run_scoped3A_72 : memref<!tpu.dma_semaphore, #tpu.memory_space<semaphore_mem>>) src(%dma_wait3A_80 : memref<640x128xf32, #tpu.memory_space<hbm>>) dst(%dma_wait3A_78 : memref<640x128xf32, #tpu.memory_space<vmem_shared>>)
      tpu.yield
    }) : () -> ()
    "tpu.region"() ({
      %run_scoped3A_72 = tpu.sem_alloc : memref<!tpu.dma_semaphore, #tpu.memory_space<semaphore_mem>>
      %dma_start3A_73 = arith.constant 0 : i32
      %dma_start3A_74 = tpu.memref_slice %arg3[%add3A, %dma_start3A_73] : memref<32x10080xi32, #tpu.memory_space<hbm>> -> memref<1x10080xi32, #tpu.memory_space<hbm>>
      %dma_start3A_75 = tpu.memref_squeeze %dma_start3A_74 : memref<1x10080xi32, #tpu.memory_space<hbm>> -> memref<10080xi32, #tpu.memory_space<hbm>>
      %dma_start3A_76 = arith.constant 0 : i32
      %dma_start3A_77 = tpu.memref_slice %arg3[%add3A, %dma_start3A_76] : memref<32x10080xi32, #tpu.memory_space<hbm>> -> memref<1x10080xi32, #tpu.memory_space<hbm>>
      %dma_start3A_78 = tpu.memref_squeeze %dma_start3A_77 : memref<1x10080xi32, #tpu.memory_space<hbm>> -> memref<10080xi32, #tpu.memory_space<hbm>>
      tpu.enqueue_dma source(%dma_start3A_78 : memref<10080xi32, #tpu.memory_space<hbm>>) target(%arg6 : memref<10080xi32, #tpu.memory_space<vmem>>) target_semaphore(%run_scoped3A_72 : memref<!tpu.dma_semaphore, #tpu.memory_space<semaphore_mem>>)
      %dma_wait3A_79 = arith.constant 0 : i32
      %dma_wait3A_80 = tpu.memref_slice %arg3[%add3A, %dma_wait3A_79] : memref<32x10080xi32, #tpu.memory_space<hbm>> -> memref<1x10080xi32, #tpu.memory_space<hbm>>
      %dma_wait3A_81 = tpu.memref_squeeze %dma_wait3A_80 : memref<1x10080xi32, #tpu.memory_space<hbm>> -> memref<10080xi32, #tpu.memory_space<hbm>>
      %dma_wait3A_82 = arith.constant 0 : i32
      %dma_wait3A_83 = tpu.memref_slice %arg3[%add3A, %dma_wait3A_82] : memref<32x10080xi32, #tpu.memory_space<hbm>> -> memref<1x10080xi32, #tpu.memory_space<hbm>>
      %dma_wait3A_84 = tpu.memref_squeeze %dma_wait3A_83 : memref<1x10080xi32, #tpu.memory_space<hbm>> -> memref<10080xi32, #tpu.memory_space<hbm>>
      tpu.wait_dma2 semaphore(%run_scoped3A_72 : memref<!tpu.dma_semaphore, #tpu.memory_space<semaphore_mem>>) src(%dma_wait3A_84 : memref<10080xi32, #tpu.memory_space<hbm>>) dst(%arg6 : memref<10080xi32, #tpu.memory_space<vmem>>)
      tpu.yield
    }) : () -> ()
    "tpu.region"() ({
      %run_scoped3A_72 = tpu.sem_alloc : memref<!tpu.dma_semaphore, #tpu.memory_space<semaphore_mem>>
      %dma_start3A_73 = arith.constant 0 : i32
      %dma_start3A_74 = arith.constant 0 : i32
      %dma_start3A_75 = tpu.memref_slice %arg4[%add3A, %dma_start3A_73, %dma_start3A_74] : memref<32x105x96xi32, #tpu.memory_space<hbm>> -> memref<1x105x96xi32, #tpu.memory_space<hbm>>
      %dma_start3A_76 = tpu.memref_squeeze %dma_start3A_75 : memref<1x105x96xi32, #tpu.memory_space<hbm>> -> memref<105x96xi32, #tpu.memory_space<hbm>>
      %dma_start3A_77 = arith.constant 0 : i32
      %dma_start3A_78 = arith.constant 0 : i32
      %dma_start3A_79 = tpu.memref_slice %arg4[%add3A, %dma_start3A_77, %dma_start3A_78] : memref<32x105x96xi32, #tpu.memory_space<hbm>> -> memref<1x105x96xi32, #tpu.memory_space<hbm>>
      %dma_start3A_80 = tpu.memref_squeeze %dma_start3A_79 : memref<1x105x96xi32, #tpu.memory_space<hbm>> -> memref<105x96xi32, #tpu.memory_space<hbm>>
      tpu.enqueue_dma source(%dma_start3A_80 : memref<105x96xi32, #tpu.memory_space<hbm>>) target(%arg7 : memref<105x96xi32, #tpu.memory_space<vmem>>) target_semaphore(%run_scoped3A_72 : memref<!tpu.dma_semaphore, #tpu.memory_space<semaphore_mem>>)
      %dma_wait3A_81 = arith.constant 0 : i32
      %dma_wait3A_82 = arith.constant 0 : i32
      %dma_wait3A_83 = tpu.memref_slice %arg4[%add3A, %dma_wait3A_81, %dma_wait3A_82] : memref<32x105x96xi32, #tpu.memory_space<hbm>> -> memref<1x105x96xi32, #tpu.memory_space<hbm>>
      %dma_wait3A_84 = tpu.memref_squeeze %dma_wait3A_83 : memref<1x105x96xi32, #tpu.memory_space<hbm>> -> memref<105x96xi32, #tpu.memory_space<hbm>>
      %dma_wait3A_85 = arith.constant 0 : i32
      %dma_wait3A_86 = arith.constant 0 : i32
      %dma_wait3A_87 = tpu.memref_slice %arg4[%add3A, %dma_wait3A_85, %dma_wait3A_86] : memref<32x105x96xi32, #tpu.memory_space<hbm>> -> memref<1x105x96xi32, #tpu.memory_space<hbm>>
      %dma_wait3A_88 = tpu.memref_squeeze %dma_wait3A_87 : memref<1x105x96xi32, #tpu.memory_space<hbm>> -> memref<105x96xi32, #tpu.memory_space<hbm>>
      tpu.wait_dma2 semaphore(%run_scoped3A_72 : memref<!tpu.dma_semaphore, #tpu.memory_space<semaphore_mem>>) src(%dma_wait3A_88 : memref<105x96xi32, #tpu.memory_space<hbm>>) dst(%arg7 : memref<105x96xi32, #tpu.memory_space<vmem>>)
      tpu.yield
    }) : () -> ()
    %barrier3A = arith.constant 0 : index
    tpu.barrier barrier_id(%barrier3A)
    %dma_start3A = arith.constant 0 : i32
    %dma_start3A_3 = arith.constant 0 : i32
    %dma_start3A_4 = arith.constant 0 : i32
    %dma_start3A_5 = tpu.memref_slice %arg8[%dma_start3A, %dma_start3A_3, %dma_start3A_4] : memref<2x96x128xf32, #tpu.memory_space<vmem>> -> memref<1x96x128xf32, #tpu.memory_space<vmem>>
    %dma_start3A_6 = tpu.memref_squeeze %dma_start3A_5 : memref<1x96x128xf32, #tpu.memory_space<vmem>> -> memref<96x128xf32, #tpu.memory_space<vmem>>
    %dma_start3A_7 = arith.constant 0 : i32
    %dma_start3A_8 = tpu.memref_slice %arg6[%dma_start3A_7] : memref<10080xi32, #tpu.memory_space<vmem>> -> memref<96xi32, #tpu.memory_space<vmem>>
    %dma_start3A_9 = arith.constant 0 : i32
    %dma_start3A_10 = arith.constant 0 : i32
    %dma_start3A_11 = tpu.memref_slice %arg2[%dma_start3A_9, %dma_start3A_10] : memref<10240x128xf32, #tpu.memory_space<hbm>> -> memref<10240x128xf32, #tpu.memory_space<hbm>>
    tpu.enqueue_indirect_dma source(%dma_start3A_11 : memref<10240x128xf32, #tpu.memory_space<hbm>>) target(%dma_start3A_6 : memref<96x128xf32, #tpu.memory_space<vmem>>) offsets(%dma_start3A_8 : memref<96xi32, #tpu.memory_space<vmem>>) semaphore(%arg10 : memref<!tpu.dma_semaphore, #tpu.memory_space<semaphore_mem>>)
    %dma_start3A_12 = arith.constant 1 : i32
    %dma_start3A_13 = arith.constant 0 : i32
    %dma_start3A_14 = arith.constant 0 : i32
    %dma_start3A_15 = tpu.memref_slice %arg8[%dma_start3A_12, %dma_start3A_13, %dma_start3A_14] : memref<2x96x128xf32, #tpu.memory_space<vmem>> -> memref<1x96x128xf32, #tpu.memory_space<vmem>>
    %dma_start3A_16 = tpu.memref_squeeze %dma_start3A_15 : memref<1x96x128xf32, #tpu.memory_space<vmem>> -> memref<96x128xf32, #tpu.memory_space<vmem>>
    %dma_start3A_17 = arith.constant 96 : i32
    %dma_start3A_18 = tpu.memref_slice %arg6[%dma_start3A_17] : memref<10080xi32, #tpu.memory_space<vmem>> -> memref<96xi32, #tpu.memory_space<vmem>>
    %dma_start3A_19 = arith.constant 0 : i32
    %dma_start3A_20 = arith.constant 0 : i32
    %dma_start3A_21 = tpu.memref_slice %arg2[%dma_start3A_19, %dma_start3A_20] : memref<10240x128xf32, #tpu.memory_space<hbm>> -> memref<10240x128xf32, #tpu.memory_space<hbm>>
    tpu.enqueue_indirect_dma source(%dma_start3A_21 : memref<10240x128xf32, #tpu.memory_space<hbm>>) target(%dma_start3A_16 : memref<96x128xf32, #tpu.memory_space<vmem>>) offsets(%dma_start3A_18 : memref<96xi32, #tpu.memory_space<vmem>>) semaphore(%arg11 : memref<!tpu.dma_semaphore, #tpu.memory_space<semaphore_mem>>)
    %scan3A = arith.constant 0 : i32
    %scan3A_22 = arith.constant 0 : i32
    %scan3A_23 = arith.constant 51 : i32
    %scan3A_24 = arith.addi %scan3A_22, %scan3A_23 : i32
    %scan3A_25 = arith.constant 1 : i32
    scf.for %scan3A_72 = %scan3A_22 to %scan3A_24 step %scan3A_25  : i32 {
      %mul3A_73 = arith.constant 2 : i32
      %mul3A_74 = arith.muli %mul3A_73, %scan3A_72 : i32
      %mul3A_75 = arith.constant 96 : i32
      %mul3A_76 = arith.muli %mul3A_74, %mul3A_75 : i32
      %dma_wait3A_77 = arith.constant 0 : i32
      %dma_wait3A_78 = arith.constant 0 : i32
      %dma_wait3A_79 = arith.constant 0 : i32
      %dma_wait3A_80 = tpu.memref_slice %arg8[%dma_wait3A_77, %dma_wait3A_78, %dma_wait3A_79] : memref<2x96x128xf32, #tpu.memory_space<vmem>> -> memref<1x96x128xf32, #tpu.memory_space<vmem>>
      %dma_wait3A_81 = tpu.memref_squeeze %dma_wait3A_80 : memref<1x96x128xf32, #tpu.memory_space<vmem>> -> memref<96x128xf32, #tpu.memory_space<vmem>>
      %dma_wait3A_82 = tpu.memref_slice %arg6[%mul3A_76] : memref<10080xi32, #tpu.memory_space<vmem>> -> memref<96xi32, #tpu.memory_space<vmem>>
      %dma_wait3A_83 = arith.constant 0 : i32
      %dma_wait3A_84 = arith.constant 0 : i32
      %dma_wait3A_85 = tpu.memref_slice %arg2[%dma_wait3A_83, %dma_wait3A_84] : memref<10240x128xf32, #tpu.memory_space<hbm>> -> memref<10240x128xf32, #tpu.memory_space<hbm>>
      tpu.wait_indirect_dma semaphore(%arg10 : memref<!tpu.dma_semaphore, #tpu.memory_space<semaphore_mem>>) src(%dma_wait3A_85 : memref<10240x128xf32, #tpu.memory_space<hbm>>) dst(%dma_wait3A_81 : memref<96x128xf32, #tpu.memory_space<vmem>>)
      %run_scoped3A_86 = arith.constant 0 : i32
      "tpu.region"() ({
        %run_scoped3A_129 = tpu.sem_alloc : memref<!tpu.dma_semaphore, #tpu.memory_space<semaphore_mem>>
        %dma_start3A_130 = arith.constant 0 : i32
        %dma_start3A_131 = arith.constant 0 : i32
        %dma_start3A_132 = tpu.memref_slice %arg8[%run_scoped3A_86, %dma_start3A_130, %dma_start3A_131] : memref<2x96x128xf32, #tpu.memory_space<vmem>> -> memref<1x96x128xf32, #tpu.memory_space<vmem>>
        %dma_start3A_133 = tpu.memref_squeeze %dma_start3A_132 : memref<1x96x128xf32, #tpu.memory_space<vmem>> -> memref<96x128xf32, #tpu.memory_space<vmem>>
        %dma_start3A_134 = arith.constant 0 : i32
        %dma_start3A_135 = tpu.memref_slice %arg7[%mul3A_74, %dma_start3A_134] : memref<105x96xi32, #tpu.memory_space<vmem>> -> memref<1x96xi32, #tpu.memory_space<vmem>>
        %dma_start3A_136 = tpu.memref_squeeze %dma_start3A_135 : memref<1x96xi32, #tpu.memory_space<vmem>> -> memref<96xi32, #tpu.memory_space<vmem>>
        %dma_start3A_137 = arith.constant 0 : i32
        %dma_start3A_138 = arith.constant 0 : i32
        %dma_start3A_139 = tpu.memref_slice %arg9[%dma_start3A_137, %dma_start3A_138] : memref<10240x128xf32, #tpu.memory_space<vmem_shared>> -> memref<10240x128xf32, #tpu.memory_space<vmem_shared>>
        tpu.enqueue_indirect_dma source(%dma_start3A_133 : memref<96x128xf32, #tpu.memory_space<vmem>>) target(%dma_start3A_139 : memref<10240x128xf32, #tpu.memory_space<vmem_shared>>) offsets(%dma_start3A_136 : memref<96xi32, #tpu.memory_space<vmem>>) semaphore(%run_scoped3A_129 : memref<!tpu.dma_semaphore, #tpu.memory_space<semaphore_mem>>) {add = true}
        %dma_wait3A_140 = arith.constant 0 : i32
        %dma_wait3A_141 = arith.constant 0 : i32
        %dma_wait3A_142 = tpu.memref_slice %arg8[%run_scoped3A_86, %dma_wait3A_140, %dma_wait3A_141] : memref<2x96x128xf32, #tpu.memory_space<vmem>> -> memref<1x96x128xf32, #tpu.memory_space<vmem>>
        %dma_wait3A_143 = tpu.memref_squeeze %dma_wait3A_142 : memref<1x96x128xf32, #tpu.memory_space<vmem>> -> memref<96x128xf32, #tpu.memory_space<vmem>>
        %dma_wait3A_144 = arith.constant 0 : i32
        %dma_wait3A_145 = tpu.memref_slice %arg7[%mul3A_74, %dma_wait3A_144] : memref<105x96xi32, #tpu.memory_space<vmem>> -> memref<1x96xi32, #tpu.memory_space<vmem>>
        %dma_wait3A_146 = tpu.memref_squeeze %dma_wait3A_145 : memref<1x96xi32, #tpu.memory_space<vmem>> -> memref<96xi32, #tpu.memory_space<vmem>>
        %dma_wait3A_147 = arith.constant 0 : i32
        %dma_wait3A_148 = arith.constant 0 : i32
        %dma_wait3A_149 = tpu.memref_slice %arg9[%dma_wait3A_147, %dma_wait3A_148] : memref<10240x128xf32, #tpu.memory_space<vmem_shared>> -> memref<10240x128xf32, #tpu.memory_space<vmem_shared>>
        tpu.wait_indirect_dma semaphore(%run_scoped3A_129 : memref<!tpu.dma_semaphore, #tpu.memory_space<semaphore_mem>>) src(%dma_wait3A_143 : memref<96x128xf32, #tpu.memory_space<vmem>>) dst(%dma_wait3A_149 : memref<10240x128xf32, #tpu.memory_space<vmem_shared>>)
        tpu.yield
      }) : () -> ()
      %add3A_87 = arith.constant 2 : i32
      %add3A_88 = arith.addi %mul3A_74, %add3A_87 : i32
      %mul3A_89 = arith.constant 96 : i32
      %mul3A_90 = arith.muli %add3A_88, %mul3A_89 : i32
      %dma_start3A_91 = arith.constant 0 : i32
      %dma_start3A_92 = arith.constant 0 : i32
      %dma_start3A_93 = arith.constant 0 : i32
      %dma_start3A_94 = tpu.memref_slice %arg8[%dma_start3A_91, %dma_start3A_92, %dma_start3A_93] : memref<2x96x128xf32, #tpu.memory_space<vmem>> -> memref<1x96x128xf32, #tpu.memory_space<vmem>>
      %dma_start3A_95 = tpu.memref_squeeze %dma_start3A_94 : memref<1x96x128xf32, #tpu.memory_space<vmem>> -> memref<96x128xf32, #tpu.memory_space<vmem>>
      %dma_start3A_96 = tpu.memref_slice %arg6[%mul3A_90] : memref<10080xi32, #tpu.memory_space<vmem>> -> memref<96xi32, #tpu.memory_space<vmem>>
      %dma_start3A_97 = arith.constant 0 : i32
      %dma_start3A_98 = arith.constant 0 : i32
      %dma_start3A_99 = tpu.memref_slice %arg2[%dma_start3A_97, %dma_start3A_98] : memref<10240x128xf32, #tpu.memory_space<hbm>> -> memref<10240x128xf32, #tpu.memory_space<hbm>>
      tpu.enqueue_indirect_dma source(%dma_start3A_99 : memref<10240x128xf32, #tpu.memory_space<hbm>>) target(%dma_start3A_95 : memref<96x128xf32, #tpu.memory_space<vmem>>) offsets(%dma_start3A_96 : memref<96xi32, #tpu.memory_space<vmem>>) semaphore(%arg10 : memref<!tpu.dma_semaphore, #tpu.memory_space<semaphore_mem>>)
      %add3A_100 = arith.constant 1 : i32
      %add3A_101 = arith.addi %mul3A_74, %add3A_100 : i32
      %mul3A_102 = arith.constant 96 : i32
      %mul3A_103 = arith.muli %add3A_101, %mul3A_102 : i32
      %dma_wait3A_104 = arith.constant 1 : i32
      %dma_wait3A_105 = arith.constant 0 : i32
      %dma_wait3A_106 = arith.constant 0 : i32
      %dma_wait3A_107 = tpu.memref_slice %arg8[%dma_wait3A_104, %dma_wait3A_105, %dma_wait3A_106] : memref<2x96x128xf32, #tpu.memory_space<vmem>> -> memref<1x96x128xf32, #tpu.memory_space<vmem>>
      %dma_wait3A_108 = tpu.memref_squeeze %dma_wait3A_107 : memref<1x96x128xf32, #tpu.memory_space<vmem>> -> memref<96x128xf32, #tpu.memory_space<vmem>>
      %dma_wait3A_109 = tpu.memref_slice %arg6[%mul3A_103] : memref<10080xi32, #tpu.memory_space<vmem>> -> memref<96xi32, #tpu.memory_space<vmem>>
      %dma_wait3A_110 = arith.constant 0 : i32
      %dma_wait3A_111 = arith.constant 0 : i32
      %dma_wait3A_112 = tpu.memref_slice %arg2[%dma_wait3A_110, %dma_wait3A_111] : memref<10240x128xf32, #tpu.memory_space<hbm>> -> memref<10240x128xf32, #tpu.memory_space<hbm>>
      tpu.wait_indirect_dma semaphore(%arg11 : memref<!tpu.dma_semaphore, #tpu.memory_space<semaphore_mem>>) src(%dma_wait3A_112 : memref<10240x128xf32, #tpu.memory_space<hbm>>) dst(%dma_wait3A_108 : memref<96x128xf32, #tpu.memory_space<vmem>>)
      %add3A_113 = arith.constant 1 : i32
      %add3A_114 = arith.addi %mul3A_74, %add3A_113 : i32
      %run_scoped3A_115 = arith.constant 1 : i32
      "tpu.region"() ({
        %run_scoped3A_129 = tpu.sem_alloc : memref<!tpu.dma_semaphore, #tpu.memory_space<semaphore_mem>>
        %dma_start3A_130 = arith.constant 0 : i32
        %dma_start3A_131 = arith.constant 0 : i32
        %dma_start3A_132 = tpu.memref_slice %arg8[%run_scoped3A_115, %dma_start3A_130, %dma_start3A_131] : memref<2x96x128xf32, #tpu.memory_space<vmem>> -> memref<1x96x128xf32, #tpu.memory_space<vmem>>
        %dma_start3A_133 = tpu.memref_squeeze %dma_start3A_132 : memref<1x96x128xf32, #tpu.memory_space<vmem>> -> memref<96x128xf32, #tpu.memory_space<vmem>>
        %dma_start3A_134 = arith.constant 0 : i32
        %dma_start3A_135 = tpu.memref_slice %arg7[%add3A_114, %dma_start3A_134] : memref<105x96xi32, #tpu.memory_space<vmem>> -> memref<1x96xi32, #tpu.memory_space<vmem>>
        %dma_start3A_136 = tpu.memref_squeeze %dma_start3A_135 : memref<1x96xi32, #tpu.memory_space<vmem>> -> memref<96xi32, #tpu.memory_space<vmem>>
        %dma_start3A_137 = arith.constant 0 : i32
        %dma_start3A_138 = arith.constant 0 : i32
        %dma_start3A_139 = tpu.memref_slice %arg9[%dma_start3A_137, %dma_start3A_138] : memref<10240x128xf32, #tpu.memory_space<vmem_shared>> -> memref<10240x128xf32, #tpu.memory_space<vmem_shared>>
        tpu.enqueue_indirect_dma source(%dma_start3A_133 : memref<96x128xf32, #tpu.memory_space<vmem>>) target(%dma_start3A_139 : memref<10240x128xf32, #tpu.memory_space<vmem_shared>>) offsets(%dma_start3A_136 : memref<96xi32, #tpu.memory_space<vmem>>) semaphore(%run_scoped3A_129 : memref<!tpu.dma_semaphore, #tpu.memory_space<semaphore_mem>>) {add = true}
        %dma_wait3A_140 = arith.constant 0 : i32
        %dma_wait3A_141 = arith.constant 0 : i32
        %dma_wait3A_142 = tpu.memref_slice %arg8[%run_scoped3A_115, %dma_wait3A_140, %dma_wait3A_141] : memref<2x96x128xf32, #tpu.memory_space<vmem>> -> memref<1x96x128xf32, #tpu.memory_space<vmem>>
        %dma_wait3A_143 = tpu.memref_squeeze %dma_wait3A_142 : memref<1x96x128xf32, #tpu.memory_space<vmem>> -> memref<96x128xf32, #tpu.memory_space<vmem>>
        %dma_wait3A_144 = arith.constant 0 : i32
        %dma_wait3A_145 = tpu.memref_slice %arg7[%add3A_114, %dma_wait3A_144] : memref<105x96xi32, #tpu.memory_space<vmem>> -> memref<1x96xi32, #tpu.memory_space<vmem>>
        %dma_wait3A_146 = tpu.memref_squeeze %dma_wait3A_145 : memref<1x96xi32, #tpu.memory_space<vmem>> -> memref<96xi32, #tpu.memory_space<vmem>>
        %dma_wait3A_147 = arith.constant 0 : i32
        %dma_wait3A_148 = arith.constant 0 : i32
        %dma_wait3A_149 = tpu.memref_slice %arg9[%dma_wait3A_147, %dma_wait3A_148] : memref<10240x128xf32, #tpu.memory_space<vmem_shared>> -> memref<10240x128xf32, #tpu.memory_space<vmem_shared>>
        tpu.wait_indirect_dma semaphore(%run_scoped3A_129 : memref<!tpu.dma_semaphore, #tpu.memory_space<semaphore_mem>>) src(%dma_wait3A_143 : memref<96x128xf32, #tpu.memory_space<vmem>>) dst(%dma_wait3A_149 : memref<10240x128xf32, #tpu.memory_space<vmem_shared>>)
        tpu.yield
      }) : () -> ()
      %add3A_116 = arith.constant 3 : i32
      %add3A_117 = arith.addi %mul3A_74, %add3A_116 : i32
      %mul3A_118 = arith.constant 96 : i32
      %mul3A_119 = arith.muli %add3A_117, %mul3A_118 : i32
      %dma_start3A_120 = arith.constant 1 : i32
      %dma_start3A_121 = arith.constant 0 : i32
      %dma_start3A_122 = arith.constant 0 : i32
      %dma_start3A_123 = tpu.memref_slice %arg8[%dma_start3A_120, %dma_start3A_121, %dma_start3A_122] : memref<2x96x128xf32, #tpu.memory_space<vmem>> -> memref<1x96x128xf32, #tpu.memory_space<vmem>>
      %dma_start3A_124 = tpu.memref_squeeze %dma_start3A_123 : memref<1x96x128xf32, #tpu.memory_space<vmem>> -> memref<96x128xf32, #tpu.memory_space<vmem>>
      %dma_start3A_125 = tpu.memref_slice %arg6[%mul3A_119] : memref<10080xi32, #tpu.memory_space<vmem>> -> memref<96xi32, #tpu.memory_space<vmem>>
      %dma_start3A_126 = arith.constant 0 : i32
      %dma_start3A_127 = arith.constant 0 : i32
      %dma_start3A_128 = tpu.memref_slice %arg2[%dma_start3A_126, %dma_start3A_127] : memref<10240x128xf32, #tpu.memory_space<hbm>> -> memref<10240x128xf32, #tpu.memory_space<hbm>>
      tpu.enqueue_indirect_dma source(%dma_start3A_128 : memref<10240x128xf32, #tpu.memory_space<hbm>>) target(%dma_start3A_124 : memref<96x128xf32, #tpu.memory_space<vmem>>) offsets(%dma_start3A_125 : memref<96xi32, #tpu.memory_space<vmem>>) semaphore(%arg11 : memref<!tpu.dma_semaphore, #tpu.memory_space<semaphore_mem>>)
    }
    %scan3A_26 = arith.constant 51 : i32
    %dma_wait3A = arith.constant 0 : i32
    %dma_wait3A_27 = arith.constant 0 : i32
    %dma_wait3A_28 = arith.constant 0 : i32
    %dma_wait3A_29 = tpu.memref_slice %arg8[%dma_wait3A, %dma_wait3A_27, %dma_wait3A_28] : memref<2x96x128xf32, #tpu.memory_space<vmem>> -> memref<1x96x128xf32, #tpu.memory_space<vmem>>
    %dma_wait3A_30 = tpu.memref_squeeze %dma_wait3A_29 : memref<1x96x128xf32, #tpu.memory_space<vmem>> -> memref<96x128xf32, #tpu.memory_space<vmem>>
    %dma_wait3A_31 = arith.constant 9792 : i32
    %dma_wait3A_32 = tpu.memref_slice %arg6[%dma_wait3A_31] : memref<10080xi32, #tpu.memory_space<vmem>> -> memref<96xi32, #tpu.memory_space<vmem>>
    %dma_wait3A_33 = arith.constant 0 : i32
    %dma_wait3A_34 = arith.constant 0 : i32
    %dma_wait3A_35 = tpu.memref_slice %arg2[%dma_wait3A_33, %dma_wait3A_34] : memref<10240x128xf32, #tpu.memory_space<hbm>> -> memref<10240x128xf32, #tpu.memory_space<hbm>>
    tpu.wait_indirect_dma semaphore(%arg10 : memref<!tpu.dma_semaphore, #tpu.memory_space<semaphore_mem>>) src(%dma_wait3A_35 : memref<10240x128xf32, #tpu.memory_space<hbm>>) dst(%dma_wait3A_30 : memref<96x128xf32, #tpu.memory_space<vmem>>)
    %run_scoped3A = arith.constant 0 : i32
    %run_scoped3A_36 = arith.constant 102 : i32
    "tpu.region"() ({
      %run_scoped3A_72 = tpu.sem_alloc : memref<!tpu.dma_semaphore, #tpu.memory_space<semaphore_mem>>
      %dma_start3A_73 = arith.constant 0 : i32
      %dma_start3A_74 = arith.constant 0 : i32
      %dma_start3A_75 = tpu.memref_slice %arg8[%run_scoped3A, %dma_start3A_73, %dma_start3A_74] : memref<2x96x128xf32, #tpu.memory_space<vmem>> -> memref<1x96x128xf32, #tpu.memory_space<vmem>>
      %dma_start3A_76 = tpu.memref_squeeze %dma_start3A_75 : memref<1x96x128xf32, #tpu.memory_space<vmem>> -> memref<96x128xf32, #tpu.memory_space<vmem>>
      %dma_start3A_77 = arith.constant 0 : i32
      %dma_start3A_78 = tpu.memref_slice %arg7[%run_scoped3A_36, %dma_start3A_77] : memref<105x96xi32, #tpu.memory_space<vmem>> -> memref<1x96xi32, #tpu.memory_space<vmem>>
      %dma_start3A_79 = tpu.memref_squeeze %dma_start3A_78 : memref<1x96xi32, #tpu.memory_space<vmem>> -> memref<96xi32, #tpu.memory_space<vmem>>
      %dma_start3A_80 = arith.constant 0 : i32
      %dma_start3A_81 = arith.constant 0 : i32
      %dma_start3A_82 = tpu.memref_slice %arg9[%dma_start3A_80, %dma_start3A_81] : memref<10240x128xf32, #tpu.memory_space<vmem_shared>> -> memref<10240x128xf32, #tpu.memory_space<vmem_shared>>
      tpu.enqueue_indirect_dma source(%dma_start3A_76 : memref<96x128xf32, #tpu.memory_space<vmem>>) target(%dma_start3A_82 : memref<10240x128xf32, #tpu.memory_space<vmem_shared>>) offsets(%dma_start3A_79 : memref<96xi32, #tpu.memory_space<vmem>>) semaphore(%run_scoped3A_72 : memref<!tpu.dma_semaphore, #tpu.memory_space<semaphore_mem>>) {add = true}
      %dma_wait3A_83 = arith.constant 0 : i32
      %dma_wait3A_84 = arith.constant 0 : i32
      %dma_wait3A_85 = tpu.memref_slice %arg8[%run_scoped3A, %dma_wait3A_83, %dma_wait3A_84] : memref<2x96x128xf32, #tpu.memory_space<vmem>> -> memref<1x96x128xf32, #tpu.memory_space<vmem>>
      %dma_wait3A_86 = tpu.memref_squeeze %dma_wait3A_85 : memref<1x96x128xf32, #tpu.memory_space<vmem>> -> memref<96x128xf32, #tpu.memory_space<vmem>>
      %dma_wait3A_87 = arith.constant 0 : i32
      %dma_wait3A_88 = tpu.memref_slice %arg7[%run_scoped3A_36, %dma_wait3A_87] : memref<105x96xi32, #tpu.memory_space<vmem>> -> memref<1x96xi32, #tpu.memory_space<vmem>>
      %dma_wait3A_89 = tpu.memref_squeeze %dma_wait3A_88 : memref<1x96xi32, #tpu.memory_space<vmem>> -> memref<96xi32, #tpu.memory_space<vmem>>
      %dma_wait3A_90 = arith.constant 0 : i32
      %dma_wait3A_91 = arith.constant 0 : i32
      %dma_wait3A_92 = tpu.memref_slice %arg9[%dma_wait3A_90, %dma_wait3A_91] : memref<10240x128xf32, #tpu.memory_space<vmem_shared>> -> memref<10240x128xf32, #tpu.memory_space<vmem_shared>>
      tpu.wait_indirect_dma semaphore(%run_scoped3A_72 : memref<!tpu.dma_semaphore, #tpu.memory_space<semaphore_mem>>) src(%dma_wait3A_86 : memref<96x128xf32, #tpu.memory_space<vmem>>) dst(%dma_wait3A_92 : memref<10240x128xf32, #tpu.memory_space<vmem_shared>>)
      tpu.yield
    }) : () -> ()
    %dma_start3A_37 = arith.constant 0 : i32
    %dma_start3A_38 = arith.constant 0 : i32
    %dma_start3A_39 = arith.constant 0 : i32
    %dma_start3A_40 = tpu.memref_slice %arg8[%dma_start3A_37, %dma_start3A_38, %dma_start3A_39] : memref<2x96x128xf32, #tpu.memory_space<vmem>> -> memref<1x96x128xf32, #tpu.memory_space<vmem>>
    %dma_start3A_41 = tpu.memref_squeeze %dma_start3A_40 : memref<1x96x128xf32, #tpu.memory_space<vmem>> -> memref<96x128xf32, #tpu.memory_space<vmem>>
    %dma_start3A_42 = arith.constant 9984 : i32
    %dma_start3A_43 = tpu.memref_slice %arg6[%dma_start3A_42] : memref<10080xi32, #tpu.memory_space<vmem>> -> memref<96xi32, #tpu.memory_space<vmem>>
    %dma_start3A_44 = arith.constant 0 : i32
    %dma_start3A_45 = arith.constant 0 : i32
    %dma_start3A_46 = tpu.memref_slice %arg2[%dma_start3A_44, %dma_start3A_45] : memref<10240x128xf32, #tpu.memory_space<hbm>> -> memref<10240x128xf32, #tpu.memory_space<hbm>>
    tpu.enqueue_indirect_dma source(%dma_start3A_46 : memref<10240x128xf32, #tpu.memory_space<hbm>>) target(%dma_start3A_41 : memref<96x128xf32, #tpu.memory_space<vmem>>) offsets(%dma_start3A_43 : memref<96xi32, #tpu.memory_space<vmem>>) semaphore(%arg10 : memref<!tpu.dma_semaphore, #tpu.memory_space<semaphore_mem>>)
    %dma_wait3A_47 = arith.constant 1 : i32
    %dma_wait3A_48 = arith.constant 0 : i32
    %dma_wait3A_49 = arith.constant 0 : i32
    %dma_wait3A_50 = tpu.memref_slice %arg8[%dma_wait3A_47, %dma_wait3A_48, %dma_wait3A_49] : memref<2x96x128xf32, #tpu.memory_space<vmem>> -> memref<1x96x128xf32, #tpu.memory_space<vmem>>
    %dma_wait3A_51 = tpu.memref_squeeze %dma_wait3A_50 : memref<1x96x128xf32, #tpu.memory_space<vmem>> -> memref<96x128xf32, #tpu.memory_space<vmem>>
    %dma_wait3A_52 = arith.constant 9888 : i32
    %dma_wait3A_53 = tpu.memref_slice %arg6[%dma_wait3A_52] : memref<10080xi32, #tpu.memory_space<vmem>> -> memref<96xi32, #tpu.memory_space<vmem>>
    %dma_wait3A_54 = arith.constant 0 : i32
    %dma_wait3A_55 = arith.constant 0 : i32
    %dma_wait3A_56 = tpu.memref_slice %arg2[%dma_wait3A_54, %dma_wait3A_55] : memref<10240x128xf32, #tpu.memory_space<hbm>> -> memref<10240x128xf32, #tpu.memory_space<hbm>>
    tpu.wait_indirect_dma semaphore(%arg11 : memref<!tpu.dma_semaphore, #tpu.memory_space<semaphore_mem>>) src(%dma_wait3A_56 : memref<10240x128xf32, #tpu.memory_space<hbm>>) dst(%dma_wait3A_51 : memref<96x128xf32, #tpu.memory_space<vmem>>)
    %run_scoped3A_57 = arith.constant 1 : i32
    %run_scoped3A_58 = arith.constant 103 : i32
    "tpu.region"() ({
      %run_scoped3A_72 = tpu.sem_alloc : memref<!tpu.dma_semaphore, #tpu.memory_space<semaphore_mem>>
      %dma_start3A_73 = arith.constant 0 : i32
      %dma_start3A_74 = arith.constant 0 : i32
      %dma_start3A_75 = tpu.memref_slice %arg8[%run_scoped3A_57, %dma_start3A_73, %dma_start3A_74] : memref<2x96x128xf32, #tpu.memory_space<vmem>> -> memref<1x96x128xf32, #tpu.memory_space<vmem>>
      %dma_start3A_76 = tpu.memref_squeeze %dma_start3A_75 : memref<1x96x128xf32, #tpu.memory_space<vmem>> -> memref<96x128xf32, #tpu.memory_space<vmem>>
      %dma_start3A_77 = arith.constant 0 : i32
      %dma_start3A_78 = tpu.memref_slice %arg7[%run_scoped3A_58, %dma_start3A_77] : memref<105x96xi32, #tpu.memory_space<vmem>> -> memref<1x96xi32, #tpu.memory_space<vmem>>
      %dma_start3A_79 = tpu.memref_squeeze %dma_start3A_78 : memref<1x96xi32, #tpu.memory_space<vmem>> -> memref<96xi32, #tpu.memory_space<vmem>>
      %dma_start3A_80 = arith.constant 0 : i32
      %dma_start3A_81 = arith.constant 0 : i32
      %dma_start3A_82 = tpu.memref_slice %arg9[%dma_start3A_80, %dma_start3A_81] : memref<10240x128xf32, #tpu.memory_space<vmem_shared>> -> memref<10240x128xf32, #tpu.memory_space<vmem_shared>>
      tpu.enqueue_indirect_dma source(%dma_start3A_76 : memref<96x128xf32, #tpu.memory_space<vmem>>) target(%dma_start3A_82 : memref<10240x128xf32, #tpu.memory_space<vmem_shared>>) offsets(%dma_start3A_79 : memref<96xi32, #tpu.memory_space<vmem>>) semaphore(%run_scoped3A_72 : memref<!tpu.dma_semaphore, #tpu.memory_space<semaphore_mem>>) {add = true}
      %dma_wait3A_83 = arith.constant 0 : i32
      %dma_wait3A_84 = arith.constant 0 : i32
      %dma_wait3A_85 = tpu.memref_slice %arg8[%run_scoped3A_57, %dma_wait3A_83, %dma_wait3A_84] : memref<2x96x128xf32, #tpu.memory_space<vmem>> -> memref<1x96x128xf32, #tpu.memory_space<vmem>>
      %dma_wait3A_86 = tpu.memref_squeeze %dma_wait3A_85 : memref<1x96x128xf32, #tpu.memory_space<vmem>> -> memref<96x128xf32, #tpu.memory_space<vmem>>
      %dma_wait3A_87 = arith.constant 0 : i32
      %dma_wait3A_88 = tpu.memref_slice %arg7[%run_scoped3A_58, %dma_wait3A_87] : memref<105x96xi32, #tpu.memory_space<vmem>> -> memref<1x96xi32, #tpu.memory_space<vmem>>
      %dma_wait3A_89 = tpu.memref_squeeze %dma_wait3A_88 : memref<1x96xi32, #tpu.memory_space<vmem>> -> memref<96xi32, #tpu.memory_space<vmem>>
      %dma_wait3A_90 = arith.constant 0 : i32
      %dma_wait3A_91 = arith.constant 0 : i32
      %dma_wait3A_92 = tpu.memref_slice %arg9[%dma_wait3A_90, %dma_wait3A_91] : memref<10240x128xf32, #tpu.memory_space<vmem_shared>> -> memref<10240x128xf32, #tpu.memory_space<vmem_shared>>
      tpu.wait_indirect_dma semaphore(%run_scoped3A_72 : memref<!tpu.dma_semaphore, #tpu.memory_space<semaphore_mem>>) src(%dma_wait3A_86 : memref<96x128xf32, #tpu.memory_space<vmem>>) dst(%dma_wait3A_92 : memref<10240x128xf32, #tpu.memory_space<vmem_shared>>)
      tpu.yield
    }) : () -> ()
    %dma_wait3A_59 = arith.constant 0 : i32
    %dma_wait3A_60 = arith.constant 0 : i32
    %dma_wait3A_61 = arith.constant 0 : i32
    %dma_wait3A_62 = tpu.memref_slice %arg8[%dma_wait3A_59, %dma_wait3A_60, %dma_wait3A_61] : memref<2x96x128xf32, #tpu.memory_space<vmem>> -> memref<1x96x128xf32, #tpu.memory_space<vmem>>
    %dma_wait3A_63 = tpu.memref_squeeze %dma_wait3A_62 : memref<1x96x128xf32, #tpu.memory_space<vmem>> -> memref<96x128xf32, #tpu.memory_space<vmem>>
    %dma_wait3A_64 = arith.constant 9984 : i32
    %dma_wait3A_65 = tpu.memref_slice %arg6[%dma_wait3A_64] : memref<10080xi32, #tpu.memory_space<vmem>> -> memref<96xi32, #tpu.memory_space<vmem>>
    %dma_wait3A_66 = arith.constant 0 : i32
    %dma_wait3A_67 = arith.constant 0 : i32
    %dma_wait3A_68 = tpu.memref_slice %arg2[%dma_wait3A_66, %dma_wait3A_67] : memref<10240x128xf32, #tpu.memory_space<hbm>> -> memref<10240x128xf32, #tpu.memory_space<hbm>>
    tpu.wait_indirect_dma semaphore(%arg10 : memref<!tpu.dma_semaphore, #tpu.memory_space<semaphore_mem>>) src(%dma_wait3A_68 : memref<10240x128xf32, #tpu.memory_space<hbm>>) dst(%dma_wait3A_63 : memref<96x128xf32, #tpu.memory_space<vmem>>)
    %run_scoped3A_69 = arith.constant 0 : i32
    %run_scoped3A_70 = arith.constant 104 : i32
    "tpu.region"() ({
      %run_scoped3A_72 = tpu.sem_alloc : memref<!tpu.dma_semaphore, #tpu.memory_space<semaphore_mem>>
      %dma_start3A_73 = arith.constant 0 : i32
      %dma_start3A_74 = arith.constant 0 : i32
      %dma_start3A_75 = tpu.memref_slice %arg8[%run_scoped3A_69, %dma_start3A_73, %dma_start3A_74] : memref<2x96x128xf32, #tpu.memory_space<vmem>> -> memref<1x96x128xf32, #tpu.memory_space<vmem>>
      %dma_start3A_76 = tpu.memref_squeeze %dma_start3A_75 : memref<1x96x128xf32, #tpu.memory_space<vmem>> -> memref<96x128xf32, #tpu.memory_space<vmem>>
      %dma_start3A_77 = arith.constant 0 : i32
      %dma_start3A_78 = tpu.memref_slice %arg7[%run_scoped3A_70, %dma_start3A_77] : memref<105x96xi32, #tpu.memory_space<vmem>> -> memref<1x96xi32, #tpu.memory_space<vmem>>
      %dma_start3A_79 = tpu.memref_squeeze %dma_start3A_78 : memref<1x96xi32, #tpu.memory_space<vmem>> -> memref<96xi32, #tpu.memory_space<vmem>>
      %dma_start3A_80 = arith.constant 0 : i32
      %dma_start3A_81 = arith.constant 0 : i32
      %dma_start3A_82 = tpu.memref_slice %arg9[%dma_start3A_80, %dma_start3A_81] : memref<10240x128xf32, #tpu.memory_space<vmem_shared>> -> memref<10240x128xf32, #tpu.memory_space<vmem_shared>>
      tpu.enqueue_indirect_dma source(%dma_start3A_76 : memref<96x128xf32, #tpu.memory_space<vmem>>) target(%dma_start3A_82 : memref<10240x128xf32, #tpu.memory_space<vmem_shared>>) offsets(%dma_start3A_79 : memref<96xi32, #tpu.memory_space<vmem>>) semaphore(%run_scoped3A_72 : memref<!tpu.dma_semaphore, #tpu.memory_space<semaphore_mem>>) {add = true}
      %dma_wait3A_83 = arith.constant 0 : i32
      %dma_wait3A_84 = arith.constant 0 : i32
      %dma_wait3A_85 = tpu.memref_slice %arg8[%run_scoped3A_69, %dma_wait3A_83, %dma_wait3A_84] : memref<2x96x128xf32, #tpu.memory_space<vmem>> -> memref<1x96x128xf32, #tpu.memory_space<vmem>>
      %dma_wait3A_86 = tpu.memref_squeeze %dma_wait3A_85 : memref<1x96x128xf32, #tpu.memory_space<vmem>> -> memref<96x128xf32, #tpu.memory_space<vmem>>
      %dma_wait3A_87 = arith.constant 0 : i32
      %dma_wait3A_88 = tpu.memref_slice %arg7[%run_scoped3A_70, %dma_wait3A_87] : memref<105x96xi32, #tpu.memory_space<vmem>> -> memref<1x96xi32, #tpu.memory_space<vmem>>
      %dma_wait3A_89 = tpu.memref_squeeze %dma_wait3A_88 : memref<1x96xi32, #tpu.memory_space<vmem>> -> memref<96xi32, #tpu.memory_space<vmem>>
      %dma_wait3A_90 = arith.constant 0 : i32
      %dma_wait3A_91 = arith.constant 0 : i32
      %dma_wait3A_92 = tpu.memref_slice %arg9[%dma_wait3A_90, %dma_wait3A_91] : memref<10240x128xf32, #tpu.memory_space<vmem_shared>> -> memref<10240x128xf32, #tpu.memory_space<vmem_shared>>
      tpu.wait_indirect_dma semaphore(%run_scoped3A_72 : memref<!tpu.dma_semaphore, #tpu.memory_space<semaphore_mem>>) src(%dma_wait3A_86 : memref<96x128xf32, #tpu.memory_space<vmem>>) dst(%dma_wait3A_92 : memref<10240x128xf32, #tpu.memory_space<vmem_shared>>)
      tpu.yield
    }) : () -> ()
    %barrier3A_71 = arith.constant 0 : index
    tpu.barrier barrier_id(%barrier3A_71)
    "tpu.region"() ({
      %run_scoped3A_72 = tpu.sem_alloc : memref<!tpu.dma_semaphore, #tpu.memory_space<semaphore_mem>>
      %dma_start3A_73 = arith.constant 0 : i32
      %dma_start3A_74 = tpu.memref_slice %arg5[%arg0, %mul3A_2, %dma_start3A_73] : memref<2x10240x128xf32, #tpu.memory_space<hbm>> -> memref<1x640x128xf32, #tpu.memory_space<hbm>>
      %dma_start3A_75 = tpu.memref_squeeze %dma_start3A_74 : memref<1x640x128xf32, #tpu.memory_space<hbm>> -> memref<640x128xf32, #tpu.memory_space<hbm>>
      %dma_start3A_76 = arith.constant 0 : i32
      %dma_start3A_77 = tpu.memref_slice %arg9[%mul3A_2, %dma_start3A_76] : memref<10240x128xf32, #tpu.memory_space<vmem_shared>> -> memref<640x128xf32, #tpu.memory_space<vmem_shared>>
      tpu.enqueue_dma source(%dma_start3A_77 : memref<640x128xf32, #tpu.memory_space<vmem_shared>>) target(%dma_start3A_75 : memref<640x128xf32, #tpu.memory_space<hbm>>) target_semaphore(%run_scoped3A_72 : memref<!tpu.dma_semaphore, #tpu.memory_space<semaphore_mem>>)
      %dma_wait3A_78 = arith.constant 0 : i32
      %dma_wait3A_79 = tpu.memref_slice %arg5[%arg0, %mul3A_2, %dma_wait3A_78] : memref<2x10240x128xf32, #tpu.memory_space<hbm>> -> memref<1x640x128xf32, #tpu.memory_space<hbm>>
      %dma_wait3A_80 = tpu.memref_squeeze %dma_wait3A_79 : memref<1x640x128xf32, #tpu.memory_space<hbm>> -> memref<640x128xf32, #tpu.memory_space<hbm>>
      %dma_wait3A_81 = arith.constant 0 : i32
      %dma_wait3A_82 = tpu.memref_slice %arg9[%mul3A_2, %dma_wait3A_81] : memref<10240x128xf32, #tpu.memory_space<vmem_shared>> -> memref<640x128xf32, #tpu.memory_space<vmem_shared>>
      tpu.wait_dma2 semaphore(%run_scoped3A_72 : memref<!tpu.dma_semaphore, #tpu.memory_space<semaphore_mem>>) src(%dma_wait3A_82 : memref<640x128xf32, #tpu.memory_space<vmem_shared>>) dst(%dma_wait3A_80 : memref<640x128xf32, #tpu.memory_space<hbm>>)
      tpu.yield
    }) : () -> ()
    return
  }
}

module attributes {stable_mosaic.version = 14 : i64} {
  func.func @_tc_matmul_body(%arg0: i32, %arg1: memref<1000x128xf32, #tpu.memory_space<vmem>>, %arg2: memref<128x128xf32, #tpu.memory_space<vmem>>, %arg3: memref<1000x128xf32, #tpu.memory_space<vmem>>) attributes {dimension_semantics = [#tpu.dimension_semantics<arbitrary>], iteration_bounds = array<i64: 10>, scalar_prefetch = 0 : i64, scratch_operands = 0 : i64, tpu.core_type = #tpu.core_type<tc>, window_params = [{transform_indices = @transform_0, window_bounds = array<i64: 1000, 128>}, {pipeline_mode = #tpu.pipeline_mode<synchronous>, transform_indices = @transform_1, window_bounds = array<i64: 128, 128>}, {transform_indices = @transform_2, window_bounds = array<i64: 1000, 128>}]} {
    %get3A = arith.constant 0 : index
    %get3A_0 = arith.constant 0 : index
    %get3A_1 = vector.load %arg1[%get3A, %get3A_0] : memref<1000x128xf32, #tpu.memory_space<vmem>>, vector<1000x128xf32>
    %get3A_2 = arith.constant 0 : index
    %get3A_3 = arith.constant 0 : index
    %get3A_4 = vector.load %arg2[%get3A_2, %get3A_3] : memref<128x128xf32, #tpu.memory_space<vmem>>, vector<128x128xf32>
    %dot_general3A = arith.constant dense<0.000000e+00> : vector<1000x128xf32>
    %dot_general3A_5 = tpu.matmul %get3A_1, %get3A_4, %dot_general3A {dimension_numbers = #tpu.dot_dimension_numbers<[1], [0], [0], [1], [0, 0, 1, 1], [], []>, transpose_lhs_hint = false} : vector<1000x128xf32>, vector<128x128xf32>, vector<1000x128xf32> -> vector<1000x128xf32>
    %swap3A = arith.constant 0 : index
    %swap3A_6 = arith.constant 0 : index
    %swap3A_7 = vector.load %arg3[%swap3A, %swap3A_6] : memref<1000x128xf32, #tpu.memory_space<vmem>>, vector<1000x128xf32>
    tpu.vector_store %arg3[%swap3A, %swap3A_6], %dot_general3A_5 {strides = array<i32>} : memref<1000x128xf32, #tpu.memory_space<vmem>>, vector<1000x128xf32>,
    return
  }
  func.func @transform_0(%arg0: i32) -> (i32, i32) {
    %c0_i32 = arith.constant 0 : i32
    %c0_i32_0 = arith.constant 0 : i32
    return %arg0, %c0_i32 : i32, i32
  }
  func.func @transform_1(%arg0: i32) -> (i32, i32) {
    %c0_i32 = arith.constant 0 : i32
    %c0_i32_0 = arith.constant 0 : i32
    %c0_i32_1 = arith.constant 0 : i32
    return %c0_i32, %c0_i32_0 : i32, i32
  }
  func.func @transform_2(%arg0: i32) -> (i32, i32) {
    %c0_i32 = arith.constant 0 : i32
    %c0_i32_0 = arith.constant 0 : i32
    return %arg0, %c0_i32 : i32, i32
  }
}

module attributes {stable_mosaic.version = 14 : i64} {
  func.func @_tc_scale_body(%arg0: i32, %arg1: memref<1000x128xf32, #tpu.memory_space<vmem>>, %arg2: memref<2x1000x1xf32, #tpu.memory_space<vmem>>, %arg3: memref<1000x1xf32, #tpu.memory_space<vmem>>, %arg4: memref<1000x128xf32, #tpu.memory_space<vmem>>) attributes {dimension_semantics = [#tpu.dimension_semantics<arbitrary>], iteration_bounds = array<i64: 10>, scalar_prefetch = 0 : i64, scratch_operands = 0 : i64, tpu.core_type = #tpu.core_type<tc>, window_params = [{transform_indices = @transform_0, window_bounds = array<i64: 1000, 128>}, {transform_indices = @transform_1, window_bounds = array<i64: 2, 1000, 1>}, {transform_indices = @transform_2, window_bounds = array<i64: 1000, 1>}, {transform_indices = @transform_3, window_bounds = array<i64: 1000, 128>}]} {
    %get3A = arith.constant 0 : index
    %get3A_0 = arith.constant 0 : index
    %get3A_1 = arith.constant 0 : index
    %get3A_2 = vector.load %arg2[%get3A, %get3A_0, %get3A_1] : memref<2x1000x1xf32, #tpu.memory_space<vmem>>, vector<1x1000x1xf32>
    %get3A_3 = vector.shape_cast %get3A_2 : vector<1x1000x1xf32> to vector<1000x1xf32>
    %get3A_4 = arith.constant 1 : index
    %get3A_5 = arith.constant 0 : index
    %get3A_6 = arith.constant 0 : index
    %get3A_7 = vector.load %arg2[%get3A_4, %get3A_5, %get3A_6] : memref<2x1000x1xf32, #tpu.memory_space<vmem>>, vector<1x1000x1xf32>
    %get3A_8 = vector.shape_cast %get3A_7 : vector<1x1000x1xf32> to vector<1000x1xf32>
    %add3A = arith.addf %get3A_3, %get3A_8 : vector<1000x1xf32>
    %sub3A = arith.constant 1.000000e+00 : f32
    %sub3A_9 = vector.broadcast %sub3A : f32 to vector<1000x1xf32>
    %sub3A_10 = arith.subf %add3A, %sub3A_9 : vector<1000x1xf32>
    %rsqrt3A = math.rsqrt %sub3A_10 : vector<1000x1xf32>
    %swap3A = arith.constant 0 : index
    %swap3A_11 = arith.constant 0 : index
    %swap3A_12 = vector.load %arg3[%swap3A, %swap3A_11] : memref<1000x1xf32, #tpu.memory_space<vmem>>, vector<1000x1xf32>
    tpu.vector_store %arg3[%swap3A, %swap3A_11], %rsqrt3A {strides = array<i32>} : memref<1000x1xf32, #tpu.memory_space<vmem>>, vector<1000x1xf32>,
    %get3A_13 = arith.constant 0 : index
    %get3A_14 = arith.constant 0 : index
    %get3A_15 = vector.load %arg1[%get3A_13, %get3A_14] : memref<1000x128xf32, #tpu.memory_space<vmem>>, vector<1000x128xf32>
    %mul3A = vector.broadcast %rsqrt3A : vector<1000x1xf32> to vector<1000x128xf32>
    %mul3A_16 = arith.mulf %get3A_15, %mul3A : vector<1000x128xf32>
    %swap3A_17 = arith.constant 0 : index
    %swap3A_18 = arith.constant 0 : index
    %swap3A_19 = vector.load %arg4[%swap3A_17, %swap3A_18] : memref<1000x128xf32, #tpu.memory_space<vmem>>, vector<1000x128xf32>
    tpu.vector_store %arg4[%swap3A_17, %swap3A_18], %mul3A_16 {strides = array<i32>} : memref<1000x128xf32, #tpu.memory_space<vmem>>, vector<1000x128xf32>,
    return
  }
  func.func @transform_0(%arg0: i32) -> (i32, i32) {
    %c0_i32 = arith.constant 0 : i32
    %c0_i32_0 = arith.constant 0 : i32
    return %arg0, %c0_i32 : i32, i32
  }
  func.func @transform_1(%arg0: i32) -> (i32, i32, i32) {
    %c0_i32 = arith.constant 0 : i32
    %c0_i32_0 = arith.constant 0 : i32
    %c0_i32_1 = arith.constant 0 : i32
    return %c0_i32, %arg0, %c0_i32_0 : i32, i32, i32
  }
  func.func @transform_2(%arg0: i32) -> (i32, i32) {
    %c0_i32 = arith.constant 0 : i32
    %c0_i32_0 = arith.constant 0 : i32
    return %arg0, %c0_i32 : i32, i32
  }
  func.func @transform_3(%arg0: i32) -> (i32, i32) {
    %c0_i32 = arith.constant 0 : i32
    %c0_i32_0 = arith.constant 0 : i32
    return %arg0, %c0_i32 : i32, i32
  }
}

module attributes {stable_mosaic.version = 14 : i64} {
  func.func @_tc_mid_body(%arg0: i32, %arg1: memref<2x1000x128xf32, #tpu.memory_space<vmem>>, %arg2: memref<1000x128xf32, #tpu.memory_space<vmem>>, %arg3: memref<1000x1xf32, #tpu.memory_space<vmem>>, %arg4: memref<1x128xf32, #tpu.memory_space<vmem>>, %arg5: memref<128x128xf32, #tpu.memory_space<vmem>>, %arg6: memref<1000x128xf32, #tpu.memory_space<vmem>>, %arg7: memref<1000x128xf32, #tpu.memory_space<vmem>>) attributes {dimension_semantics = [#tpu.dimension_semantics<arbitrary>], iteration_bounds = array<i64: 10>, scalar_prefetch = 0 : i64, scratch_operands = 0 : i64, tpu.core_type = #tpu.core_type<tc>, window_params = [{transform_indices = @transform_0, window_bounds = array<i64: 2, 1000, 128>}, {transform_indices = @transform_1, window_bounds = array<i64: 1000, 128>}, {transform_indices = @transform_2, window_bounds = array<i64: 1000, 1>}, {pipeline_mode = #tpu.pipeline_mode<synchronous>, transform_indices = @transform_3, window_bounds = array<i64: 1, 128>}, {pipeline_mode = #tpu.pipeline_mode<synchronous>, transform_indices = @transform_4, window_bounds = array<i64: 128, 128>}, {transform_indices = @transform_5, window_bounds = array<i64: 1000, 128>}, {transform_indices = @transform_6, window_bounds = array<i64: 1000, 128>}]} {
    %get3A = arith.constant 0 : index
    %get3A_0 = arith.constant 0 : index
    %get3A_1 = vector.load %arg3[%get3A, %get3A_0] : memref<1000x1xf32, #tpu.memory_space<vmem>>, vector<1000x1xf32>
    %get3A_2 = arith.constant 0 : index
    %get3A_3 = arith.constant 0 : index
    %get3A_4 = arith.constant 0 : index
    %get3A_5 = vector.load %arg1[%get3A_2, %get3A_3, %get3A_4] : memref<2x1000x128xf32, #tpu.memory_space<vmem>>, vector<1x1000x128xf32>
    %get3A_6 = vector.shape_cast %get3A_5 : vector<1x1000x128xf32> to vector<1000x128xf32>
    %get3A_7 = arith.constant 1 : index
    %get3A_8 = arith.constant 0 : index
    %get3A_9 = arith.constant 0 : index
    %get3A_10 = vector.load %arg1[%get3A_7, %get3A_8, %get3A_9] : memref<2x1000x128xf32, #tpu.memory_space<vmem>>, vector<1x1000x128xf32>
    %get3A_11 = vector.shape_cast %get3A_10 : vector<1x1000x128xf32> to vector<1000x128xf32>
    %add3A = arith.addf %get3A_6, %get3A_11 : vector<1000x128xf32>
    %get3A_12 = arith.constant 0 : index
    %get3A_13 = arith.constant 0 : index
    %get3A_14 = vector.load %arg2[%get3A_12, %get3A_13] : memref<1000x128xf32, #tpu.memory_space<vmem>>, vector<1000x128xf32>
    %sub3A = arith.subf %add3A, %get3A_14 : vector<1000x128xf32>
    %mul3A = vector.broadcast %get3A_1 : vector<1000x1xf32> to vector<1000x128xf32>
    %mul3A_15 = arith.mulf %mul3A, %sub3A : vector<1000x128xf32>
    %get3A_16 = arith.constant 0 : index
    %get3A_17 = arith.constant 0 : index
    %get3A_18 = vector.load %arg4[%get3A_16, %get3A_17] : memref<1x128xf32, #tpu.memory_space<vmem>>, vector<1x128xf32>
    %add3A_19 = vector.broadcast %get3A_18 : vector<1x128xf32> to vector<1000x128xf32>
    %add3A_20 = arith.addf %mul3A_15, %add3A_19 : vector<1000x128xf32>
    %swap3A = arith.constant 0 : index
    %swap3A_21 = arith.constant 0 : index
    %swap3A_22 = vector.load %arg6[%swap3A, %swap3A_21] : memref<1000x128xf32, #tpu.memory_space<vmem>>, vector<1000x128xf32>
    tpu.vector_store %arg6[%swap3A, %swap3A_21], %add3A_20 {strides = array<i32>} : memref<1000x128xf32, #tpu.memory_space<vmem>>, vector<1000x128xf32>,
    %get3A_23 = arith.constant 0 : index
    %get3A_24 = arith.constant 0 : index
    %get3A_25 = vector.load %arg5[%get3A_23, %get3A_24] : memref<128x128xf32, #tpu.memory_space<vmem>>, vector<128x128xf32>
    %dot_general3A = arith.constant dense<0.000000e+00> : vector<1000x128xf32>
    %dot_general3A_26 = tpu.matmul %add3A_20, %get3A_25, %dot_general3A {dimension_numbers = #tpu.dot_dimension_numbers<[1], [0], [0], [1], [0, 0, 1, 1], [], []>, transpose_lhs_hint = false} : vector<1000x128xf32>, vector<128x128xf32>, vector<1000x128xf32> -> vector<1000x128xf32>
    %mul3A_27 = vector.broadcast %get3A_1 : vector<1000x1xf32> to vector<1000x128xf32>
    %mul3A_28 = arith.mulf %dot_general3A_26, %mul3A_27 : vector<1000x128xf32>
    %swap3A_29 = arith.constant 0 : index
    %swap3A_30 = arith.constant 0 : index
    %swap3A_31 = vector.load %arg7[%swap3A_29, %swap3A_30] : memref<1000x128xf32, #tpu.memory_space<vmem>>, vector<1000x128xf32>
    tpu.vector_store %arg7[%swap3A_29, %swap3A_30], %mul3A_28 {strides = array<i32>} : memref<1000x128xf32, #tpu.memory_space<vmem>>, vector<1000x128xf32>,
    return
  }
  func.func @transform_0(%arg0: i32) -> (i32, i32, i32) {
    %c0_i32 = arith.constant 0 : i32
    %c0_i32_0 = arith.constant 0 : i32
    %c0_i32_1 = arith.constant 0 : i32
    return %c0_i32, %arg0, %c0_i32_0 : i32, i32, i32
  }
  func.func @transform_1(%arg0: i32) -> (i32, i32) {
    %c0_i32 = arith.constant 0 : i32
    %c0_i32_0 = arith.constant 0 : i32
    return %arg0, %c0_i32 : i32, i32
  }
  func.func @transform_2(%arg0: i32) -> (i32, i32) {
    %c0_i32 = arith.constant 0 : i32
    %c0_i32_0 = arith.constant 0 : i32
    return %arg0, %c0_i32 : i32, i32
  }
  func.func @transform_3(%arg0: i32) -> (i32, i32) {
    %c0_i32 = arith.constant 0 : i32
    %c0_i32_0 = arith.constant 0 : i32
    %c0_i32_1 = arith.constant 0 : i32
    return %c0_i32, %c0_i32_0 : i32, i32
  }
  func.func @transform_4(%arg0: i32) -> (i32, i32) {
    %c0_i32 = arith.constant 0 : i32
    %c0_i32_0 = arith.constant 0 : i32
    %c0_i32_1 = arith.constant 0 : i32
    return %c0_i32, %c0_i32_0 : i32, i32
  }
  func.func @transform_5(%arg0: i32) -> (i32, i32) {
    %c0_i32 = arith.constant 0 : i32
    %c0_i32_0 = arith.constant 0 : i32
    return %arg0, %c0_i32 : i32, i32
  }
  func.func @transform_6(%arg0: i32) -> (i32, i32) {
    %c0_i32 = arith.constant 0 : i32
    %c0_i32_0 = arith.constant 0 : i32
    return %arg0, %c0_i32 : i32, i32
  }
}

module attributes {stable_mosaic.version = 14 : i64} {
  func.func @_tc_final_body(%arg0: i32, %arg1: memref<2x1000x128xf32, #tpu.memory_space<vmem>>, %arg2: memref<1000x128xf32, #tpu.memory_space<vmem>>, %arg3: memref<1000x1xf32, #tpu.memory_space<vmem>>, %arg4: memref<1x128xf32, #tpu.memory_space<vmem>>, %arg5: memref<1000x128xf32, #tpu.memory_space<vmem>>, %arg6: memref<1000x128xf32, #tpu.memory_space<vmem>>, %arg7: memref<1000x128xf32, #tpu.memory_space<vmem>>, %arg8: memref<512x64xf32, #tpu.memory_space<vmem>>, %arg9: memref<1x64xf32, #tpu.memory_space<vmem>>, %arg10: memref<1000x512xf32, #tpu.memory_space<vmem>>, %arg11: memref<1000x64xf32, #tpu.memory_space<vmem>>) attributes {dimension_semantics = [#tpu.dimension_semantics<arbitrary>], iteration_bounds = array<i64: 10>, scalar_prefetch = 0 : i64, scratch_operands = 0 : i64, tpu.core_type = #tpu.core_type<tc>, window_params = [{transform_indices = @transform_0, window_bounds = array<i64: 2, 1000, 128>}, {transform_indices = @transform_1, window_bounds = array<i64: 1000, 128>}, {transform_indices = @transform_2, window_bounds = array<i64: 1000, 1>}, {pipeline_mode = #tpu.pipeline_mode<synchronous>, transform_indices = @transform_3, window_bounds = array<i64: 1, 128>}, {transform_indices = @transform_4, window_bounds = array<i64: 1000, 128>}, {transform_indices = @transform_5, window_bounds = array<i64: 1000, 128>}, {transform_indices = @transform_6, window_bounds = array<i64: 1000, 128>}, {pipeline_mode = #tpu.pipeline_mode<synchronous>, transform_indices = @transform_7, window_bounds = array<i64: 512, 64>}, {pipeline_mode = #tpu.pipeline_mode<synchronous>, transform_indices = @transform_8, window_bounds = array<i64: 1, 64>}, {transform_indices = @transform_9, window_bounds = array<i64: 1000, 512>}, {transform_indices = @transform_10, window_bounds = array<i64: 1000, 64>}]} {
    %get3A = arith.constant 0 : index
    %get3A_0 = arith.constant 0 : index
    %get3A_1 = vector.load %arg3[%get3A, %get3A_0] : memref<1000x1xf32, #tpu.memory_space<vmem>>, vector<1000x1xf32>
    %get3A_2 = arith.constant 0 : index
    %get3A_3 = arith.constant 0 : index
    %get3A_4 = arith.constant 0 : index
    %get3A_5 = vector.load %arg1[%get3A_2, %get3A_3, %get3A_4] : memref<2x1000x128xf32, #tpu.memory_space<vmem>>, vector<1x1000x128xf32>
    %get3A_6 = vector.shape_cast %get3A_5 : vector<1x1000x128xf32> to vector<1000x128xf32>
    %get3A_7 = arith.constant 1 : index
    %get3A_8 = arith.constant 0 : index
    %get3A_9 = arith.constant 0 : index
    %get3A_10 = vector.load %arg1[%get3A_7, %get3A_8, %get3A_9] : memref<2x1000x128xf32, #tpu.memory_space<vmem>>, vector<1x1000x128xf32>
    %get3A_11 = vector.shape_cast %get3A_10 : vector<1x1000x128xf32> to vector<1000x128xf32>
    %add3A = arith.addf %get3A_6, %get3A_11 : vector<1000x128xf32>
    %get3A_12 = arith.constant 0 : index
    %get3A_13 = arith.constant 0 : index
    %get3A_14 = vector.load %arg2[%get3A_12, %get3A_13] : memref<1000x128xf32, #tpu.memory_space<vmem>>, vector<1000x128xf32>
    %sub3A = arith.subf %add3A, %get3A_14 : vector<1000x128xf32>
    %mul3A = vector.broadcast %get3A_1 : vector<1000x1xf32> to vector<1000x128xf32>
    %mul3A_15 = arith.mulf %mul3A, %sub3A : vector<1000x128xf32>
    %get3A_16 = arith.constant 0 : index
    %get3A_17 = arith.constant 0 : index
    %get3A_18 = vector.load %arg4[%get3A_16, %get3A_17] : memref<1x128xf32, #tpu.memory_space<vmem>>, vector<1x128xf32>
    %add3A_19 = vector.broadcast %get3A_18 : vector<1x128xf32> to vector<1000x128xf32>
    %add3A_20 = arith.addf %mul3A_15, %add3A_19 : vector<1000x128xf32>
    %get3A_21 = arith.constant 0 : index
    %get3A_22 = arith.constant 0 : index
    %get3A_23 = vector.load %arg5[%get3A_21, %get3A_22] : memref<1000x128xf32, #tpu.memory_space<vmem>>, vector<1000x128xf32>
    %get3A_24 = arith.constant 0 : index
    %get3A_25 = arith.constant 0 : index
    %get3A_26 = vector.load %arg6[%get3A_24, %get3A_25] : memref<1000x128xf32, #tpu.memory_space<vmem>>, vector<1000x128xf32>
    %get3A_27 = arith.constant 0 : index
    %get3A_28 = arith.constant 0 : index
    %get3A_29 = vector.load %arg7[%get3A_27, %get3A_28] : memref<1000x128xf32, #tpu.memory_space<vmem>>, vector<1000x128xf32>
    %concatenate3A = tpu.concatenate %get3A_23, %get3A_26, %get3A_29, %add3A_20 in 1 : vector<1000x128xf32>, vector<1000x128xf32>, vector<1000x128xf32>, vector<1000x128xf32> -> vector<1000x512xf32>
    %swap3A = arith.constant 0 : index
    %swap3A_30 = arith.constant 0 : index
    %swap3A_31 = vector.load %arg10[%swap3A, %swap3A_30] : memref<1000x512xf32, #tpu.memory_space<vmem>>, vector<1000x512xf32>
    tpu.vector_store %arg10[%swap3A, %swap3A_30], %concatenate3A {strides = array<i32>} : memref<1000x512xf32, #tpu.memory_space<vmem>>, vector<1000x512xf32>,
    %get3A_32 = arith.constant 0 : index
    %get3A_33 = arith.constant 0 : index
    %get3A_34 = vector.load %arg8[%get3A_32, %get3A_33] : memref<512x64xf32, #tpu.memory_space<vmem>>, vector<512x64xf32>
    %dot_general3A = arith.constant dense<0.000000e+00> : vector<1000x64xf32>
    %dot_general3A_35 = tpu.matmul %concatenate3A, %get3A_34, %dot_general3A {dimension_numbers = #tpu.dot_dimension_numbers<[1], [0], [0], [1], [0, 0, 1, 1], [], []>, transpose_lhs_hint = false} : vector<1000x512xf32>, vector<512x64xf32>, vector<1000x64xf32> -> vector<1000x64xf32>
    %get3A_36 = arith.constant 0 : index
    %get3A_37 = arith.constant 0 : index
    %get3A_38 = vector.load %arg9[%get3A_36, %get3A_37] : memref<1x64xf32, #tpu.memory_space<vmem>>, vector<1x64xf32>
    %add3A_39 = vector.broadcast %get3A_38 : vector<1x64xf32> to vector<1000x64xf32>
    %add3A_40 = arith.addf %dot_general3A_35, %add3A_39 : vector<1000x64xf32>
    %swap3A_41 = arith.constant 0 : index
    %swap3A_42 = arith.constant 0 : index
    %swap3A_43 = vector.load %arg11[%swap3A_41, %swap3A_42] : memref<1000x64xf32, #tpu.memory_space<vmem>>, vector<1000x64xf32>
    tpu.vector_store %arg11[%swap3A_41, %swap3A_42], %add3A_40 {strides = array<i32>} : memref<1000x64xf32, #tpu.memory_space<vmem>>, vector<1000x64xf32>,
    return
  }
  func.func @transform_0(%arg0: i32) -> (i32, i32, i32) {
    %c0_i32 = arith.constant 0 : i32
    %c0_i32_0 = arith.constant 0 : i32
    %c0_i32_1 = arith.constant 0 : i32
    return %c0_i32, %arg0, %c0_i32_0 : i32, i32, i32
  }
  func.func @transform_1(%arg0: i32) -> (i32, i32) {
    %c0_i32 = arith.constant 0 : i32
    %c0_i32_0 = arith.constant 0 : i32
    return %arg0, %c0_i32 : i32, i32
  }
  func.func @transform_2(%arg0: i32) -> (i32, i32) {
    %c0_i32 = arith.constant 0 : i32
    %c0_i32_0 = arith.constant 0 : i32
    return %arg0, %c0_i32 : i32, i32
  }
  func.func @transform_3(%arg0: i32) -> (i32, i32) {
    %c0_i32 = arith.constant 0 : i32
    %c0_i32_0 = arith.constant 0 : i32
    %c0_i32_1 = arith.constant 0 : i32
    return %c0_i32, %c0_i32_0 : i32, i32
  }
  func.func @transform_4(%arg0: i32) -> (i32, i32) {
    %c0_i32 = arith.constant 0 : i32
    %c0_i32_0 = arith.constant 0 : i32
    return %arg0, %c0_i32 : i32, i32
  }
  func.func @transform_5(%arg0: i32) -> (i32, i32) {
    %c0_i32 = arith.constant 0 : i32
    %c0_i32_0 = arith.constant 0 : i32
    return %arg0, %c0_i32 : i32, i32
  }
  func.func @transform_6(%arg0: i32) -> (i32, i32) {
    %c0_i32 = arith.constant 0 : i32
    %c0_i32_0 = arith.constant 0 : i32
    return %arg0, %c0_i32 : i32, i32
  }
  func.func @transform_7(%arg0: i32) -> (i32, i32) {
    %c0_i32 = arith.constant 0 : i32
    %c0_i32_0 = arith.constant 0 : i32
    %c0_i32_1 = arith.constant 0 : i32
    return %c0_i32, %c0_i32_0 : i32, i32
  }
  func.func @transform_8(%arg0: i32) -> (i32, i32) {
    %c0_i32 = arith.constant 0 : i32
    %c0_i32_0 = arith.constant 0 : i32
    %c0_i32_1 = arith.constant 0 : i32
    return %c0_i32, %c0_i32_0 : i32, i32
  }
  func.func @transform_9(%arg0: i32) -> (i32, i32) {
    %c0_i32 = arith.constant 0 : i32
    %c0_i32_0 = arith.constant 0 : i32
    return %arg0, %c0_i32 : i32, i32
  }
  func.func @transform_10(%arg0: i32) -> (i32, i32) {
    %c0_i32 = arith.constant 0 : i32
    %c0_i32_0 = arith.constant 0 : i32
    return %arg0, %c0_i32 : i32, i32
  }
}

</mosaic_0001>

<sc_bundles>
// kernel: kernel.11.cloned.1.call-start
scs
__scs_entry_jumppad:
0x0: {  	(pc) =	sbr.rel $0x88, $3  }
0x1: {  	(tag) =	ssettag $0x0;
	lr =	simm.s32 $0x1  }
0x2: {  	[smem:$0x3F97] =	sst lr;
	_ =	strace $0xD0000000  }
0x3: {  	_ = 	snop  }
0x4: {  	_ = 	snop  }
0x5: {  	_ = 	snop  }
0x6: {  	_ = 	snop  }
0x7: {  	_ = 	snop  }
__scs_overlays_trampoline_lowered:
0x8: {  	[smem:$0x3FA6] =	sst s0  }
0x9: {  	[smem:$0x3FA7] =	sst s1  }
0xa: {  	[smem:$0x3FA8] =	sst s2  }
0xb: {  	[smem:$0x3FA9] =	sst s3  }
0xc: {  	[smem:$0x3FAA] =	sst s4  }
0xd: {  	[smem:$0x3FAB] =	sst s5  }
0xe: {  	[smem:$0x3FAC] =	sst s6  }
0xf: {  	[smem:$0x3FAD] =	sst s7  }
0x10: {  	[smem:$0x3FAE] =	sst s8  }
0x11: {  	[smem:$0x3FAF] =	sst s9;
	s0 =	simm.s32 @!p0 $0x0  }
0x12: {  	s1 =	sld [smem:$0x3F95];
	s0 =	simm.s32 @p0 $0x1  }
0x13: {  	[smem:$0x3FB0] =	sst s0;
	s0 =	simm.s32 @!p1 $0x0  }
0x14: {  	s2 =	sld [smem:$0x3F94];
	s0 =	simm.s32 @p1 $0x1  }
0x15: {  	[smem:$0x3FB1] =	sst s0;
	s0 =	simm.s32 @!p2 $0x0  }
0x16: {  	s3 =	sld [smem:$0x3FDB];
	s0 =	simm.s32 @p2 $0x1  }
0x17: {  	s4 =	simm.s32 $0x1BF5;
	[smem:$0x3FB3] =	sst s0  }
0x18: {  	s0 =	sld [smem:$0x3F96];
	_ =	swait.ge [sflag:s4], $0x0  }
0x19: {  	s7 =	sld [smem:$0x3F97]  }
0x1a: {  	s8 =	sadd.s32 $0xFFFFE003, lr  }
0x1b: {  	s9 =	sadd.s32 $0xFFFFFEF7, lr;
	s5 =	simm.s32 $0xFFFFFFFF;
	p2 =	slt.u32 s8, $0xFFFFF086  }
0x1c: {  	p1 =	slt.u32 s9, $0xF7A;
	s5 =	simm.s32 @!p2 $0x0  }
0x1d: {  	s5 =	simm.s32 @p1 $0x1;
	p0 =	seq.s32 s7, s2  }
0x1e: {  	s7 =	smul.u32 @!p0 $0xF7A, s2;
	p2 =	seq.s32 @!p0 s5, $0x0  }
0x1f: {  	s9 =	smul.u32 $0xF7A, s1;
	s8 =	simm.s32 @!p0 $0x1BF5;
	p2 =	por !p2, p0  }
0x20: {  	[sflag:s8] =	ssyncset.s32 @!p0 $0xFFFFF086;
	s6 =	sadd.s32 @!p0 s3, s7;
	s7 =	simm.s32 @!p0 $0x108  }
0x21: {  	s3 =	sadd.s32 s3, s9;
	s6 =	sadd.s32 @!p0 $0x88, s6;
	s7 =	simm.s32 @p2 $0x1082  }
0x22: {  	[simem:s7], [sflag:s8] =	dma.local @!p0 [hbm:s6], $0xF7A  }
0x23: {  	s9 =	sor.u32 $0xD0000000, s2;
	s6 =	simm.s32 $0x108;
	_ =	swait.ge @!p0 [sflag:s8], $0x0  }
0x24: {  	s3 =	sadd.s32 $0x88, s3;
	s6 =	simm.s32 @!p1 $0x1082;
	[sflag:s4] =	ssyncset.s32 $0xFFFFF086  }
0x25: {  	[simem:s6], [sflag:s4] =	dma.local [hbm:s3], $0xF7A  }
0x26: {  	[smem:$0x3F97] =	sst s1;
	(tag) =	ssettag s2;
	_ =	strace s9  }
0x27: {  	s1 =	sld [smem:$0x3FA7]  }
0x28: {  	s2 =	sld [smem:$0x3FA8]  }
0x29: {  	s4 =	sld [smem:$0x3FAA]  }
0x2a: {  	p0 =	seq.s32 s5, $0x0;
	s5 =	sld [smem:$0x3FAB]  }
0x2b: {  	s6 =	sld [smem:$0x3FAC]  }
0x2c: {  	s7 =	sld [smem:$0x3FAD]  }
0x2d: {  	s3 =	simm.s32 $0x108;
	s8 =	sld [smem:$0x3FAE]  }
0x2e: {  	s3 =	simm.s32 @!p0 $0x1082;
	s9 =	sld [smem:$0x3FAF]  }
0x2f: {  	lr =	sadd.s32 s0, s3;
	s0 =	sld [smem:$0x3FA6]  }
0x30: {  	s3 =	sld [smem:$0x3FA9]  }
0x31: {  	[smem:$0x3FB2] =	sst s10  }
0x32: {  	s10 =	sld [smem:$0x3FB0];
	_ =	sdelay $0x3  }
0x33: {  	p0 =	seq.s32 s10, $0x1;
	s10 =	sld [smem:$0x3FB2];
	_ =	sdelay $0x3  }
0x34: {  	[smem:$0x3FB2] =	sst s10  }
0x35: {  	s10 =	sld [smem:$0x3FB1];
	_ =	sdelay $0x3  }
0x36: {  	p1 =	seq.s32 s10, $0x1;
	s10 =	sld [smem:$0x3FB2];
	_ =	sdelay $0x3  }
0x37: {  	[smem:$0x3FB2] =	sst s10  }
0x38: {  	s10 =	sld [smem:$0x3FB3]  }
0x39: {  	_ = 	snop;
	(pc) =	sbr.ind lr, $3  }
0x3a: {  	_ = 	snop  }
0x3b: {  	_ = 	snop  }
0x3c: {  	p2 =	seq.s32 s10, $0x1;
	s10 =	sld [smem:$0x3FB2]  }
0x3d: {  	_ =	shalt  }
0x3e: {  	_ =	shalt  }
0x3f: {  	_ =	shalt  }
0x40: {  	_ =	shalt  }
0x41: {  	_ =	shalt  }
0x42: {  	_ =	shalt  }
0x43: {  	_ =	shalt  }
0x44: {  	_ =	shalt  }
0x45: {  	_ =	shalt  }
0x46: {  	_ =	shalt  }
0x47: {  	_ =	shalt  }
0x48: {  	_ =	shalt  }
0x49: {  	_ =	shalt  }
0x4a: {  	_ =	shalt  }
0x4b: {  	_ =	shalt  }
0x4c: {  	_ =	shalt  }
0x4d: {  	_ =	shalt  }
0x4e: {  	_ =	shalt  }
0x4f: {  	_ =	shalt  }
0x50: {  	_ =	shalt  }
0x51: {  	_ =	shalt  }
0x52: {  	_ =	shalt  }
0x53: {  	_ =	shalt  }
0x54: {  	_ =	shalt  }
0x55: {  	_ =	shalt  }
0x56: {  	_ =	shalt  }
0x57: {  	_ =	shalt  }
0x58: {  	_ =	shalt  }
0x59: {  	_ =	shalt  }
0x5a: {  	_ =	shalt  }
0x5b: {  	_ =	shalt  }
0x5c: {  	_ =	shalt  }
0x5d: {  	_ =	shalt  }
0x5e: {  	_ =	shalt  }
0x5f: {  	_ =	shalt  }
0x60: {  	_ =	shalt  }
0x61: {  	_ =	shalt  }
0x62: {  	_ =	shalt  }
0x63: {  	_ =	shalt  }
0x64: {  	_ =	shalt  }
0x65: {  	_ =	shalt  }
0x66: {  	_ =	shalt  }
0x67: {  	_ =	shalt  }
0x68: {  	_ =	shalt  }
0x69: {  	_ =	shalt  }
0x6a: {  	_ =	shalt  }
0x6b: {  	_ =	shalt  }
0x6c: {  	_ =	shalt  }
0x6d: {  	_ =	shalt  }
0x6e: {  	_ =	shalt  }
0x6f: {  	_ =	shalt  }
0x70: {  	_ =	shalt  }
0x71: {  	_ =	shalt  }
0x72: {  	_ =	shalt  }
0x73: {  	_ =	shalt  }
0x74: {  	_ =	shalt  }
0x75: {  	_ =	shalt  }
0x76: {  	_ =	shalt  }
0x77: {  	_ =	shalt  }
0x78: {  	_ =	shalt  }
0x79: {  	_ =	shalt  }
0x7a: {  	_ =	shalt  }
0x7b: {  	_ =	shalt  }
0x7c: {  	_ =	shalt  }
0x7d: {  	_ =	shalt  }
0x7e: {  	_ =	shalt  }
0x7f: {  	_ =	shalt  }
0x80: {  	_ =	shalt  }
0x81: {  	_ =	shalt  }
0x82: {  	_ =	shalt  }
0x83: {  	_ =	shalt  }
0x84: {  	_ =	shalt  }
0x85: {  	_ =	shalt  }
0x86: {  	_ =	shalt  }
0x87: {  	_ =	shalt  }
.Lfunc_end0:
.L_simem_size_0:
called_computation_lowered:
.L_overlay_start_0:
0x88: {  	s2 =	sld [smem:$0x3FD9]  }
0x89: {  	s3 =	sld [smem:$0x3FFE];
	_ =	sdelay $0x1  }
0x8a: {  	s1 =	srdreg.scid  }
0x8b: {  	s0 =	sand.u32 $0x1, s1  }
0x8c: {  	s14 =	sshll.u32 s0, $0xA;
	s2 =	sadd.s32 s3, s2  }
0x8d: {  	s2 =	sadd.s32 s2, s14  }
0x8e: {  	[smem:$0x3FBE] =	sst s2  }
0x8f: {  	_ = 	snop  }
0x90: {  	s2 =	sld [smem:$0x3FD0];
	_ =	sdelay $0x2  }
0x91: {  	s15 =	simm.s32 $0xA;
	s4 =	simm.s32 $0x10  }
0x92: {  	[smem:s4], [sflag:s15] =	dma.local [hbm:s2], $0x1  }
0x93: {  	_ =	swait.eq [sflag:s15], $0x1  }
0x94: {  	[sflag:s15] =	ssyncset.done $0x0  }
0x95: {  	[sflag:s15] =	ssyncadd.s32 $0xFFFFFFFF  }
0x96: {  	s16 =	sld [smem:$0x10];
	(tm) =	ssettm $0x1  }
0x97: {  	s17 =	sld [smem:$0x3FFB];
	_ =	sdelay $0x3  }
0x98: {  	_ =	strace s17  }
0x99: {  	s3 =	sld [smem:$0x3FFC];
	_ =	sdelay $0x3  }
0x9a: {  	_ =	strace s3  }
0x9b: {  	s3 =	sld [smem:$0x3FFD];
	_ =	sdelay $0x3  }
0x9c: {  	_ =	strace s3  }
0x9d: {  	_ =	strace $0x8FFFFFFF  }
0x9e: {  	s18 =	sld [smem:$0x3FDB];
	_ =	sdelay $0x1  }
0x9f: {  	s19 =	simm.s32 $_scs_section_size  }
0xa0: {  	s5 =	simm.s32 $_size__tile_overlayer_lowered;
	s6 =	simm.s32 $_tile_overlayer_lowered  }
0xa1: {  	s22 =	simm.s32 $0x1BFF;
	s21 =	sshll.u32 s6, $0x1;
	s3 =	sadd.s32 s19, s18  }
0xa2: {  	s7 =	simm.s32 $0x0;
	s20 =	sshll.u32 s5, $0x1;
	s5 =	sadd.s32 s21, s3  }
0xa3: {  	[timem:s7], [sflag:s22] =	dma.local [hbm:s5], s20  }
0xa4: {  	_ =	swait.ge [sflag:s22], s20  }
0xa5: {  	s4 =	ssub.s32 $0x0, s20;
	[sflag:s22] =	ssyncset.done $0x0  }
0xa6: {  	[sflag:s22] =	ssyncadd.s32 s4;
	_ =	sdelay $0x1  }
0xa7: {  	s23 =	simm.s32 $0x1B8B  }
0xa8: {  	_ =	swait.ge [sflag:s23], $0x1  }
0xa9: {  	[sflag:s23] =	ssyncset.done $0x0  }
0xaa: {  	s25 =	simm.s32 $0x1B8E;
	s24 =	sld [smem:$0x3FFE];
	[sflag:s23] =	ssyncadd.s32 $0xFFFFFFFF  }
0xab: {  	s26 =	simm.s32 $execute0_lowered;
	[smem:$0x3FD2] =	sst s25  }
0xac: {  	s5 =	sshll.u32 s26, $0x1;
	_ =	strace $0x80000046;
	[dreg:$0x1] =	wrdreg $0xFFFFFFFF  }
0xad: {  	s28 =	simm.s32 $_size_execute0_lowered;
	s3 =	sadd.s32 s3, s5;
	[dreg:$0x0] =	wrdreg $0x0  }
0xae: {  	s5 =	sshll.u32 s28, $0x1;
	[dreg:$0x2] =	wrdreg s3  }
0xaf: {  	[dreg:$0x3] =	wrdreg s5  }
0xb0: {  	[dreg:$0x4] =	wrdreg $0xC0  }
0xb1: {  	_ =	task [dreg:s7], $0x5FFFF  }
0xb2: {  	[dreg:$0x1] =	wrdreg $0xFFFFFFFF  }
0xb3: {  	[dreg:$0x0] =	wrdreg $0x60  }
0xb4: {  	[dreg:$0x2] =	wrdreg s16  }
0xb5: {  	[dreg:$0x3] =	wrdreg s24  }
0xb6: {  	[dreg:$0x4] =	wrdreg $0x3B000  }
0xb7: {  	[dreg:$0x5] =	wrdreg $0x9  }
0xb8: {  	_ =	task.clear_ibuf [dreg:s7], $0x6FFFF;
	_ =	strace $0x90000046  }
0xb9: {  	s29 =	simm.s32 $0x9;
	_ =	strace $0x80000048  }
0xba: {  	_ =	swait.ge [sflag:s29], $0x1  }
0xbb: {  	[sflag:s29] =	ssyncadd.s32 $0xFFFFFFFF  }
0xbc: {  	_ =	strace $0x90000048  }
0xbd: {  	_ =	sfence  }
0xbe: {  	s30 =	sld [smem:$0x0];
	_ =	sdelay $0x2  }
0xbf: {  	s31 =	sshll.u32 s1, $0xD;
	s1 =	sshrl.u32 s1, $0x2  }
0xc0: {  	s3 =	sand.u32 $0x4000, s31;
	s1 =	sadd.s32 s1, s30  }
0xc1: {  	s0 =	sor.u32 s3, s0;
	s1 =	sshll.u32 s1, $0x11  }
0xc2: {  	s0 =	sor.u32 s1, s0  }
0xc3: {  	s0 =	sadd.s32 $0x8F2B, s0  }
0xc4: {  	[sflag:s0] =	ssyncadd.remote.s32 $0x1  }
0xc5: {  	_ =	sfence.sel $0xFFFF  }
0xc6: {  	[dreg:$0x0] =	wrdreg $0xFFFFFFFF;
	(pc) =	sbr.abs _section_cstart, $3  }
0xc7: {  	[dreg:$0x1] =	wrdreg $0xFFFFFFFF  }
0xc8: {  	_ =	task.clear_ibuf [dreg:s7], $0x2FFFF;
	_ =	strace $0x9FFFFFFF  }
0xc9: {  	(tm) =	ssettm $0x7FFFFFFF  }
tec
execute0_lowered:
.L_overlay_start_1:
0x0: {  	(tag) =	ssettag $0x1  }
0x1: {  	s5 =	rddreg [dreg:$0x0]  }
0x2: {  	s4 =	rddreg [dreg:$0x1]  }
0x3: {  	s2 =	rddreg [dreg:$0x2]  }
0x4: {  	s0 =	rddreg [dreg:$0x3]  }
0x5: {  	s3 =	simm.s32 $0x0;
	s6 =	srdreg.scid;
	s1 =	stileid.u32  }
0x6: {  	s11 =	simm.s32 $0x3800;
	s14 =	simm.s32 $0x20;
	s15 =	simm.s32 $0x10  }
0x7: {  	s16 =	simm.s32 $0x0;
	[smem:$0x7FF] =	sst s3;
	s7 =	smul.u32 $0x500, s1  }
0x8: {  	s6 =	sand.u32 $0x1, s6;
	s9 =	sshll.u32 s1, $0x1;
	s30 =	smul.u32 $0xA00, s1  }
0x9: {  	s12 =	sshll.u32 s1, $0x6;
	_ =	strace $0x80000047;
	s8 =	sshll.u32 s6, $0x7  }
0xa: {  	s9 =	sor.u32 s6, s9;
	s6 =	ssub.s32 $0x2, s6;
	s12 =	sor.u32 $0x1C01, s12  }
0xb: {  	s7 =	sor.u32 s8, s7;
	s9 =	smul.u32 $0x700, s9;
	s31 =	sshrl.u32 s6, $0x1  }
0xc: {  	s8 =	sshrl.u32 s30, $0x2;
	s7 =	sshrl.u32 s7, $0x3;
	s10 =	ssub.s32 s6, s31  }
0xd: {  	s7 =	sadd.s32 s7, s4;
	s4 =	sadd.s32 s8, s2;
	s5 =	sadd.s32 s5, s9  }
0xe: {  	s8 =	simm.s32 $0x3880;
	s9 =	simm.s32 $0x1;
	s6 =	sadd.s32 $0x4C00, s7  }
0xf: {  	v0 =	vimm.f32 $1.000000000e+00;
	s7 =	smax.u32 s10, $0x1;
	s10 =	simm.s32 $0x60;
	s13 =	sshrl.u32 s4, $0x3  }
.LBB2_1:
0x10: {  	[tilespmem:$0x3880] =	vst v0  }
0x11: {  	[tilespmem:$0x3890] =	vst v0  }
0x12: {  	[tilespmem:$0x38A0] =	vst v0  }
0x13: {  	[tilespmem:$0x38B0] =	vst v0  }
0x14: {  	[tilespmem:$0x38C0] =	vst v0  }
0x15: {  	[tilespmem:$0x38D0] =	vst v0  }
0x16: {  	[tilespmem:$0x38E0] =	vst v0  }
0x17: {  	[tilespmem:$0x38F0] =	vst v0  }
0x18: {  	[tilespmem:$0x3900] =	vst v0  }
0x19: {  	[tilespmem:$0x3910] =	vst v0  }
0x1a: {  	[tilespmem:$0x3920] =	vst v0  }
0x1b: {  	[tilespmem:$0x3930] =	vst v0  }
0x1c: {  	[tilespmem:$0x3940] =	vst v0  }
0x1d: {  	[tilespmem:$0x3950] =	vst v0  }
0x1e: {  	[tilespmem:$0x3960] =	vst v0  }
0x1f: {  	[tilespmem:$0x3970] =	vst v0  }
0x20: {  	[tilespmem:$0x3980] =	vst v0  }
0x21: {  	[tilespmem:$0x3990] =	vst v0  }
0x22: {  	[tilespmem:$0x39A0] =	vst v0  }
0x23: {  	[tilespmem:$0x39B0] =	vst v0  }
0x24: {  	[tilespmem:$0x39C0] =	vst v0  }
0x25: {  	[tilespmem:$0x39D0] =	vst v0  }
0x26: {  	[tilespmem:$0x39E0] =	vst v0  }
0x27: {  	[tilespmem:$0x39F0] =	vst v0  }
0x28: {  	[tilespmem:$0x3A00] =	vst v0  }
0x29: {  	[tilespmem:$0x3A10] =	vst v0  }
0x2a: {  	[tilespmem:$0x3A20] =	vst v0  }
0x2b: {  	[tilespmem:$0x3A30] =	vst v0  }
0x2c: {  	[tilespmem:$0x3A40] =	vst v0  }
0x2d: {  	[tilespmem:$0x3A50] =	vst v0  }
0x2e: {  	[tilespmem:$0x3A60] =	vst v0  }
0x2f: {  	[tilespmem:$0x3A70] =	vst v0  }
0x30: {  	[tilespmem:$0x3A80] =	vst v0  }
0x31: {  	[tilespmem:$0x3A90] =	vst v0  }
0x32: {  	[tilespmem:$0x3AA0] =	vst v0  }
0x33: {  	[tilespmem:$0x3AB0] =	vst v0  }
0x34: {  	[tilespmem:$0x3AC0] =	vst v0  }
0x35: {  	[tilespmem:$0x3AD0] =	vst v0  }
0x36: {  	[tilespmem:$0x3AE0] =	vst v0  }
0x37: {  	[tilespmem:$0x3AF0] =	vst v0  }
0x38: {  	[tilespmem:$0x3800] =	vst v0  }
0x39: {  	[tilespmem:$0x3810] =	vst v0  }
0x3a: {  	[tilespmem:$0x3820] =	vst v0  }
0x3b: {  	[tilespmem:$0x3830] =	vst v0  }
0x3c: {  	[tilespmem:$0x3840] =	vst v0  }
0x3d: {  	[tilespmem:$0x3850] =	vst v0  }
0x3e: {  	[spmem:s4] =	stream.linear.scatter [tilespmem:s8], [sflag:$0x1], $0x280, $0x38;
	[tilespmem:$0x3D80] =	vst v63  }
0x3f: {  	_ =	swait.ge [sflag:s9], $0x280  }
0x40: {  	[sflag:s9] =	ssyncset.done $0x0  }
0x41: {  	[sflag:s9] =	ssyncadd.s32 $0xFFFFFD80  }
0x42: {  	[tilespmem:s3], [sflag:$0x1] =	stream.linear.gather [hbm4b:s5+s3], $0x3480, $0x38;
	[tilespmem:$0x3D80] =	vst v63  }
0x43: {  	_ =	swait.ge [sflag:s9], $0x3480  }
0x44: {  	[sflag:s9] =	ssyncset.done $0x0  }
0x45: {  	[sflag:s9] =	ssyncadd.s32 $0xFFFFCB80  }
0x46: {  	s17 =	simm.s32 $0x0;
	[bflag:$0x0] =	sbarrier.arrive $0xFFFF  }
0x47: {  	[spmem:s2] =	stream.indirect.scatter.add.f32 [tilespmem:s11], [sflag:$0x1], $0x1, s17, s10, $0xb8;
	[tilespmem:$0x3D80] =	vst v63  }
0x48: {  	_ =	swait.ge [sflag:s9], $0x60  }
0x49: {  	s17 =	simm.s32 $0x200;
	[sflag:s9] =	ssyncset.done $0x0  }
.LBB2_2:
0x4a: {  	s18 =	sshra.s32 s17, $0x2;
	[sflag:s9] =	ssyncadd.s32 $0xFFFFFFA0;
	p0 =	sne.s32 s17, $0xD000  }
0x4b: {  	[spmem:s2] =	stream.indirect.scatter.add.f32 [tilespmem:s11], [sflag:$0x1], $0x1, s18, s10, $0xb8;
	[tilespmem:$0x3D80] =	vst v63  }
.Ltmp0:
0x4c: {  	_ = 	snop;
	(pc) =	sbr.rel @p0 .LBB2_2-.Ltmp0, $4  }
0x4d: {  	_ = 	snop  }
0x4e: {  	s17 =	sadd.s32 $0x200, s17  }
0x4f: {  	_ =	swait.ge [sflag:s9], $0x60  }
0x50: {  	[sflag:s9] =	ssyncset.done $0x0  }
0x51: {  	s16 =	sadd.s32 $0x1, s16  }
0x52: {  	[sflag:s9] =	ssyncadd.s32 $0xFFFFFFA0;
	p0 =	sne.s32 s16, s7  }
.Ltmp1:
0x53: {  	[bflag:$0x0] =	sbarrier.arrive $0xFFFF;
	(pc) =	sbr.rel @p0 .LBB2_1-.Ltmp1, $4  }
0x54: {  	[hbm:s6@s14], [sflag:s12] =	dma.strided [spmem:s13@s15], $0x50, s9, $0x10   }
0x55: {  	_ =	swait.ge [sflag:s9], $0x50  }
0x56: {  	[sflag:s9] =	ssyncset.done $0x0  }
0x57: {  	[sflag:s9] =	ssyncadd.s32 $0xFFFFFFB0  }
0x58: {  	_ =	sfence.sel $0x180000  }
0x59: {  	[bflag:$0x0] =	sbarrier.arrive $0xFFFF  }
0x5a: {  	p0 =	sne.s32 s1, $0x0;
	_ =	strace $0x90000047  }
0x5b: {  	s0 =	sadd.s32 @!p0 $0x100000, s0;
	[bflag:$0x2] =	sbarrier.arrive $0xFFFF  }
0x5c: {  	[sflag:s0] =	ssyncadd.tile.s32 @!p0 $0x1;
	_ =	shalt  }
.Lfunc_end2:
_tile_overlayer_lowered:
.L_overlay_start_2:
0x5d: {  	(tag) =	ssettag $0x2  }
0x5e: {  	s0 =	rddreg [dreg:$0x0];
	s2 =	stileid.u32  }
0x5f: {  	s1 =	rddreg [dreg:$0x1];
	p0 =	sne.s32 s2, $0x0  }
0x60: {  	s3 =	rddreg [dreg:$0x2];
	[bflag:$0x3] =	sbarrier.arrive $0xFFFF;
	s2 =	simm.s32 @!p0 $0x1C01  }
0x61: {  	[timem:s3], [sflag:s2] =	dma.local @!p0 [hbm:s0], s1  }
0x62: {  	s0 =	simm.s32 @!p0 $0x1  }
0x63: {  	_ =	swait.ge @!p0 [sflag:s0], s1  }
0x64: {  	s1 =	ssub.s32 @!p0 $0x0, s1;
	[sflag:s0] =	ssyncset.done @!p0 $0x0  }
0x65: {  	[sflag:s0] =	ssyncadd.s32 @!p0 s1  }
0x66: {  	[bflag:$0x3] =	sbarrier.arrive $0xFFFF  }
0x67: {  	_ =	shalt  }

// kernel: kernel.14.cloned.1.call-start
scs
__scs_entry_jumppad:
0x0: {  	(pc) =	sbr.rel $0x88, $3  }
0x1: {  	(tag) =	ssettag $0x0;
	lr =	simm.s32 $0x1  }
0x2: {  	[smem:$0x3F97] =	sst lr;
	_ =	strace $0xD0000000  }
0x3: {  	_ = 	snop  }
0x4: {  	_ = 	snop  }
0x5: {  	_ = 	snop  }
0x6: {  	_ = 	snop  }
0x7: {  	_ = 	snop  }
__scs_overlays_trampoline_lowered:
0x8: {  	[smem:$0x3FA6] =	sst s0  }
0x9: {  	[smem:$0x3FA7] =	sst s1  }
0xa: {  	[smem:$0x3FA8] =	sst s2  }
0xb: {  	[smem:$0x3FA9] =	sst s3  }
0xc: {  	[smem:$0x3FAA] =	sst s4  }
0xd: {  	[smem:$0x3FAB] =	sst s5  }
0xe: {  	[smem:$0x3FAC] =	sst s6  }
0xf: {  	[smem:$0x3FAD] =	sst s7  }
0x10: {  	[smem:$0x3FAE] =	sst s8  }
0x11: {  	[smem:$0x3FAF] =	sst s9;
	s0 =	simm.s32 @!p0 $0x0  }
0x12: {  	s1 =	sld [smem:$0x3F95];
	s0 =	simm.s32 @p0 $0x1  }
0x13: {  	[smem:$0x3FB0] =	sst s0;
	s0 =	simm.s32 @!p1 $0x0  }
0x14: {  	s2 =	sld [smem:$0x3F94];
	s0 =	simm.s32 @p1 $0x1  }
0x15: {  	[smem:$0x3FB1] =	sst s0;
	s0 =	simm.s32 @!p2 $0x0  }
0x16: {  	s3 =	sld [smem:$0x3FDB];
	s0 =	simm.s32 @p2 $0x1  }
0x17: {  	s4 =	simm.s32 $0x1BF5;
	[smem:$0x3FB3] =	sst s0  }
0x18: {  	s0 =	sld [smem:$0x3F96];
	_ =	swait.ge [sflag:s4], $0x0  }
0x19: {  	s7 =	sld [smem:$0x3F97]  }
0x1a: {  	s8 =	sadd.s32 $0xFFFFE003, lr  }
0x1b: {  	s9 =	sadd.s32 $0xFFFFFEF7, lr;
	s5 =	simm.s32 $0xFFFFFFFF;
	p2 =	slt.u32 s8, $0xFFFFF086  }
0x1c: {  	p1 =	slt.u32 s9, $0xF7A;
	s5 =	simm.s32 @!p2 $0x0  }
0x1d: {  	s5 =	simm.s32 @p1 $0x1;
	p0 =	seq.s32 s7, s2  }
0x1e: {  	s7 =	smul.u32 @!p0 $0xF7A, s2;
	p2 =	seq.s32 @!p0 s5, $0x0  }
0x1f: {  	s9 =	smul.u32 $0xF7A, s1;
	s8 =	simm.s32 @!p0 $0x1BF5;
	p2 =	por !p2, p0  }
0x20: {  	[sflag:s8] =	ssyncset.s32 @!p0 $0xFFFFF086;
	s6 =	sadd.s32 @!p0 s3, s7;
	s7 =	simm.s32 @!p0 $0x108  }
0x21: {  	s3 =	sadd.s32 s3, s9;
	s6 =	sadd.s32 @!p0 $0x88, s6;
	s7 =	simm.s32 @p2 $0x1082  }
0x22: {  	[simem:s7], [sflag:s8] =	dma.local @!p0 [hbm:s6], $0xF7A  }
0x23: {  	s9 =	sor.u32 $0xD0000000, s2;
	s6 =	simm.s32 $0x108;
	_ =	swait.ge @!p0 [sflag:s8], $0x0  }
0x24: {  	s3 =	sadd.s32 $0x88, s3;
	s6 =	simm.s32 @!p1 $0x1082;
	[sflag:s4] =	ssyncset.s32 $0xFFFFF086  }
0x25: {  	[simem:s6], [sflag:s4] =	dma.local [hbm:s3], $0xF7A  }
0x26: {  	[smem:$0x3F97] =	sst s1;
	(tag) =	ssettag s2;
	_ =	strace s9  }
0x27: {  	s1 =	sld [smem:$0x3FA7]  }
0x28: {  	s2 =	sld [smem:$0x3FA8]  }
0x29: {  	s4 =	sld [smem:$0x3FAA]  }
0x2a: {  	p0 =	seq.s32 s5, $0x0;
	s5 =	sld [smem:$0x3FAB]  }
0x2b: {  	s6 =	sld [smem:$0x3FAC]  }
0x2c: {  	s7 =	sld [smem:$0x3FAD]  }
0x2d: {  	s3 =	simm.s32 $0x108;
	s8 =	sld [smem:$0x3FAE]  }
0x2e: {  	s3 =	simm.s32 @!p0 $0x1082;
	s9 =	sld [smem:$0x3FAF]  }
0x2f: {  	lr =	sadd.s32 s0, s3;
	s0 =	sld [smem:$0x3FA6]  }
0x30: {  	s3 =	sld [smem:$0x3FA9]  }
0x31: {  	[smem:$0x3FB2] =	sst s10  }
0x32: {  	s10 =	sld [smem:$0x3FB0];
	_ =	sdelay $0x3  }
0x33: {  	p0 =	seq.s32 s10, $0x1;
	s10 =	sld [smem:$0x3FB2];
	_ =	sdelay $0x3  }
0x34: {  	[smem:$0x3FB2] =	sst s10  }
0x35: {  	s10 =	sld [smem:$0x3FB1];
	_ =	sdelay $0x3  }
0x36: {  	p1 =	seq.s32 s10, $0x1;
	s10 =	sld [smem:$0x3FB2];
	_ =	sdelay $0x3  }
0x37: {  	[smem:$0x3FB2] =	sst s10  }
0x38: {  	s10 =	sld [smem:$0x3FB3]  }
0x39: {  	_ = 	snop;
	(pc) =	sbr.ind lr, $3  }
0x3a: {  	_ = 	snop  }
0x3b: {  	_ = 	snop  }
0x3c: {  	p2 =	seq.s32 s10, $0x1;
	s10 =	sld [smem:$0x3FB2]  }
0x3d: {  	_ =	shalt  }
0x3e: {  	_ =	shalt  }
0x3f: {  	_ =	shalt  }
0x40: {  	_ =	shalt  }
0x41: {  	_ =	shalt  }
0x42: {  	_ =	shalt  }
0x43: {  	_ =	shalt  }
0x44: {  	_ =	shalt  }
0x45: {  	_ =	shalt  }
0x46: {  	_ =	shalt  }
0x47: {  	_ =	shalt  }
0x48: {  	_ =	shalt  }
0x49: {  	_ =	shalt  }
0x4a: {  	_ =	shalt  }
0x4b: {  	_ =	shalt  }
0x4c: {  	_ =	shalt  }
0x4d: {  	_ =	shalt  }
0x4e: {  	_ =	shalt  }
0x4f: {  	_ =	shalt  }
0x50: {  	_ =	shalt  }
0x51: {  	_ =	shalt  }
0x52: {  	_ =	shalt  }
0x53: {  	_ =	shalt  }
0x54: {  	_ =	shalt  }
0x55: {  	_ =	shalt  }
0x56: {  	_ =	shalt  }
0x57: {  	_ =	shalt  }
0x58: {  	_ =	shalt  }
0x59: {  	_ =	shalt  }
0x5a: {  	_ =	shalt  }
0x5b: {  	_ =	shalt  }
0x5c: {  	_ =	shalt  }
0x5d: {  	_ =	shalt  }
0x5e: {  	_ =	shalt  }
0x5f: {  	_ =	shalt  }
0x60: {  	_ =	shalt  }
0x61: {  	_ =	shalt  }
0x62: {  	_ =	shalt  }
0x63: {  	_ =	shalt  }
0x64: {  	_ =	shalt  }
0x65: {  	_ =	shalt  }
0x66: {  	_ =	shalt  }
0x67: {  	_ =	shalt  }
0x68: {  	_ =	shalt  }
0x69: {  	_ =	shalt  }
0x6a: {  	_ =	shalt  }
0x6b: {  	_ =	shalt  }
0x6c: {  	_ =	shalt  }
0x6d: {  	_ =	shalt  }
0x6e: {  	_ =	shalt  }
0x6f: {  	_ =	shalt  }
0x70: {  	_ =	shalt  }
0x71: {  	_ =	shalt  }
0x72: {  	_ =	shalt  }
0x73: {  	_ =	shalt  }
0x74: {  	_ =	shalt  }
0x75: {  	_ =	shalt  }
0x76: {  	_ =	shalt  }
0x77: {  	_ =	shalt  }
0x78: {  	_ =	shalt  }
0x79: {  	_ =	shalt  }
0x7a: {  	_ =	shalt  }
0x7b: {  	_ =	shalt  }
0x7c: {  	_ =	shalt  }
0x7d: {  	_ =	shalt  }
0x7e: {  	_ =	shalt  }
0x7f: {  	_ =	shalt  }
0x80: {  	_ =	shalt  }
0x81: {  	_ =	shalt  }
0x82: {  	_ =	shalt  }
0x83: {  	_ =	shalt  }
0x84: {  	_ =	shalt  }
0x85: {  	_ =	shalt  }
0x86: {  	_ =	shalt  }
0x87: {  	_ =	shalt  }
.Lfunc_end0:
.L_simem_size_0:
called_computation.1_lowered:
.L_overlay_start_0:
0x88: {  	s2 =	sld [smem:$0x3FD9]  }
0x89: {  	s3 =	sld [smem:$0x3FFE];
	_ =	sdelay $0x1  }
0x8a: {  	s1 =	srdreg.scid  }
0x8b: {  	s0 =	sand.u32 $0x1, s1  }
0x8c: {  	s14 =	sshll.u32 s0, $0xA;
	s2 =	sadd.s32 s3, s2  }
0x8d: {  	s2 =	sadd.s32 s2, s14  }
0x8e: {  	[smem:$0x3FBE] =	sst s2  }
0x8f: {  	_ = 	snop  }
0x90: {  	s2 =	sld [smem:$0x3FD0];
	_ =	sdelay $0x2  }
0x91: {  	s15 =	simm.s32 $0xA;
	s4 =	simm.s32 $0x10  }
0x92: {  	[smem:s4], [sflag:s15] =	dma.local [hbm:s2], $0x1  }
0x93: {  	_ =	swait.eq [sflag:s15], $0x1  }
0x94: {  	[sflag:s15] =	ssyncset.done $0x0  }
0x95: {  	s16 =	sld [smem:$0x10];
	[sflag:s15] =	ssyncadd.s32 $0xFFFFFFFF  }
0x96: {  	s17 =	sld [smem:$0x11];
	(tm) =	ssettm $0x1  }
0x97: {  	s18 =	sld [smem:$0x3FFB];
	_ =	sdelay $0x3  }
0x98: {  	_ =	strace s18  }
0x99: {  	s4 =	sld [smem:$0x3FFC];
	_ =	sdelay $0x3  }
0x9a: {  	_ =	strace s4  }
0x9b: {  	s4 =	sld [smem:$0x3FFD];
	_ =	sdelay $0x3  }
0x9c: {  	_ =	strace s4  }
0x9d: {  	_ =	strace $0x8FFFFFFF  }
0x9e: {  	s19 =	sld [smem:$0x3FDB];
	_ =	sdelay $0x1  }
0x9f: {  	s5 =	simm.s32 $_scs_section_size  }
0xa0: {  	s6 =	simm.s32 $_size__tile_overlayer_lowered;
	s7 =	simm.s32 $_tile_overlayer_lowered  }
0xa1: {  	s22 =	simm.s32 $0x1BFF;
	s21 =	sshll.u32 s7, $0x1;
	s4 =	sadd.s32 s5, s19  }
0xa2: {  	s8 =	simm.s32 $0x0;
	s20 =	sshll.u32 s6, $0x1;
	s6 =	sadd.s32 s21, s4  }
0xa3: {  	[timem:s8], [sflag:s22] =	dma.local [hbm:s6], s20  }
0xa4: {  	_ =	swait.ge [sflag:s22], s20  }
0xa5: {  	s5 =	ssub.s32 $0x0, s20;
	[sflag:s22] =	ssyncset.done $0x0  }
0xa6: {  	[sflag:s22] =	ssyncadd.s32 s5;
	_ =	sdelay $0x1  }
0xa7: {  	s23 =	simm.s32 $0x1B8B  }
0xa8: {  	_ =	swait.ge [sflag:s23], $0x1  }
0xa9: {  	[sflag:s23] =	ssyncset.done $0x0  }
0xaa: {  	s25 =	simm.s32 $0x1B8E;
	s24 =	sld [smem:$0x3FFE];
	[sflag:s23] =	ssyncadd.s32 $0xFFFFFFFF  }
0xab: {  	s26 =	simm.s32 $execute0_lowered;
	[smem:$0x3FD2] =	sst s25  }
0xac: {  	s6 =	sshll.u32 s26, $0x1;
	_ =	strace $0x80000049;
	[dreg:$0x1] =	wrdreg $0xFFFFFFFF  }
0xad: {  	s28 =	simm.s32 $_size_execute0_lowered;
	s4 =	sadd.s32 s4, s6;
	[dreg:$0x0] =	wrdreg $0x0  }
0xae: {  	s6 =	sshll.u32 s28, $0x1;
	[dreg:$0x2] =	wrdreg s4  }
0xaf: {  	[dreg:$0x3] =	wrdreg s6  }
0xb0: {  	[dreg:$0x4] =	wrdreg $0xC0  }
0xb1: {  	_ =	task [dreg:s8], $0x5FFFF  }
0xb2: {  	[dreg:$0x1] =	wrdreg $0xFFFFFFFF  }
0xb3: {  	[dreg:$0x0] =	wrdreg $0x60  }
0xb4: {  	[dreg:$0x2] =	wrdreg s24  }
0xb5: {  	[dreg:$0x3] =	wrdreg s16  }
0xb6: {  	[dreg:$0x4] =	wrdreg s17  }
0xb7: {  	[dreg:$0x5] =	wrdreg $0xBF800  }
0xb8: {  	[dreg:$0x6] =	wrdreg $0x9  }
0xb9: {  	_ =	task.clear_ibuf [dreg:s8], $0x7FFFF;
	_ =	strace $0x90000049  }
0xba: {  	s29 =	simm.s32 $0x9;
	_ =	strace $0x8000004B  }
0xbb: {  	_ =	swait.ge [sflag:s29], $0x1  }
0xbc: {  	[sflag:s29] =	ssyncadd.s32 $0xFFFFFFFF  }
0xbd: {  	_ =	strace $0x9000004B  }
0xbe: {  	_ =	sfence  }
0xbf: {  	s30 =	sld [smem:$0x0];
	_ =	sdelay $0x2  }
0xc0: {  	s31 =	sshll.u32 s1, $0xD;
	s1 =	sshrl.u32 s1, $0x2  }
0xc1: {  	s3 =	sand.u32 $0x4000, s31;
	s1 =	sadd.s32 s1, s30  }
0xc2: {  	s0 =	sor.u32 s3, s0;
	s1 =	sshll.u32 s1, $0x11  }
0xc3: {  	s0 =	sor.u32 s1, s0  }
0xc4: {  	s0 =	sadd.s32 $0x8F2B, s0  }
0xc5: {  	[sflag:s0] =	ssyncadd.remote.s32 $0x1  }
0xc6: {  	_ =	sfence.sel $0xFFFF  }
0xc7: {  	[dreg:$0x0] =	wrdreg $0xFFFFFFFF;
	(pc) =	sbr.abs _section_cstart, $3  }
0xc8: {  	[dreg:$0x1] =	wrdreg $0xFFFFFFFF  }
0xc9: {  	_ =	task.clear_ibuf [dreg:s8], $0x2FFFF;
	_ =	strace $0x9FFFFFFF  }
0xca: {  	(tm) =	ssettm $0x7FFFFFFF  }
0xcb: {  	_ =	shalt  }
tec
execute0_lowered:
.L_overlay_start_1:
0x0: {  	(tag) =	ssettag $0x1  }
0x1: {  	s5 =	rddreg [dreg:$0x0]  }
0x2: {  	s8 =	rddreg [dreg:$0x1]  }
0x3: {  	s9 =	rddreg [dreg:$0x2];
	s1 =	srdreg.scid  }
0x4: {  	s0 =	stileid.u32;
	s2 =	rddreg [dreg:$0x3];
	s16 =	simm.s32 $0x60  }
0x5: {  	s17 =	simm.s32 $0x5F80;
	s18 =	simm.s32 $0x8F80;
	s19 =	simm.s32 $0x1  }
0x6: {  	s20 =	simm.s32 $0x2;
	s21 =	simm.s32 $0x5A80;
	s22 =	simm.s32 $0x2700  }
0x7: {  	s23 =	simm.s32 $0x5B00;
	s24 =	simm.s32 $0x5B80;
	s25 =	simm.s32 $0x0  }
0x8: {  	s6 =	sand.u32 $0x1, s1;
	s3 =	sshll.u32 s0, $0x1;
	s26 =	smul.u32 $0x50000, s0  }
0x9: {  	s1 =	rddreg [dreg:$0x4];
	s4 =	sshrl.u32 s0, $0x2;
	s13 =	smul.u32 $0x14000, s0  }
0xa: {  	s29 =	sshll.u32 s0, $0x6;
	s7 =	sor.u32 s6, s3;
	s4 =	smul.u32 $0x13C00, s4  }
0xb: {  	s3 =	simm.s32 $0x0;
	s12 =	ssub.s32 $0x2, s6;
	s6 =	smul.u32 $0x140000, s6  }
0xc: {  	s10 =	sshll.u32 s7, $0x7;
	[smem:$0x7FF] =	sst s3;
	s28 =	sshrl.u32 s12, $0x1  }
0xd: {  	s14 =	sshrl.u32 s13, $0x3;
	s30 =	smul.u32 $0x700, s7;
	s10 =	sand.u32 $0x380, s10  }
0xe: {  	_ =	strace $0x8000004A;
	s12 =	ssub.s32 s12, s28;
	s13 =	sadd.s32 s13, s6  }
0xf: {  	s6 =	sor.u32 $0x1C03, s29;
	s4 =	sor.u32 s4, s10;
	s10 =	sshrl.u32 s26, $0x2  }
0x10: {  	s31 =	sshrl.u32 s13, $0x3;
	s8 =	sadd.s32 s8, s30;
	s13 =	simm.s32 $0x80  }
0x11: {  	s11 =	sshrl.u32 s4, $0x3;
	s4 =	sadd.s32 $0xF400, s5;
	s15 =	sadd.s32 s10, s2  }
0x12: {  	s9 =	sadd.s32 s9, s31;
	s10 =	smax.u32 s12, $0x1;
	s12 =	simm.s32 $0x3  }
0x13: {  	s11 =	sadd.s32 s11, s5;
	s5 =	sadd.s32 s4, s14;
	s14 =	simm.s32 $0x400  }
0x14: {  	s7 =	sadd.s32 $0x5600, s11;
	s11 =	sshrl.u32 s15, $0x3;
	s15 =	simm.s32 $0x2780  }
.LBB2_1:
0x15: {  	[spmem:s11], [sflag:s6] =	dma.local [hbm:s5], $0x2800  }
0x16: {  	_ =	swait.ge [sflag:s12], $0x2800  }
0x17: {  	[sflag:s12] =	ssyncset.done $0x0  }
0x18: {  	[sflag:s12] =	ssyncadd.s32 $0xFFFFD800  }
0x19: {  	[tilespmem:s3], [sflag:$0x3] =	stream.strided.gather [hbm4b:s7+s13], $0x2780, s14, s13, $0x38;
	[tilespmem:$0x1FF80] =	vst v63  }
0x1a: {  	_ =	swait.ge [sflag:s12], $0x2780  }
0x1b: {  	[sflag:s12] =	ssyncset.done $0x0  }
0x1c: {  	[sflag:s12] =	ssyncadd.s32 $0xFFFFD880  }
0x1d: {  	[tilespmem:s15], [sflag:$0x3] =	stream.linear.gather [hbm4b:s8+s3], $0x3480, $0x38;
	[tilespmem:$0x1FF80] =	vst v63  }
0x1e: {  	_ =	swait.ge [sflag:s12], $0x3480  }
0x1f: {  	[sflag:s12] =	ssyncset.done $0x0  }
0x20: {  	[sflag:s12] =	ssyncadd.s32 $0xFFFFCB80  }
0x21: {  	[bflag:$0x0] =	sbarrier.arrive $0xFFFF  }
0x22: {  	[tilespmem:s17], [sflag:$0x1] =	stream.indirect.gather [hbm4b:s4+s16], $0x80, s3, s16, $0xb8;
	[tilespmem:$0x1FF80] =	vst v63  }
0x23: {  	_ = 	snop  }
0x24: {  	[tilespmem:s18], [sflag:$0x2] =	stream.indirect.gather [hbm4b:s4+s16], $0x80, s16, s16, $0xb8;
	[tilespmem:$0x1FF80] =	vst v63  }
0x25: {  	_ =	swait.ge [sflag:s19], $0x3000  }
0x26: {  	[sflag:s19] =	ssyncset.done $0x0  }
0x27: {  	s26 =	simm.s32 $0x2780;
	[sflag:s19] =	ssyncadd.s32 $0xFFFFD000  }
0x28: {  	[spmem:s2] =	stream.indirect.scatter.add.f32 [tilespmem:s17], [sflag:$0x3], $0x80, s26, s16, $0xb8;
	[tilespmem:$0x1FF80] =	vst v63  }
0x29: {  	_ =	swait.ge [sflag:s12], $0x3000  }
0x2a: {  	[sflag:s12] =	ssyncset.done $0x0  }
0x2b: {  	s30 =	simm.s32 $0xC0;
	[sflag:s12] =	ssyncadd.s32 $0xFFFFD000  }
0x2c: {  	[tilespmem:s17], [sflag:$0x1] =	stream.indirect.gather [hbm4b:s4+s16], $0x80, s30, s16, $0xb8;
	[tilespmem:$0x1FF80] =	vst v63  }
0x2d: {  	_ =	swait.ge [sflag:s20], $0x3000  }
0x2e: {  	[sflag:s20] =	ssyncset.done $0x0  }
0x2f: {  	s31 =	simm.s32 $0x2800;
	[sflag:s20] =	ssyncadd.s32 $0xFFFFD000  }
0x30: {  	[spmem:s2] =	stream.indirect.scatter.add.f32 [tilespmem:s18], [sflag:$0x3], $0x80, s31, s16, $0xb8;
	[tilespmem:$0x1FF80] =	vst v63  }
0x31: {  	_ =	swait.ge [sflag:s12], $0x3000  }
0x32: {  	s28 =	simm.s32 $0x400;
	[sflag:s12] =	ssyncset.done $0x0  }
0x33: {  	s29 =	simm.s32 $0x1E0;
	s26 =	simm.s32 $0x120;
	[sflag:s12] =	ssyncadd.s32 $0xFFFFD000  }
.LBB2_2:
0x34: {  	[tilespmem:s18], [sflag:$0x2] =	stream.indirect.gather [hbm4b:s4+s16], $0x80, s26, s16, $0xb8;
	[tilespmem:$0x1FF80] =	vst v63  }
0x35: {  	s30 =	smov.u32 s28;
	s26 =	smov.u32 s29  }
0x36: {  	p0 =	sne.s32 s28, $0xC800;
	s28 =	sadd.s32 $0x400, s28;
	_ =	swait.ge [sflag:s19], $0x3000  }
0x37: {  	s30 =	sshra.s32 s30, $0x2;
	[sflag:s19] =	ssyncset.done $0x0  }
0x38: {  	s31 =	sadd.s32 $0x2780, s30;
	[sflag:s19] =	ssyncadd.s32 $0xFFFFD000  }
0x39: {  	[spmem:s2] =	stream.indirect.scatter.add.f32 [tilespmem:s17], [sflag:$0x3], $0x80, s31, s16, $0xb8;
	[tilespmem:$0x1FF80] =	vst v63  }
0x3a: {  	_ =	swait.ge [sflag:s12], $0x3000  }
0x3b: {  	[sflag:s12] =	ssyncset.done $0x0  }
0x3c: {  	s31 =	sadd.s32 $0xFFFFFFA0, s29;
	[sflag:s12] =	ssyncadd.s32 $0xFFFFD000  }
0x3d: {  	[tilespmem:s17], [sflag:$0x1] =	stream.indirect.gather [hbm4b:s4+s16], $0x80, s31, s16, $0xb8;
	[tilespmem:$0x1FF80] =	vst v63  }
0x3e: {  	_ =	swait.ge [sflag:s20], $0x3000  }
0x3f: {  	[sflag:s20] =	ssyncset.done $0x0  }
.Ltmp0:
0x40: {  	s30 =	sadd.s32 $0x2800, s30;
	[sflag:s20] =	ssyncadd.s32 $0xFFFFD000;
	(pc) =	sbr.rel @p0 .LBB2_2-.Ltmp0, $4  }
0x41: {  	[spmem:s2] =	stream.indirect.scatter.add.f32 [tilespmem:s18], [sflag:$0x3], $0x80, s30, s16, $0xb8;
	[tilespmem:$0x1FF80] =	vst v63  }
0x42: {  	_ =	swait.ge [sflag:s12], $0x3000  }
0x43: {  	[sflag:s12] =	ssyncset.done $0x0  }
0x44: {  	s29 =	sadd.s32 $0xC0, s29;
	[sflag:s12] =	ssyncadd.s32 $0xFFFFD000  }
0x45: {  	[tilespmem:s18], [sflag:$0x2] =	stream.indirect.gather [hbm4b:s4+s16], $0x80, s26, s16, $0xb8;
	[tilespmem:$0x1FF80] =	vst v63  }
0x46: {  	_ =	swait.ge [sflag:s19], $0x3000  }
0x47: {  	[sflag:s19] =	ssyncset.done $0x0  }
0x48: {  	[sflag:s19] =	ssyncadd.s32 $0xFFFFD000  }
0x49: {  	[spmem:s2] =	stream.indirect.scatter.add.f32 [tilespmem:s17], [sflag:$0x3], $0x80, s21, s16, $0xb8;
	[tilespmem:$0x1FF80] =	vst v63  }
0x4a: {  	_ =	swait.ge [sflag:s12], $0x3000  }
0x4b: {  	[sflag:s12] =	ssyncset.done $0x0  }
0x4c: {  	[sflag:s12] =	ssyncadd.s32 $0xFFFFD000  }
0x4d: {  	[tilespmem:s17], [sflag:$0x1] =	stream.indirect.gather [hbm4b:s4+s16], $0x80, s22, s16, $0xb8;
	[tilespmem:$0x1FF80] =	vst v63  }
0x4e: {  	_ =	swait.ge [sflag:s20], $0x3000  }
0x4f: {  	[sflag:s20] =	ssyncset.done $0x0  }
0x50: {  	[sflag:s20] =	ssyncadd.s32 $0xFFFFD000  }
0x51: {  	[spmem:s2] =	stream.indirect.scatter.add.f32 [tilespmem:s18], [sflag:$0x3], $0x80, s23, s16, $0xb8;
	[tilespmem:$0x1FF80] =	vst v63  }
0x52: {  	_ =	swait.ge [sflag:s12], $0x3000  }
0x53: {  	[sflag:s12] =	ssyncset.done $0x0  }
0x54: {  	[sflag:s12] =	ssyncadd.s32 $0xFFFFD000  }
0x55: {  	_ =	swait.ge [sflag:s19], $0x3000  }
0x56: {  	[sflag:s19] =	ssyncset.done $0x0  }
0x57: {  	[sflag:s19] =	ssyncadd.s32 $0xFFFFD000  }
0x58: {  	[spmem:s2] =	stream.indirect.scatter.add.f32 [tilespmem:s17], [sflag:$0x3], $0x80, s24, s16, $0xb8;
	[tilespmem:$0x1FF80] =	vst v63  }
0x59: {  	_ =	swait.ge [sflag:s12], $0x3000  }
0x5a: {  	s25 =	sadd.s32 $0x1, s25;
	[sflag:s12] =	ssyncset.done $0x0  }
0x5b: {  	p0 =	sne.s32 s25, s10;
	[sflag:s12] =	ssyncadd.s32 $0xFFFFD000  }
.Ltmp1:
0x5c: {  	[bflag:$0x0] =	sbarrier.arrive $0xFFFF;
	(pc) =	sbr.rel @p0 .LBB2_1-.Ltmp1, $4  }
0x5d: {  	[hbm:s9], [sflag:s6] =	dma.local [spmem:s11], $0x2800  }
0x5e: {  	_ =	swait.ge [sflag:s12], $0x2800  }
0x5f: {  	[sflag:s12] =	ssyncset.done $0x0  }
0x60: {  	[sflag:s12] =	ssyncadd.s32 $0xFFFFD800  }
0x61: {  	_ =	sfence.sel $0x180000  }
0x62: {  	[bflag:$0x0] =	sbarrier.arrive $0xFFFF  }
0x63: {  	p0 =	sne.s32 s0, $0x0;
	_ =	strace $0x9000004A  }
0x64: {  	s0 =	sadd.s32 @!p0 $0x100000, s1;
	[bflag:$0x2] =	sbarrier.arrive $0xFFFF  }
0x65: {  	[sflag:s0] =	ssyncadd.tile.s32 @!p0 $0x1;
	_ =	shalt  }
.Lfunc_end2:
_tile_overlayer_lowered:
.L_overlay_start_2:
0x66: {  	(tag) =	ssettag $0x2  }
0x67: {  	s0 =	rddreg [dreg:$0x0];
	s2 =	stileid.u32  }
0x68: {  	s1 =	rddreg [dreg:$0x1];
	p0 =	sne.s32 s2, $0x0  }
0x69: {  	s3 =	rddreg [dreg:$0x2];
	[bflag:$0x3] =	sbarrier.arrive $0xFFFF;
	s2 =	simm.s32 @!p0 $0x1C03  }
0x6a: {  	[timem:s3], [sflag:s2] =	dma.local @!p0 [hbm:s0], s1  }
0x6b: {  	s0 =	simm.s32 @!p0 $0x3  }
0x6c: {  	_ =	swait.ge @!p0 [sflag:s0], s1  }
0x6d: {  	s1 =	ssub.s32 @!p0 $0x0, s1;
	[sflag:s0] =	ssyncset.done @!p0 $0x0  }
0x6e: {  	[sflag:s0] =	ssyncadd.s32 @!p0 s1  }
0x6f: {  	[bflag:$0x3] =	sbarrier.arrive $0xFFFF  }
0x70: {  	_ =	shalt  }

// kernel: kernel.17.cloned.1.call-start
scs
__scs_entry_jumppad:
0x0: {  	(pc) =	sbr.rel $0x88, $3  }
0x1: {  	(tag) =	ssettag $0x0;
	lr =	simm.s32 $0x1  }
0x2: {  	[smem:$0x3F97] =	sst lr;
	_ =	strace $0xD0000000  }
0x3: {  	_ = 	snop  }
0x4: {  	_ = 	snop  }
0x5: {  	_ = 	snop  }
0x6: {  	_ = 	snop  }
0x7: {  	_ = 	snop  }
__scs_overlays_trampoline_lowered:
0x8: {  	[smem:$0x3FA6] =	sst s0  }
0x9: {  	[smem:$0x3FA7] =	sst s1  }
0xa: {  	[smem:$0x3FA8] =	sst s2  }
0xb: {  	[smem:$0x3FA9] =	sst s3  }
0xc: {  	[smem:$0x3FAA] =	sst s4  }
0xd: {  	[smem:$0x3FAB] =	sst s5  }
0xe: {  	[smem:$0x3FAC] =	sst s6  }
0xf: {  	[smem:$0x3FAD] =	sst s7  }
0x10: {  	[smem:$0x3FAE] =	sst s8  }
0x11: {  	[smem:$0x3FAF] =	sst s9;
	s0 =	simm.s32 @!p0 $0x0  }
0x12: {  	s1 =	sld [smem:$0x3F95];
	s0 =	simm.s32 @p0 $0x1  }
0x13: {  	[smem:$0x3FB0] =	sst s0;
	s0 =	simm.s32 @!p1 $0x0  }
0x14: {  	s2 =	sld [smem:$0x3F94];
	s0 =	simm.s32 @p1 $0x1  }
0x15: {  	[smem:$0x3FB1] =	sst s0;
	s0 =	simm.s32 @!p2 $0x0  }
0x16: {  	s3 =	sld [smem:$0x3FDB];
	s0 =	simm.s32 @p2 $0x1  }
0x17: {  	s4 =	simm.s32 $0x1BF5;
	[smem:$0x3FB3] =	sst s0  }
0x18: {  	s0 =	sld [smem:$0x3F96];
	_ =	swait.ge [sflag:s4], $0x0  }
0x19: {  	s7 =	sld [smem:$0x3F97]  }
0x1a: {  	s8 =	sadd.s32 $0xFFFFE003, lr  }
0x1b: {  	s9 =	sadd.s32 $0xFFFFFEF7, lr;
	s5 =	simm.s32 $0xFFFFFFFF;
	p2 =	slt.u32 s8, $0xFFFFF086  }
0x1c: {  	p1 =	slt.u32 s9, $0xF7A;
	s5 =	simm.s32 @!p2 $0x0  }
0x1d: {  	s5 =	simm.s32 @p1 $0x1;
	p0 =	seq.s32 s7, s2  }
0x1e: {  	s7 =	smul.u32 @!p0 $0xF7A, s2;
	p2 =	seq.s32 @!p0 s5, $0x0  }
0x1f: {  	s9 =	smul.u32 $0xF7A, s1;
	s8 =	simm.s32 @!p0 $0x1BF5;
	p2 =	por !p2, p0  }
0x20: {  	[sflag:s8] =	ssyncset.s32 @!p0 $0xFFFFF086;
	s6 =	sadd.s32 @!p0 s3, s7;
	s7 =	simm.s32 @!p0 $0x108  }
0x21: {  	s3 =	sadd.s32 s3, s9;
	s6 =	sadd.s32 @!p0 $0x88, s6;
	s7 =	simm.s32 @p2 $0x1082  }
0x22: {  	[simem:s7], [sflag:s8] =	dma.local @!p0 [hbm:s6], $0xF7A  }
0x23: {  	s9 =	sor.u32 $0xD0000000, s2;
	s6 =	simm.s32 $0x108;
	_ =	swait.ge @!p0 [sflag:s8], $0x0  }
0x24: {  	s3 =	sadd.s32 $0x88, s3;
	s6 =	simm.s32 @!p1 $0x1082;
	[sflag:s4] =	ssyncset.s32 $0xFFFFF086  }
0x25: {  	[simem:s6], [sflag:s4] =	dma.local [hbm:s3], $0xF7A  }
0x26: {  	[smem:$0x3F97] =	sst s1;
	(tag) =	ssettag s2;
	_ =	strace s9  }
0x27: {  	s1 =	sld [smem:$0x3FA7]  }
0x28: {  	s2 =	sld [smem:$0x3FA8]  }
0x29: {  	s4 =	sld [smem:$0x3FAA]  }
0x2a: {  	p0 =	seq.s32 s5, $0x0;
	s5 =	sld [smem:$0x3FAB]  }
0x2b: {  	s6 =	sld [smem:$0x3FAC]  }
0x2c: {  	s7 =	sld [smem:$0x3FAD]  }
0x2d: {  	s3 =	simm.s32 $0x108;
	s8 =	sld [smem:$0x3FAE]  }
0x2e: {  	s3 =	simm.s32 @!p0 $0x1082;
	s9 =	sld [smem:$0x3FAF]  }
0x2f: {  	lr =	sadd.s32 s0, s3;
	s0 =	sld [smem:$0x3FA6]  }
0x30: {  	s3 =	sld [smem:$0x3FA9]  }
0x31: {  	[smem:$0x3FB2] =	sst s10  }
0x32: {  	s10 =	sld [smem:$0x3FB0];
	_ =	sdelay $0x3  }
0x33: {  	p0 =	seq.s32 s10, $0x1;
	s10 =	sld [smem:$0x3FB2];
	_ =	sdelay $0x3  }
0x34: {  	[smem:$0x3FB2] =	sst s10  }
0x35: {  	s10 =	sld [smem:$0x3FB1];
	_ =	sdelay $0x3  }
0x36: {  	p1 =	seq.s32 s10, $0x1;
	s10 =	sld [smem:$0x3FB2];
	_ =	sdelay $0x3  }
0x37: {  	[smem:$0x3FB2] =	sst s10  }
0x38: {  	s10 =	sld [smem:$0x3FB3]  }
0x39: {  	_ = 	snop;
	(pc) =	sbr.ind lr, $3  }
0x3a: {  	_ = 	snop  }
0x3b: {  	_ = 	snop  }
0x3c: {  	p2 =	seq.s32 s10, $0x1;
	s10 =	sld [smem:$0x3FB2]  }
0x3d: {  	_ =	shalt  }
0x3e: {  	_ =	shalt  }
0x3f: {  	_ =	shalt  }
0x40: {  	_ =	shalt  }
0x41: {  	_ =	shalt  }
0x42: {  	_ =	shalt  }
0x43: {  	_ =	shalt  }
0x44: {  	_ =	shalt  }
0x45: {  	_ =	shalt  }
0x46: {  	_ =	shalt  }
0x47: {  	_ =	shalt  }
0x48: {  	_ =	shalt  }
0x49: {  	_ =	shalt  }
0x4a: {  	_ =	shalt  }
0x4b: {  	_ =	shalt  }
0x4c: {  	_ =	shalt  }
0x4d: {  	_ =	shalt  }
0x4e: {  	_ =	shalt  }
0x4f: {  	_ =	shalt  }
0x50: {  	_ =	shalt  }
0x51: {  	_ =	shalt  }
0x52: {  	_ =	shalt  }
0x53: {  	_ =	shalt  }
0x54: {  	_ =	shalt  }
0x55: {  	_ =	shalt  }
0x56: {  	_ =	shalt  }
0x57: {  	_ =	shalt  }
0x58: {  	_ =	shalt  }
0x59: {  	_ =	shalt  }
0x5a: {  	_ =	shalt  }
0x5b: {  	_ =	shalt  }
0x5c: {  	_ =	shalt  }
0x5d: {  	_ =	shalt  }
0x5e: {  	_ =	shalt  }
0x5f: {  	_ =	shalt  }
0x60: {  	_ =	shalt  }
0x61: {  	_ =	shalt  }
0x62: {  	_ =	shalt  }
0x63: {  	_ =	shalt  }
0x64: {  	_ =	shalt  }
0x65: {  	_ =	shalt  }
0x66: {  	_ =	shalt  }
0x67: {  	_ =	shalt  }
0x68: {  	_ =	shalt  }
0x69: {  	_ =	shalt  }
0x6a: {  	_ =	shalt  }
0x6b: {  	_ =	shalt  }
0x6c: {  	_ =	shalt  }
0x6d: {  	_ =	shalt  }
0x6e: {  	_ =	shalt  }
0x6f: {  	_ =	shalt  }
0x70: {  	_ =	shalt  }
0x71: {  	_ =	shalt  }
0x72: {  	_ =	shalt  }
0x73: {  	_ =	shalt  }
0x74: {  	_ =	shalt  }
0x75: {  	_ =	shalt  }
0x76: {  	_ =	shalt  }
0x77: {  	_ =	shalt  }
0x78: {  	_ =	shalt  }
0x79: {  	_ =	shalt  }
0x7a: {  	_ =	shalt  }
0x7b: {  	_ =	shalt  }
0x7c: {  	_ =	shalt  }
0x7d: {  	_ =	shalt  }
0x7e: {  	_ =	shalt  }
0x7f: {  	_ =	shalt  }
0x80: {  	_ =	shalt  }
0x81: {  	_ =	shalt  }
0x82: {  	_ =	shalt  }
0x83: {  	_ =	shalt  }
0x84: {  	_ =	shalt  }
0x85: {  	_ =	shalt  }
0x86: {  	_ =	shalt  }
0x87: {  	_ =	shalt  }
.Lfunc_end0:
.L_simem_size_0:
called_computation.2_lowered:
.L_overlay_start_0:
0x88: {  	s2 =	sld [smem:$0x3FD9]  }
0x89: {  	s3 =	sld [smem:$0x3FFE];
	_ =	sdelay $0x1  }
0x8a: {  	s1 =	srdreg.scid  }
0x8b: {  	s0 =	sand.u32 $0x1, s1  }
0x8c: {  	s14 =	sshll.u32 s0, $0xA;
	s2 =	sadd.s32 s3, s2  }
0x8d: {  	s2 =	sadd.s32 s2, s14  }
0x8e: {  	[smem:$0x3FBE] =	sst s2  }
0x8f: {  	_ = 	snop  }
0x90: {  	s2 =	sld [smem:$0x3FD0];
	_ =	sdelay $0x2  }
0x91: {  	s15 =	simm.s32 $0xA;
	s4 =	simm.s32 $0x10  }
0x92: {  	[smem:s4], [sflag:s15] =	dma.local [hbm:s2], $0x1  }
0x93: {  	_ =	swait.eq [sflag:s15], $0x1  }
0x94: {  	[sflag:s15] =	ssyncset.done $0x0  }
0x95: {  	s16 =	sld [smem:$0x10];
	[sflag:s15] =	ssyncadd.s32 $0xFFFFFFFF  }
0x96: {  	s17 =	sld [smem:$0x11];
	(tm) =	ssettm $0x1  }
0x97: {  	s18 =	sld [smem:$0x3FFB];
	_ =	sdelay $0x3  }
0x98: {  	_ =	strace s18  }
0x99: {  	s4 =	sld [smem:$0x3FFC];
	_ =	sdelay $0x3  }
0x9a: {  	_ =	strace s4  }
0x9b: {  	s4 =	sld [smem:$0x3FFD];
	_ =	sdelay $0x3  }
0x9c: {  	_ =	strace s4  }
0x9d: {  	_ =	strace $0x8FFFFFFF  }
0x9e: {  	s19 =	sld [smem:$0x3FDB];
	_ =	sdelay $0x1  }
0x9f: {  	s5 =	simm.s32 $_scs_section_size  }
0xa0: {  	s6 =	simm.s32 $_size__tile_overlayer_lowered;
	s7 =	simm.s32 $_tile_overlayer_lowered  }
0xa1: {  	s22 =	simm.s32 $0x1BFF;
	s21 =	sshll.u32 s7, $0x1;
	s4 =	sadd.s32 s5, s19  }
0xa2: {  	s8 =	simm.s32 $0x0;
	s20 =	sshll.u32 s6, $0x1;
	s6 =	sadd.s32 s21, s4  }
0xa3: {  	[timem:s8], [sflag:s22] =	dma.local [hbm:s6], s20  }
0xa4: {  	_ =	swait.ge [sflag:s22], s20  }
0xa5: {  	s5 =	ssub.s32 $0x0, s20;
	[sflag:s22] =	ssyncset.done $0x0  }
0xa6: {  	[sflag:s22] =	ssyncadd.s32 s5;
	_ =	sdelay $0x1  }
0xa7: {  	s23 =	simm.s32 $0x1B8B  }
0xa8: {  	_ =	swait.ge [sflag:s23], $0x1  }
0xa9: {  	[sflag:s23] =	ssyncset.done $0x0  }
0xaa: {  	s25 =	simm.s32 $0x1B8E;
	s24 =	sld [smem:$0x3FFE];
	[sflag:s23] =	ssyncadd.s32 $0xFFFFFFFF  }
0xab: {  	s26 =	simm.s32 $execute0_lowered;
	[smem:$0x3FD2] =	sst s25  }
0xac: {  	s6 =	sshll.u32 s26, $0x1;
	_ =	strace $0x8000004C;
	[dreg:$0x1] =	wrdreg $0xFFFFFFFF  }
0xad: {  	s28 =	simm.s32 $_size_execute0_lowered;
	s4 =	sadd.s32 s4, s6;
	[dreg:$0x0] =	wrdreg $0x0  }
0xae: {  	s6 =	sshll.u32 s28, $0x1;
	[dreg:$0x2] =	wrdreg s4  }
0xaf: {  	[dreg:$0x3] =	wrdreg s6  }
0xb0: {  	[dreg:$0x4] =	wrdreg $0xC0  }
0xb1: {  	_ =	task [dreg:s8], $0x5FFFF  }
0xb2: {  	[dreg:$0x1] =	wrdreg $0xFFFFFFFF  }
0xb3: {  	[dreg:$0x0] =	wrdreg $0x60  }
0xb4: {  	[dreg:$0x2] =	wrdreg s24  }
0xb5: {  	[dreg:$0x3] =	wrdreg s16  }
0xb6: {  	[dreg:$0x4] =	wrdreg s17  }
0xb7: {  	[dreg:$0x5] =	wrdreg $0xBF800  }
0xb8: {  	[dreg:$0x6] =	wrdreg $0x9  }
0xb9: {  	_ =	task.clear_ibuf [dreg:s8], $0x7FFFF;
	_ =	strace $0x9000004C  }
0xba: {  	s29 =	simm.s32 $0x9;
	_ =	strace $0x8000004E  }
0xbb: {  	_ =	swait.ge [sflag:s29], $0x1  }
0xbc: {  	[sflag:s29] =	ssyncadd.s32 $0xFFFFFFFF  }
0xbd: {  	_ =	strace $0x9000004E  }
0xbe: {  	_ =	sfence  }
0xbf: {  	s30 =	sld [smem:$0x0];
	_ =	sdelay $0x2  }
0xc0: {  	s31 =	sshll.u32 s1, $0xD;
	s1 =	sshrl.u32 s1, $0x2  }
0xc1: {  	s3 =	sand.u32 $0x4000, s31;
	s1 =	sadd.s32 s1, s30  }
0xc2: {  	s0 =	sor.u32 s3, s0;
	s1 =	sshll.u32 s1, $0x11  }
0xc3: {  	s0 =	sor.u32 s1, s0  }
0xc4: {  	s0 =	sadd.s32 $0x8F2B, s0  }
0xc5: {  	[sflag:s0] =	ssyncadd.remote.s32 $0x1  }
0xc6: {  	_ =	sfence.sel $0xFFFF  }
0xc7: {  	[dreg:$0x0] =	wrdreg $0xFFFFFFFF;
	(pc) =	sbr.abs _section_cstart, $3  }
0xc8: {  	[dreg:$0x1] =	wrdreg $0xFFFFFFFF  }
0xc9: {  	_ =	task.clear_ibuf [dreg:s8], $0x2FFFF;
	_ =	strace $0x9FFFFFFF  }
0xca: {  	(tm) =	ssettm $0x7FFFFFFF  }
0xcb: {  	_ =	shalt  }
tec
execute0_lowered:
.L_overlay_start_1:
0x0: {  	(tag) =	ssettag $0x1  }
0x1: {  	s5 =	rddreg [dreg:$0x0]  }
0x2: {  	s8 =	rddreg [dreg:$0x1]  }
0x3: {  	s9 =	rddreg [dreg:$0x2];
	s1 =	srdreg.scid  }
0x4: {  	s0 =	stileid.u32;
	s2 =	rddreg [dreg:$0x3];
	s16 =	simm.s32 $0x60  }
0x5: {  	s17 =	simm.s32 $0x5F80;
	s18 =	simm.s32 $0x8F80;
	s19 =	simm.s32 $0x1  }
0x6: {  	s20 =	simm.s32 $0x2;
	s21 =	simm.s32 $0x5A80;
	s22 =	simm.s32 $0x2700  }
0x7: {  	s23 =	simm.s32 $0x5B00;
	s24 =	simm.s32 $0x5B80;
	s25 =	simm.s32 $0x0  }
0x8: {  	s6 =	sand.u32 $0x1, s1;
	s3 =	sshll.u32 s0, $0x1;
	s26 =	smul.u32 $0x50000, s0  }
0x9: {  	s1 =	rddreg [dreg:$0x4];
	s4 =	sshrl.u32 s0, $0x2;
	s13 =	smul.u32 $0x14000, s0  }
0xa: {  	s29 =	sshll.u32 s0, $0x6;
	s7 =	sor.u32 s6, s3;
	s4 =	smul.u32 $0x13C00, s4  }
0xb: {  	s3 =	simm.s32 $0x0;
	s12 =	ssub.s32 $0x2, s6;
	s6 =	smul.u32 $0x140000, s6  }
0xc: {  	s10 =	sshll.u32 s7, $0x7;
	[smem:$0x7FF] =	sst s3;
	s28 =	sshrl.u32 s12, $0x1  }
0xd: {  	s14 =	sshrl.u32 s13, $0x3;
	s30 =	smul.u32 $0x700, s7;
	s10 =	sand.u32 $0x380, s10  }
0xe: {  	_ =	strace $0x8000004D;
	s12 =	ssub.s32 s12, s28;
	s13 =	sadd.s32 s13, s6  }
0xf: {  	s6 =	sor.u32 $0x1C03, s29;
	s4 =	sor.u32 s4, s10;
	s10 =	sshrl.u32 s26, $0x2  }
0x10: {  	s31 =	sshrl.u32 s13, $0x3;
	s8 =	sadd.s32 s8, s30;
	s13 =	simm.s32 $0x80  }
0x11: {  	s11 =	sshrl.u32 s4, $0x3;
	s4 =	sadd.s32 $0xF400, s5;
	s15 =	sadd.s32 s10, s2  }
0x12: {  	s9 =	sadd.s32 s9, s31;
	s10 =	smax.u32 s12, $0x1;
	s12 =	simm.s32 $0x3  }
0x13: {  	s11 =	sadd.s32 s11, s5;
	s5 =	sadd.s32 s4, s14;
	s14 =	simm.s32 $0x400  }
0x14: {  	s7 =	sadd.s32 $0x5600, s11;
	s11 =	sshrl.u32 s15, $0x3;
	s15 =	simm.s32 $0x2780  }
.LBB2_1:
0x15: {  	[spmem:s11], [sflag:s6] =	dma.local [hbm:s5], $0x2800  }
0x16: {  	_ =	swait.ge [sflag:s12], $0x2800  }
0x17: {  	[sflag:s12] =	ssyncset.done $0x0  }
0x18: {  	[sflag:s12] =	ssyncadd.s32 $0xFFFFD800  }
0x19: {  	[tilespmem:s3], [sflag:$0x3] =	stream.strided.gather [hbm4b:s7+s13], $0x2780, s14, s13, $0x38;
	[tilespmem:$0x1FF80] =	vst v63  }
0x1a: {  	_ =	swait.ge [sflag:s12], $0x2780  }
0x1b: {  	[sflag:s12] =	ssyncset.done $0x0  }
0x1c: {  	[sflag:s12] =	ssyncadd.s32 $0xFFFFD880  }
0x1d: {  	[tilespmem:s15], [sflag:$0x3] =	stream.linear.gather [hbm4b:s8+s3], $0x3480, $0x38;
	[tilespmem:$0x1FF80] =	vst v63  }
0x1e: {  	_ =	swait.ge [sflag:s12], $0x3480  }
0x1f: {  	[sflag:s12] =	ssyncset.done $0x0  }
0x20: {  	[sflag:s12] =	ssyncadd.s32 $0xFFFFCB80  }
0x21: {  	[bflag:$0x0] =	sbarrier.arrive $0xFFFF  }
0x22: {  	[tilespmem:s17], [sflag:$0x1] =	stream.indirect.gather [hbm4b:s4+s16], $0x80, s3, s16, $0xb8;
	[tilespmem:$0x1FF80] =	vst v63  }
0x23: {  	_ = 	snop  }
0x24: {  	[tilespmem:s18], [sflag:$0x2] =	stream.indirect.gather [hbm4b:s4+s16], $0x80, s16, s16, $0xb8;
	[tilespmem:$0x1FF80] =	vst v63  }
0x25: {  	_ =	swait.ge [sflag:s19], $0x3000  }
0x26: {  	[sflag:s19] =	ssyncset.done $0x0  }
0x27: {  	s26 =	simm.s32 $0x2780;
	[sflag:s19] =	ssyncadd.s32 $0xFFFFD000  }
0x28: {  	[spmem:s2] =	stream.indirect.scatter.add.f32 [tilespmem:s17], [sflag:$0x3], $0x80, s26, s16, $0xb8;
	[tilespmem:$0x1FF80] =	vst v63  }
0x29: {  	_ =	swait.ge [sflag:s12], $0x3000  }
0x2a: {  	[sflag:s12] =	ssyncset.done $0x0  }
0x2b: {  	s30 =	simm.s32 $0xC0;
	[sflag:s12] =	ssyncadd.s32 $0xFFFFD000  }
0x2c: {  	[tilespmem:s17], [sflag:$0x1] =	stream.indirect.gather [hbm4b:s4+s16], $0x80, s30, s16, $0xb8;
	[tilespmem:$0x1FF80] =	vst v63  }
0x2d: {  	_ =	swait.ge [sflag:s20], $0x3000  }
0x2e: {  	[sflag:s20] =	ssyncset.done $0x0  }
0x2f: {  	s31 =	simm.s32 $0x2800;
	[sflag:s20] =	ssyncadd.s32 $0xFFFFD000  }
0x30: {  	[spmem:s2] =	stream.indirect.scatter.add.f32 [tilespmem:s18], [sflag:$0x3], $0x80, s31, s16, $0xb8;
	[tilespmem:$0x1FF80] =	vst v63  }
0x31: {  	_ =	swait.ge [sflag:s12], $0x3000  }
0x32: {  	s28 =	simm.s32 $0x400;
	[sflag:s12] =	ssyncset.done $0x0  }
0x33: {  	s29 =	simm.s32 $0x1E0;
	s26 =	simm.s32 $0x120;
	[sflag:s12] =	ssyncadd.s32 $0xFFFFD000  }
.LBB2_2:
0x34: {  	[tilespmem:s18], [sflag:$0x2] =	stream.indirect.gather [hbm4b:s4+s16], $0x80, s26, s16, $0xb8;
	[tilespmem:$0x1FF80] =	vst v63  }
0x35: {  	s30 =	smov.u32 s28;
	s26 =	smov.u32 s29  }
0x36: {  	p0 =	sne.s32 s28, $0xC800;
	s28 =	sadd.s32 $0x400, s28;
	_ =	swait.ge [sflag:s19], $0x3000  }
0x37: {  	s30 =	sshra.s32 s30, $0x2;
	[sflag:s19] =	ssyncset.done $0x0  }
0x38: {  	s31 =	sadd.s32 $0x2780, s30;
	[sflag:s19] =	ssyncadd.s32 $0xFFFFD000  }
0x39: {  	[spmem:s2] =	stream.indirect.scatter.add.f32 [tilespmem:s17], [sflag:$0x3], $0x80, s31, s16, $0xb8;
	[tilespmem:$0x1FF80] =	vst v63  }
0x3a: {  	_ =	swait.ge [sflag:s12], $0x3000  }
0x3b: {  	[sflag:s12] =	ssyncset.done $0x0  }
0x3c: {  	s31 =	sadd.s32 $0xFFFFFFA0, s29;
	[sflag:s12] =	ssyncadd.s32 $0xFFFFD000  }
0x3d: {  	[tilespmem:s17], [sflag:$0x1] =	stream.indirect.gather [hbm4b:s4+s16], $0x80, s31, s16, $0xb8;
	[tilespmem:$0x1FF80] =	vst v63  }
0x3e: {  	_ =	swait.ge [sflag:s20], $0x3000  }
0x3f: {  	[sflag:s20] =	ssyncset.done $0x0  }
.Ltmp0:
0x40: {  	s30 =	sadd.s32 $0x2800, s30;
	[sflag:s20] =	ssyncadd.s32 $0xFFFFD000;
	(pc) =	sbr.rel @p0 .LBB2_2-.Ltmp0, $4  }
0x41: {  	[spmem:s2] =	stream.indirect.scatter.add.f32 [tilespmem:s18], [sflag:$0x3], $0x80, s30, s16, $0xb8;
	[tilespmem:$0x1FF80] =	vst v63  }
0x42: {  	_ =	swait.ge [sflag:s12], $0x3000  }
0x43: {  	[sflag:s12] =	ssyncset.done $0x0  }
0x44: {  	s29 =	sadd.s32 $0xC0, s29;
	[sflag:s12] =	ssyncadd.s32 $0xFFFFD000  }
0x45: {  	[tilespmem:s18], [sflag:$0x2] =	stream.indirect.gather [hbm4b:s4+s16], $0x80, s26, s16, $0xb8;
	[tilespmem:$0x1FF80] =	vst v63  }
0x46: {  	_ =	swait.ge [sflag:s19], $0x3000  }
0x47: {  	[sflag:s19] =	ssyncset.done $0x0  }
0x48: {  	[sflag:s19] =	ssyncadd.s32 $0xFFFFD000  }
0x49: {  	[spmem:s2] =	stream.indirect.scatter.add.f32 [tilespmem:s17], [sflag:$0x3], $0x80, s21, s16, $0xb8;
	[tilespmem:$0x1FF80] =	vst v63  }
0x4a: {  	_ =	swait.ge [sflag:s12], $0x3000  }
0x4b: {  	[sflag:s12] =	ssyncset.done $0x0  }
0x4c: {  	[sflag:s12] =	ssyncadd.s32 $0xFFFFD000  }
0x4d: {  	[tilespmem:s17], [sflag:$0x1] =	stream.indirect.gather [hbm4b:s4+s16], $0x80, s22, s16, $0xb8;
	[tilespmem:$0x1FF80] =	vst v63  }
0x4e: {  	_ =	swait.ge [sflag:s20], $0x3000  }
0x4f: {  	[sflag:s20] =	ssyncset.done $0x0  }
0x50: {  	[sflag:s20] =	ssyncadd.s32 $0xFFFFD000  }
0x51: {  	[spmem:s2] =	stream.indirect.scatter.add.f32 [tilespmem:s18], [sflag:$0x3], $0x80, s23, s16, $0xb8;
	[tilespmem:$0x1FF80] =	vst v63  }
0x52: {  	_ =	swait.ge [sflag:s12], $0x3000  }
0x53: {  	[sflag:s12] =	ssyncset.done $0x0  }
0x54: {  	[sflag:s12] =	ssyncadd.s32 $0xFFFFD000  }
0x55: {  	_ =	swait.ge [sflag:s19], $0x3000  }
0x56: {  	[sflag:s19] =	ssyncset.done $0x0  }
0x57: {  	[sflag:s19] =	ssyncadd.s32 $0xFFFFD000  }
0x58: {  	[spmem:s2] =	stream.indirect.scatter.add.f32 [tilespmem:s17], [sflag:$0x3], $0x80, s24, s16, $0xb8;
	[tilespmem:$0x1FF80] =	vst v63  }
0x59: {  	_ =	swait.ge [sflag:s12], $0x3000  }
0x5a: {  	s25 =	sadd.s32 $0x1, s25;
	[sflag:s12] =	ssyncset.done $0x0  }
0x5b: {  	p0 =	sne.s32 s25, s10;
	[sflag:s12] =	ssyncadd.s32 $0xFFFFD000  }
.Ltmp1:
0x5c: {  	[bflag:$0x0] =	sbarrier.arrive $0xFFFF;
	(pc) =	sbr.rel @p0 .LBB2_1-.Ltmp1, $4  }
0x5d: {  	[hbm:s9], [sflag:s6] =	dma.local [spmem:s11], $0x2800  }
0x5e: {  	_ =	swait.ge [sflag:s12], $0x2800  }
0x5f: {  	[sflag:s12] =	ssyncset.done $0x0  }
0x60: {  	[sflag:s12] =	ssyncadd.s32 $0xFFFFD800  }
0x61: {  	_ =	sfence.sel $0x180000  }
0x62: {  	[bflag:$0x0] =	sbarrier.arrive $0xFFFF  }
0x63: {  	p0 =	sne.s32 s0, $0x0;
	_ =	strace $0x9000004D  }
0x64: {  	s0 =	sadd.s32 @!p0 $0x100000, s1;
	[bflag:$0x2] =	sbarrier.arrive $0xFFFF  }
0x65: {  	[sflag:s0] =	ssyncadd.tile.s32 @!p0 $0x1;
	_ =	shalt  }
.Lfunc_end2:
_tile_overlayer_lowered:
.L_overlay_start_2:
0x66: {  	(tag) =	ssettag $0x2  }
0x67: {  	s0 =	rddreg [dreg:$0x0];
	s2 =	stileid.u32  }
0x68: {  	s1 =	rddreg [dreg:$0x1];
	p0 =	sne.s32 s2, $0x0  }
0x69: {  	s3 =	rddreg [dreg:$0x2];
	[bflag:$0x3] =	sbarrier.arrive $0xFFFF;
	s2 =	simm.s32 @!p0 $0x1C03  }
0x6a: {  	[timem:s3], [sflag:s2] =	dma.local @!p0 [hbm:s0], s1  }
0x6b: {  	s0 =	simm.s32 @!p0 $0x3  }
0x6c: {  	_ =	swait.ge @!p0 [sflag:s0], s1  }
0x6d: {  	s1 =	ssub.s32 @!p0 $0x0, s1;
	[sflag:s0] =	ssyncset.done @!p0 $0x0  }
0x6e: {  	[sflag:s0] =	ssyncadd.s32 @!p0 s1  }
0x6f: {  	[bflag:$0x3] =	sbarrier.arrive $0xFFFF  }
0x70: {  	_ =	shalt  }

// kernel: kernel.20.cloned.1.call-start
scs
__scs_entry_jumppad:
0x0: {  	(pc) =	sbr.rel $0x88, $3  }
0x1: {  	(tag) =	ssettag $0x0;
	lr =	simm.s32 $0x1  }
0x2: {  	[smem:$0x3F97] =	sst lr;
	_ =	strace $0xD0000000  }
0x3: {  	_ = 	snop  }
0x4: {  	_ = 	snop  }
0x5: {  	_ = 	snop  }
0x6: {  	_ = 	snop  }
0x7: {  	_ = 	snop  }
__scs_overlays_trampoline_lowered:
0x8: {  	[smem:$0x3FA6] =	sst s0  }
0x9: {  	[smem:$0x3FA7] =	sst s1  }
0xa: {  	[smem:$0x3FA8] =	sst s2  }
0xb: {  	[smem:$0x3FA9] =	sst s3  }
0xc: {  	[smem:$0x3FAA] =	sst s4  }
0xd: {  	[smem:$0x3FAB] =	sst s5  }
0xe: {  	[smem:$0x3FAC] =	sst s6  }
0xf: {  	[smem:$0x3FAD] =	sst s7  }
0x10: {  	[smem:$0x3FAE] =	sst s8  }
0x11: {  	[smem:$0x3FAF] =	sst s9;
	s0 =	simm.s32 @!p0 $0x0  }
0x12: {  	s1 =	sld [smem:$0x3F95];
	s0 =	simm.s32 @p0 $0x1  }
0x13: {  	[smem:$0x3FB0] =	sst s0;
	s0 =	simm.s32 @!p1 $0x0  }
0x14: {  	s2 =	sld [smem:$0x3F94];
	s0 =	simm.s32 @p1 $0x1  }
0x15: {  	[smem:$0x3FB1] =	sst s0;
	s0 =	simm.s32 @!p2 $0x0  }
0x16: {  	s3 =	sld [smem:$0x3FDB];
	s0 =	simm.s32 @p2 $0x1  }
0x17: {  	s4 =	simm.s32 $0x1BF5;
	[smem:$0x3FB3] =	sst s0  }
0x18: {  	s0 =	sld [smem:$0x3F96];
	_ =	swait.ge [sflag:s4], $0x0  }
0x19: {  	s7 =	sld [smem:$0x3F97]  }
0x1a: {  	s8 =	sadd.s32 $0xFFFFE003, lr  }
0x1b: {  	s9 =	sadd.s32 $0xFFFFFEF7, lr;
	s5 =	simm.s32 $0xFFFFFFFF;
	p2 =	slt.u32 s8, $0xFFFFF086  }
0x1c: {  	p1 =	slt.u32 s9, $0xF7A;
	s5 =	simm.s32 @!p2 $0x0  }
0x1d: {  	s5 =	simm.s32 @p1 $0x1;
	p0 =	seq.s32 s7, s2  }
0x1e: {  	s7 =	smul.u32 @!p0 $0xF7A, s2;
	p2 =	seq.s32 @!p0 s5, $0x0  }
0x1f: {  	s9 =	smul.u32 $0xF7A, s1;
	s8 =	simm.s32 @!p0 $0x1BF5;
	p2 =	por !p2, p0  }
0x20: {  	[sflag:s8] =	ssyncset.s32 @!p0 $0xFFFFF086;
	s6 =	sadd.s32 @!p0 s3, s7;
	s7 =	simm.s32 @!p0 $0x108  }
0x21: {  	s3 =	sadd.s32 s3, s9;
	s6 =	sadd.s32 @!p0 $0x88, s6;
	s7 =	simm.s32 @p2 $0x1082  }
0x22: {  	[simem:s7], [sflag:s8] =	dma.local @!p0 [hbm:s6], $0xF7A  }
0x23: {  	s9 =	sor.u32 $0xD0000000, s2;
	s6 =	simm.s32 $0x108;
	_ =	swait.ge @!p0 [sflag:s8], $0x0  }
0x24: {  	s3 =	sadd.s32 $0x88, s3;
	s6 =	simm.s32 @!p1 $0x1082;
	[sflag:s4] =	ssyncset.s32 $0xFFFFF086  }
0x25: {  	[simem:s6], [sflag:s4] =	dma.local [hbm:s3], $0xF7A  }
0x26: {  	[smem:$0x3F97] =	sst s1;
	(tag) =	ssettag s2;
	_ =	strace s9  }
0x27: {  	s1 =	sld [smem:$0x3FA7]  }
0x28: {  	s2 =	sld [smem:$0x3FA8]  }
0x29: {  	s4 =	sld [smem:$0x3FAA]  }
0x2a: {  	p0 =	seq.s32 s5, $0x0;
	s5 =	sld [smem:$0x3FAB]  }
0x2b: {  	s6 =	sld [smem:$0x3FAC]  }
0x2c: {  	s7 =	sld [smem:$0x3FAD]  }
0x2d: {  	s3 =	simm.s32 $0x108;
	s8 =	sld [smem:$0x3FAE]  }
0x2e: {  	s3 =	simm.s32 @!p0 $0x1082;
	s9 =	sld [smem:$0x3FAF]  }
0x2f: {  	lr =	sadd.s32 s0, s3;
	s0 =	sld [smem:$0x3FA6]  }
0x30: {  	s3 =	sld [smem:$0x3FA9]  }
0x31: {  	[smem:$0x3FB2] =	sst s10  }
0x32: {  	s10 =	sld [smem:$0x3FB0];
	_ =	sdelay $0x3  }
0x33: {  	p0 =	seq.s32 s10, $0x1;
	s10 =	sld [smem:$0x3FB2];
	_ =	sdelay $0x3  }
0x34: {  	[smem:$0x3FB2] =	sst s10  }
0x35: {  	s10 =	sld [smem:$0x3FB1];
	_ =	sdelay $0x3  }
0x36: {  	p1 =	seq.s32 s10, $0x1;
	s10 =	sld [smem:$0x3FB2];
	_ =	sdelay $0x3  }
0x37: {  	[smem:$0x3FB2] =	sst s10  }
0x38: {  	s10 =	sld [smem:$0x3FB3]  }
0x39: {  	_ = 	snop;
	(pc) =	sbr.ind lr, $3  }
0x3a: {  	_ = 	snop  }
0x3b: {  	_ = 	snop  }
0x3c: {  	p2 =	seq.s32 s10, $0x1;
	s10 =	sld [smem:$0x3FB2]  }
0x3d: {  	_ =	shalt  }
0x3e: {  	_ =	shalt  }
0x3f: {  	_ =	shalt  }
0x40: {  	_ =	shalt  }
0x41: {  	_ =	shalt  }
0x42: {  	_ =	shalt  }
0x43: {  	_ =	shalt  }
0x44: {  	_ =	shalt  }
0x45: {  	_ =	shalt  }
0x46: {  	_ =	shalt  }
0x47: {  	_ =	shalt  }
0x48: {  	_ =	shalt  }
0x49: {  	_ =	shalt  }
0x4a: {  	_ =	shalt  }
0x4b: {  	_ =	shalt  }
0x4c: {  	_ =	shalt  }
0x4d: {  	_ =	shalt  }
0x4e: {  	_ =	shalt  }
0x4f: {  	_ =	shalt  }
0x50: {  	_ =	shalt  }
0x51: {  	_ =	shalt  }
0x52: {  	_ =	shalt  }
0x53: {  	_ =	shalt  }
0x54: {  	_ =	shalt  }
0x55: {  	_ =	shalt  }
0x56: {  	_ =	shalt  }
0x57: {  	_ =	shalt  }
0x58: {  	_ =	shalt  }
0x59: {  	_ =	shalt  }
0x5a: {  	_ =	shalt  }
0x5b: {  	_ =	shalt  }
0x5c: {  	_ =	shalt  }
0x5d: {  	_ =	shalt  }
0x5e: {  	_ =	shalt  }
0x5f: {  	_ =	shalt  }
0x60: {  	_ =	shalt  }
0x61: {  	_ =	shalt  }
0x62: {  	_ =	shalt  }
0x63: {  	_ =	shalt  }
0x64: {  	_ =	shalt  }
0x65: {  	_ =	shalt  }
0x66: {  	_ =	shalt  }
0x67: {  	_ =	shalt  }
0x68: {  	_ =	shalt  }
0x69: {  	_ =	shalt  }
0x6a: {  	_ =	shalt  }
0x6b: {  	_ =	shalt  }
0x6c: {  	_ =	shalt  }
0x6d: {  	_ =	shalt  }
0x6e: {  	_ =	shalt  }
0x6f: {  	_ =	shalt  }
0x70: {  	_ =	shalt  }
0x71: {  	_ =	shalt  }
0x72: {  	_ =	shalt  }
0x73: {  	_ =	shalt  }
0x74: {  	_ =	shalt  }
0x75: {  	_ =	shalt  }
0x76: {  	_ =	shalt  }
0x77: {  	_ =	shalt  }
0x78: {  	_ =	shalt  }
0x79: {  	_ =	shalt  }
0x7a: {  	_ =	shalt  }
0x7b: {  	_ =	shalt  }
0x7c: {  	_ =	shalt  }
0x7d: {  	_ =	shalt  }
0x7e: {  	_ =	shalt  }
0x7f: {  	_ =	shalt  }
0x80: {  	_ =	shalt  }
0x81: {  	_ =	shalt  }
0x82: {  	_ =	shalt  }
0x83: {  	_ =	shalt  }
0x84: {  	_ =	shalt  }
0x85: {  	_ =	shalt  }
0x86: {  	_ =	shalt  }
0x87: {  	_ =	shalt  }
.Lfunc_end0:
.L_simem_size_0:
called_computation.3_lowered:
.L_overlay_start_0:
0x88: {  	s2 =	sld [smem:$0x3FD9]  }
0x89: {  	s3 =	sld [smem:$0x3FFE];
	_ =	sdelay $0x1  }
0x8a: {  	s1 =	srdreg.scid  }
0x8b: {  	s0 =	sand.u32 $0x1, s1  }
0x8c: {  	s14 =	sshll.u32 s0, $0xA;
	s2 =	sadd.s32 s3, s2  }
0x8d: {  	s2 =	sadd.s32 s2, s14  }
0x8e: {  	[smem:$0x3FBE] =	sst s2  }
0x8f: {  	_ = 	snop  }
0x90: {  	s2 =	sld [smem:$0x3FD0];
	_ =	sdelay $0x2  }
0x91: {  	s15 =	simm.s32 $0xA;
	s4 =	simm.s32 $0x10  }
0x92: {  	[smem:s4], [sflag:s15] =	dma.local [hbm:s2], $0x1  }
0x93: {  	_ =	swait.eq [sflag:s15], $0x1  }
0x94: {  	[sflag:s15] =	ssyncset.done $0x0  }
0x95: {  	s16 =	sld [smem:$0x10];
	[sflag:s15] =	ssyncadd.s32 $0xFFFFFFFF  }
0x96: {  	s17 =	sld [smem:$0x11];
	(tm) =	ssettm $0x1  }
0x97: {  	s18 =	sld [smem:$0x3FFB];
	_ =	sdelay $0x3  }
0x98: {  	_ =	strace s18  }
0x99: {  	s4 =	sld [smem:$0x3FFC];
	_ =	sdelay $0x3  }
0x9a: {  	_ =	strace s4  }
0x9b: {  	s4 =	sld [smem:$0x3FFD];
	_ =	sdelay $0x3  }
0x9c: {  	_ =	strace s4  }
0x9d: {  	_ =	strace $0x8FFFFFFF  }
0x9e: {  	s19 =	sld [smem:$0x3FDB];
	_ =	sdelay $0x1  }
0x9f: {  	s5 =	simm.s32 $_scs_section_size  }
0xa0: {  	s6 =	simm.s32 $_size__tile_overlayer_lowered;
	s7 =	simm.s32 $_tile_overlayer_lowered  }
0xa1: {  	s22 =	simm.s32 $0x1BFF;
	s21 =	sshll.u32 s7, $0x1;
	s4 =	sadd.s32 s5, s19  }
0xa2: {  	s8 =	simm.s32 $0x0;
	s20 =	sshll.u32 s6, $0x1;
	s6 =	sadd.s32 s21, s4  }
0xa3: {  	[timem:s8], [sflag:s22] =	dma.local [hbm:s6], s20  }
0xa4: {  	_ =	swait.ge [sflag:s22], s20  }
0xa5: {  	s5 =	ssub.s32 $0x0, s20;
	[sflag:s22] =	ssyncset.done $0x0  }
0xa6: {  	[sflag:s22] =	ssyncadd.s32 s5;
	_ =	sdelay $0x1  }
0xa7: {  	s23 =	simm.s32 $0x1B8B  }
0xa8: {  	_ =	swait.ge [sflag:s23], $0x1  }
0xa9: {  	[sflag:s23] =	ssyncset.done $0x0  }
0xaa: {  	s25 =	simm.s32 $0x1B8E;
	s24 =	sld [smem:$0x3FFE];
	[sflag:s23] =	ssyncadd.s32 $0xFFFFFFFF  }
0xab: {  	s26 =	simm.s32 $execute0_lowered;
	[smem:$0x3FD2] =	sst s25  }
0xac: {  	s6 =	sshll.u32 s26, $0x1;
	_ =	strace $0x8000004F;
	[dreg:$0x1] =	wrdreg $0xFFFFFFFF  }
0xad: {  	s28 =	simm.s32 $_size_execute0_lowered;
	s4 =	sadd.s32 s4, s6;
	[dreg:$0x0] =	wrdreg $0x0  }
0xae: {  	s6 =	sshll.u32 s28, $0x1;
	[dreg:$0x2] =	wrdreg s4  }
0xaf: {  	[dreg:$0x3] =	wrdreg s6  }
0xb0: {  	[dreg:$0x4] =	wrdreg $0xC0  }
0xb1: {  	_ =	task [dreg:s8], $0x5FFFF  }
0xb2: {  	[dreg:$0x1] =	wrdreg $0xFFFFFFFF  }
0xb3: {  	[dreg:$0x0] =	wrdreg $0x60  }
0xb4: {  	[dreg:$0x2] =	wrdreg s17  }
0xb5: {  	[dreg:$0x3] =	wrdreg s24  }
0xb6: {  	[dreg:$0x4] =	wrdreg s16  }
0xb7: {  	[dreg:$0x5] =	wrdreg $0xBF800  }
0xb8: {  	[dreg:$0x6] =	wrdreg $0x9  }
0xb9: {  	_ =	task.clear_ibuf [dreg:s8], $0x7FFFF;
	_ =	strace $0x9000004F  }
0xba: {  	s29 =	simm.s32 $0x9;
	_ =	strace $0x80000051  }
0xbb: {  	_ =	swait.ge [sflag:s29], $0x1  }
0xbc: {  	[sflag:s29] =	ssyncadd.s32 $0xFFFFFFFF  }
0xbd: {  	_ =	strace $0x90000051  }
0xbe: {  	_ =	sfence  }
0xbf: {  	s30 =	sld [smem:$0x0];
	_ =	sdelay $0x2  }
0xc0: {  	s31 =	sshll.u32 s1, $0xD;
	s1 =	sshrl.u32 s1, $0x2  }
0xc1: {  	s3 =	sand.u32 $0x4000, s31;
	s1 =	sadd.s32 s1, s30  }
0xc2: {  	s0 =	sor.u32 s3, s0;
	s1 =	sshll.u32 s1, $0x11  }
0xc3: {  	s0 =	sor.u32 s1, s0  }
0xc4: {  	s0 =	sadd.s32 $0x8F2B, s0  }
0xc5: {  	[sflag:s0] =	ssyncadd.remote.s32 $0x1  }
0xc6: {  	_ =	sfence.sel $0xFFFF  }
0xc7: {  	[dreg:$0x0] =	wrdreg $0xFFFFFFFF;
	(pc) =	sbr.abs _section_cstart, $3  }
0xc8: {  	[dreg:$0x1] =	wrdreg $0xFFFFFFFF  }
0xc9: {  	_ =	task.clear_ibuf [dreg:s8], $0x2FFFF;
	_ =	strace $0x9FFFFFFF  }
0xca: {  	(tm) =	ssettm $0x7FFFFFFF  }
0xcb: {  	_ =	shalt  }
tec
execute0_lowered:
.L_overlay_start_1:
0x0: {  	(tag) =	ssettag $0x1  }
0x1: {  	s1 =	rddreg [dreg:$0x0]  }
0x2: {  	s5 =	rddreg [dreg:$0x1]  }
0x3: {  	s2 =	srdreg.scid;
	s8 =	rddreg [dreg:$0x2]  }
0x4: {  	s0 =	stileid.u32;
	s3 =	rddreg [dreg:$0x3];
	s14 =	simm.s32 $0x400  }
0x5: {  	s15 =	simm.s32 $0x2780;
	s16 =	simm.s32 $0x60;
	s17 =	simm.s32 $0x5F80  }
0x6: {  	s18 =	simm.s32 $0x8F80;
	s19 =	simm.s32 $0x1;
	s20 =	simm.s32 $0x2  }
0x7: {  	s21 =	simm.s32 $0x5A80;
	s22 =	simm.s32 $0x2700;
	s23 =	simm.s32 $0x5B00  }
0x8: {  	s24 =	simm.s32 $0x5B80;
	s25 =	simm.s32 $0x0;
	s6 =	sand.u32 $0x1, s2  }
0x9: {  	s26 =	sshll.u32 s0, $0x1;
	s4 =	sshrl.u32 s0, $0x2;
	s11 =	smul.u32 $0x14000, s0  }
0xa: {  	s2 =	rddreg [dreg:$0x4];
	s12 =	smul.u32 $0x50000, s0;
	s30 =	sshll.u32 s0, $0x6  }
0xb: {  	s7 =	sor.u32 s6, s26;
	s9 =	smul.u32 $0x13C00, s4;
	s4 =	simm.s32 $0x0  }
0xc: {  	s28 =	smul.u32 $0x140000, s6;
	s6 =	ssub.s32 $0x2, s6;
	s10 =	sshll.u32 s7, $0x7  }
0xd: {  	[smem:$0x7FF] =	sst s4;
	s13 =	sshrl.u32 s6, $0x1;
	s12 =	sshrl.u32 s12, $0x2  }
0xe: {  	s29 =	sshrl.u32 s11, $0x3;
	s31 =	smul.u32 $0x700, s7;
	s10 =	sand.u32 $0x380, s10  }
0xf: {  	_ =	strace $0x80000050;
	s13 =	ssub.s32 s6, s13;
	s12 =	sadd.s32 s12, s3  }
0x10: {  	s6 =	sor.u32 $0x1C03, s30;
	s9 =	sor.u32 s9, s10;
	s10 =	sadd.s32 s11, s28  }
0x11: {  	s8 =	sadd.s32 s8, s31;
	s11 =	sshrl.u32 s12, $0x3;
	s9 =	sshrl.u32 s9, $0x3  }
0x12: {  	s12 =	simm.s32 $0x3;
	s10 =	sshrl.u32 s10, $0x3;
	s9 =	sadd.s32 s9, s5  }
0x13: {  	s10 =	sadd.s32 s10, s5;
	s5 =	sadd.s32 s1, s29;
	s7 =	sadd.s32 $0x5600, s9  }
0x14: {  	s9 =	sadd.s32 $0x5F400, s10;
	s10 =	smax.u32 s13, $0x1;
	s13 =	simm.s32 $0x80  }
.LBB2_1:
0x15: {  	[spmem:s11], [sflag:s6] =	dma.local [hbm:s5], $0x2800  }
0x16: {  	_ =	swait.ge [sflag:s12], $0x2800  }
0x17: {  	[sflag:s12] =	ssyncset.done $0x0  }
0x18: {  	[sflag:s12] =	ssyncadd.s32 $0xFFFFD800  }
0x19: {  	[tilespmem:s4], [sflag:$0x3] =	stream.strided.gather [hbm4b:s7+s13], $0x2780, s14, s13, $0x38;
	[tilespmem:$0x1FF80] =	vst v63  }
0x1a: {  	_ =	swait.ge [sflag:s12], $0x2780  }
0x1b: {  	[sflag:s12] =	ssyncset.done $0x0  }
0x1c: {  	[sflag:s12] =	ssyncadd.s32 $0xFFFFD880  }
0x1d: {  	[tilespmem:s15], [sflag:$0x3] =	stream.linear.gather [hbm4b:s8+s4], $0x3480, $0x38;
	[tilespmem:$0x1FF80] =	vst v63  }
0x1e: {  	_ =	swait.ge [sflag:s12], $0x3480  }
0x1f: {  	[sflag:s12] =	ssyncset.done $0x0  }
0x20: {  	[sflag:s12] =	ssyncadd.s32 $0xFFFFCB80  }
0x21: {  	[bflag:$0x0] =	sbarrier.arrive $0xFFFF  }
0x22: {  	[tilespmem:s17], [sflag:$0x1] =	stream.indirect.gather [hbm4b:s1+s16], $0x80, s4, s16, $0xb8;
	[tilespmem:$0x1FF80] =	vst v63  }
0x23: {  	_ = 	snop  }
0x24: {  	[tilespmem:s18], [sflag:$0x2] =	stream.indirect.gather [hbm4b:s1+s16], $0x80, s16, s16, $0xb8;
	[tilespmem:$0x1FF80] =	vst v63  }
0x25: {  	_ =	swait.ge [sflag:s19], $0x3000  }
0x26: {  	[sflag:s19] =	ssyncset.done $0x0  }
0x27: {  	s26 =	simm.s32 $0x2780;
	[sflag:s19] =	ssyncadd.s32 $0xFFFFD000  }
0x28: {  	[spmem:s3] =	stream.indirect.scatter.add.f32 [tilespmem:s17], [sflag:$0x3], $0x80, s26, s16, $0xb8;
	[tilespmem:$0x1FF80] =	vst v63  }
0x29: {  	_ =	swait.ge [sflag:s12], $0x3000  }
0x2a: {  	[sflag:s12] =	ssyncset.done $0x0  }
0x2b: {  	s30 =	simm.s32 $0xC0;
	[sflag:s12] =	ssyncadd.s32 $0xFFFFD000  }
0x2c: {  	[tilespmem:s17], [sflag:$0x1] =	stream.indirect.gather [hbm4b:s1+s16], $0x80, s30, s16, $0xb8;
	[tilespmem:$0x1FF80] =	vst v63  }
0x2d: {  	_ =	swait.ge [sflag:s20], $0x3000  }
0x2e: {  	[sflag:s20] =	ssyncset.done $0x0  }
0x2f: {  	s31 =	simm.s32 $0x2800;
	[sflag:s20] =	ssyncadd.s32 $0xFFFFD000  }
0x30: {  	[spmem:s3] =	stream.indirect.scatter.add.f32 [tilespmem:s18], [sflag:$0x3], $0x80, s31, s16, $0xb8;
	[tilespmem:$0x1FF80] =	vst v63  }
0x31: {  	_ =	swait.ge [sflag:s12], $0x3000  }
0x32: {  	s28 =	simm.s32 $0x400;
	[sflag:s12] =	ssyncset.done $0x0  }
0x33: {  	s29 =	simm.s32 $0x1E0;
	s26 =	simm.s32 $0x120;
	[sflag:s12] =	ssyncadd.s32 $0xFFFFD000  }
.LBB2_2:
0x34: {  	[tilespmem:s18], [sflag:$0x2] =	stream.indirect.gather [hbm4b:s1+s16], $0x80, s26, s16, $0xb8;
	[tilespmem:$0x1FF80] =	vst v63  }
0x35: {  	s30 =	smov.u32 s28;
	s26 =	smov.u32 s29  }
0x36: {  	p0 =	sne.s32 s28, $0xC800;
	s28 =	sadd.s32 $0x400, s28;
	_ =	swait.ge [sflag:s19], $0x3000  }
0x37: {  	s30 =	sshra.s32 s30, $0x2;
	[sflag:s19] =	ssyncset.done $0x0  }
0x38: {  	s31 =	sadd.s32 $0x2780, s30;
	[sflag:s19] =	ssyncadd.s32 $0xFFFFD000  }
0x39: {  	[spmem:s3] =	stream.indirect.scatter.add.f32 [tilespmem:s17], [sflag:$0x3], $0x80, s31, s16, $0xb8;
	[tilespmem:$0x1FF80] =	vst v63  }
0x3a: {  	_ =	swait.ge [sflag:s12], $0x3000  }
0x3b: {  	[sflag:s12] =	ssyncset.done $0x0  }
0x3c: {  	s31 =	sadd.s32 $0xFFFFFFA0, s29;
	[sflag:s12] =	ssyncadd.s32 $0xFFFFD000  }
0x3d: {  	[tilespmem:s17], [sflag:$0x1] =	stream.indirect.gather [hbm4b:s1+s16], $0x80, s31, s16, $0xb8;
	[tilespmem:$0x1FF80] =	vst v63  }
0x3e: {  	_ =	swait.ge [sflag:s20], $0x3000  }
0x3f: {  	[sflag:s20] =	ssyncset.done $0x0  }
.Ltmp0:
0x40: {  	s30 =	sadd.s32 $0x2800, s30;
	[sflag:s20] =	ssyncadd.s32 $0xFFFFD000;
	(pc) =	sbr.rel @p0 .LBB2_2-.Ltmp0, $4  }
0x41: {  	[spmem:s3] =	stream.indirect.scatter.add.f32 [tilespmem:s18], [sflag:$0x3], $0x80, s30, s16, $0xb8;
	[tilespmem:$0x1FF80] =	vst v63  }
0x42: {  	_ =	swait.ge [sflag:s12], $0x3000  }
0x43: {  	[sflag:s12] =	ssyncset.done $0x0  }
0x44: {  	s29 =	sadd.s32 $0xC0, s29;
	[sflag:s12] =	ssyncadd.s32 $0xFFFFD000  }
0x45: {  	[tilespmem:s18], [sflag:$0x2] =	stream.indirect.gather [hbm4b:s1+s16], $0x80, s26, s16, $0xb8;
	[tilespmem:$0x1FF80] =	vst v63  }
0x46: {  	_ =	swait.ge [sflag:s19], $0x3000  }
0x47: {  	[sflag:s19] =	ssyncset.done $0x0  }
0x48: {  	[sflag:s19] =	ssyncadd.s32 $0xFFFFD000  }
0x49: {  	[spmem:s3] =	stream.indirect.scatter.add.f32 [tilespmem:s17], [sflag:$0x3], $0x80, s21, s16, $0xb8;
	[tilespmem:$0x1FF80] =	vst v63  }
0x4a: {  	_ =	swait.ge [sflag:s12], $0x3000  }
0x4b: {  	[sflag:s12] =	ssyncset.done $0x0  }
0x4c: {  	[sflag:s12] =	ssyncadd.s32 $0xFFFFD000  }
0x4d: {  	[tilespmem:s17], [sflag:$0x1] =	stream.indirect.gather [hbm4b:s1+s16], $0x80, s22, s16, $0xb8;
	[tilespmem:$0x1FF80] =	vst v63  }
0x4e: {  	_ =	swait.ge [sflag:s20], $0x3000  }
0x4f: {  	[sflag:s20] =	ssyncset.done $0x0  }
0x50: {  	[sflag:s20] =	ssyncadd.s32 $0xFFFFD000  }
0x51: {  	[spmem:s3] =	stream.indirect.scatter.add.f32 [tilespmem:s18], [sflag:$0x3], $0x80, s23, s16, $0xb8;
	[tilespmem:$0x1FF80] =	vst v63  }
0x52: {  	_ =	swait.ge [sflag:s12], $0x3000  }
0x53: {  	[sflag:s12] =	ssyncset.done $0x0  }
0x54: {  	[sflag:s12] =	ssyncadd.s32 $0xFFFFD000  }
0x55: {  	_ =	swait.ge [sflag:s19], $0x3000  }
0x56: {  	[sflag:s19] =	ssyncset.done $0x0  }
0x57: {  	[sflag:s19] =	ssyncadd.s32 $0xFFFFD000  }
0x58: {  	[spmem:s3] =	stream.indirect.scatter.add.f32 [tilespmem:s17], [sflag:$0x3], $0x80, s24, s16, $0xb8;
	[tilespmem:$0x1FF80] =	vst v63  }
0x59: {  	_ =	swait.ge [sflag:s12], $0x3000  }
0x5a: {  	s25 =	sadd.s32 $0x1, s25;
	[sflag:s12] =	ssyncset.done $0x0  }
0x5b: {  	p0 =	sne.s32 s25, s10;
	[sflag:s12] =	ssyncadd.s32 $0xFFFFD000  }
.Ltmp1:
0x5c: {  	[bflag:$0x0] =	sbarrier.arrive $0xFFFF;
	(pc) =	sbr.rel @p0 .LBB2_1-.Ltmp1, $4  }
0x5d: {  	[hbm:s9], [sflag:s6] =	dma.local [spmem:s11], $0x2800  }
0x5e: {  	_ =	swait.ge [sflag:s12], $0x2800  }
0x5f: {  	[sflag:s12] =	ssyncset.done $0x0  }
0x60: {  	[sflag:s12] =	ssyncadd.s32 $0xFFFFD800  }
0x61: {  	_ =	sfence.sel $0x180000  }
0x62: {  	[bflag:$0x0] =	sbarrier.arrive $0xFFFF  }
0x63: {  	p0 =	sne.s32 s0, $0x0;
	_ =	strace $0x90000050  }
0x64: {  	s0 =	sadd.s32 @!p0 $0x100000, s2;
	[bflag:$0x2] =	sbarrier.arrive $0xFFFF  }
0x65: {  	[sflag:s0] =	ssyncadd.tile.s32 @!p0 $0x1;
	_ =	shalt  }
.Lfunc_end2:
_tile_overlayer_lowered:
.L_overlay_start_2:
0x66: {  	(tag) =	ssettag $0x2  }
0x67: {  	s0 =	rddreg [dreg:$0x0];
	s2 =	stileid.u32  }
0x68: {  	s1 =	rddreg [dreg:$0x1];
	p0 =	sne.s32 s2, $0x0  }
0x69: {  	s3 =	rddreg [dreg:$0x2];
	[bflag:$0x3] =	sbarrier.arrive $0xFFFF;
	s2 =	simm.s32 @!p0 $0x1C03  }
0x6a: {  	[timem:s3], [sflag:s2] =	dma.local @!p0 [hbm:s0], s1  }
0x6b: {  	s0 =	simm.s32 @!p0 $0x3  }
0x6c: {  	_ =	swait.ge @!p0 [sflag:s0], s1  }
0x6d: {  	s1 =	ssub.s32 @!p0 $0x0, s1;
	[sflag:s0] =	ssyncset.done @!p0 $0x0  }
0x6e: {  	[sflag:s0] =	ssyncadd.s32 @!p0 s1  }
0x6f: {  	[bflag:$0x3] =	sbarrier.arrive $0xFFFF  }
0x70: {  	_ =	shalt  }

</sc_bundles>
